<compile_context>
chip_gen: v7x
topology: tpu7x:2x2x1
jax: 0.10.2.dev20260603
libtpu: 0.0.44.dev20260713+nightly
codegen_flags: <defaults>
</compile_context>

<pallas_src>
import functools

import jax
import jax.numpy as jnp
from jax import lax
from jax.experimental import pallas as pl
from jax.experimental.pallas import tpu as pltpu
from jax.experimental.pallas import tpu_sc as plsc

F = 26
V = 100000
D = 16
B = 16384
FD = F * D
NCB = 4
PK = 512
H1, H2, H3 = 512, 256, 128
OUT = 128

NC = 2
NS = 16
NW = NC * NS
BPW = B // NW
SUB = 128
NSUB = BPW // SUB


def _gather_body(nf, nslab, idx_hbm, tbl_hbm, out_hbm, idx_v, eidx_v, colr_v,
                 zero_v, sem):
    wid = lax.axis_index("s") * NC + lax.axis_index("c")
    pltpu.sync_copy(idx_hbm.at[:, pl.ds(wid * NSUB, NSUB), :], idx_v)

    if nf < nslab * 8:
        def z_body(i, _):
            zero_v[i // (BPW // D), pl.ds((i % (BPW // D)) * D, D)] = (
                jnp.zeros((D,), jnp.float32))
            return 0

        lax.fori_loop(0, D * (BPW // D), z_body, 0)
        for pf in range(nf, nslab * 8):
            pltpu.sync_copy(
                zero_v,
                out_hbm.at[nslab - 1, pl.ds((pf % 8) * D, D),
                           pl.ds(wid * BPW, BPW)],
            )

    def f_body(f, _):
        def build(d, _):
            base = (f * D + d) * V
            for c in range(NSUB):
                for kk in range(SUB // D):
                    sl = pl.ds(kk * D, D)
                    eidx_v[d * NSUB + c, sl] = idx_v[f, c, sl] + base
            return 0

        lax.fori_loop(0, D, build, 0)

        def s_body(i, _):
            for k in range(D):
                pltpu.async_copy(
                    tbl_hbm.at[eidx_v.at[i * D + k]],
                    colr_v.at[i * NSUB + k // NSUB, pl.ds((k % NSUB) * SUB, SUB)],
                    sem,
                )

            @pl.when(i >= 1)
            def _():
                pltpu.make_async_copy(
                    out_hbm.at[0, pl.ds(0, D), pl.ds(0, SUB)],
                    colr_v.at[:, pl.ds(0, SUB)],
                    sem,
                ).wait()

            return 0

        lax.fori_loop(0, NSUB, s_body, 0)
        pltpu.make_async_copy(
            out_hbm.at[0, pl.ds(0, D), pl.ds(0, SUB)],
            colr_v.at[:, pl.ds(0, SUB)],
            sem,
        ).wait()
        pltpu.sync_copy(
            colr_v,
            out_hbm.at[f // 8, pl.ds((f % 8) * D, D), pl.ds(wid * BPW, BPW)],
        )
        return 0

    lax.fori_loop(0, nf, f_body, 0)


@functools.cache
def _get_gather(nf):
    nslab = (nf + 7) // 8

    @functools.partial(
        pl.kernel,
        out_type=jax.ShapeDtypeStruct((nslab, 128, B), jnp.float32),
        mesh=plsc.VectorSubcoreMesh(core_axis_name="c", subcore_axis_name="s"),
        scratch_types=[
            pltpu.VMEM((nf, NSUB, SUB), jnp.int32),
            pltpu.VMEM((D * NSUB, SUB), jnp.int32),
            pltpu.VMEM((D, BPW), jnp.float32),
            pltpu.VMEM((D, BPW), jnp.float32),
            pltpu.SemaphoreType.DMA,
        ],
        compiler_params=pltpu.CompilerParams(use_tc_tiling_on_sc=False),
    )
    def _gather(idx_hbm, tbl_hbm, out_hbm, idx_v, eidx_v, colr_v, zero_v, sem):
        _gather_body(nf, nslab, idx_hbm, tbl_hbm, out_hbm, idx_v, eidx_v,
                     colr_v, zero_v, sem)

    return _gather


BM = 1024


def _mlp_body(xa_ref, xb_ref, w1_ref, b1_ref, w2_ref, b2_ref, w3_ref, b3_ref,
              wt_ref, wb_ref, bo_ref, s_ref, o_ref):
    xt = jnp.concatenate(
        [xa_ref[0], xa_ref[1], xb_ref[0], xb_ref[1]], axis=0)
    h = jnp.maximum(jnp.dot(w1_ref[...], xt, preferred_element_type=jnp.float32)
                    + b1_ref[...], 0.0)
    h = jnp.maximum(jnp.dot(w2_ref[...], h, preferred_element_type=jnp.float32)
                    + b2_ref[...], 0.0)
    h = jnp.maximum(jnp.dot(w3_ref[...], h, preferred_element_type=jnp.float32)
                    + b3_ref[...], 0.0)
    st = jnp.dot(s_ref[...], xt, preferred_element_type=jnp.float32)
    qt = jnp.dot(s_ref[...], xt * xt, preferred_element_type=jnp.float32)
    fmt = (st * st - qt) * (0.5 / F)
    ot = (jnp.dot(wt_ref[...], h, preferred_element_type=jnp.float32)
          + jnp.dot(wb_ref[...], fmt, preferred_element_type=jnp.float32)
          + bo_ref[...])
    o_ref[...] = ot.T


def _mlp(xa, xb, W1t, b1, W2t, b2, W3t, b3, Wtt, Wbt, bo, St):
    full = lambda shape: pl.BlockSpec(shape, lambda i: (0,) * len(shape))
    return pl.pallas_call(
        _mlp_body,
        grid=(B // BM,),
        in_specs=[
            pl.BlockSpec((2, 128, BM), lambda i: (0, 0, i)),
            pl.BlockSpec((2, 128, BM), lambda i: (0, 0, i)),
            full((H1, PK)), full((H1, 1)),
            full((H2, H1)), full((H2, 1)),
            full((H3, H2)), full((H3, 1)),
            full((OUT, H3)), full((OUT, D)), full((OUT, 1)),
            full((D, PK)),
        ],
        out_specs=pl.BlockSpec((BM, OUT), lambda i: (i, 0)),
        out_shape=jax.ShapeDtypeStruct((B, OUT), jnp.float32),
    )(xa, xb, W1t, b1, W2t, b2, W3t, b3, Wtt, Wbt, bo, St)


FSPLIT = 16


def kernel(indices, tables, W1, b1, W2, b2, W3, b3, Wo, bo):
    idx3 = indices.astype(jnp.int32).T.reshape(F, B // SUB, SUB)
    tables_t = jnp.transpose(tables, (0, 2, 1))
    tbl_a = tables_t[:FSPLIT].reshape(FSPLIT * D * V)
    tbl_b = tables_t[FSPLIT:].reshape((F - FSPLIT) * D * V)
    xa = _get_gather(FSPLIT)(idx3[:FSPLIT], tbl_a)
    xb = _get_gather(F - FSPLIT)(idx3[FSPLIT:], tbl_b)
    pad = jnp.zeros((H1, PK - FD), jnp.float32)
    W1t = jnp.concatenate([W1.T, pad], axis=1)
    St = jnp.concatenate(
        [jnp.tile(jnp.eye(D, dtype=jnp.float32), (1, F)),
         jnp.zeros((D, PK - FD), jnp.float32)], axis=1)
    return _mlp(xa, xb, W1t, b1.reshape(H1, 1), W2.T, b2.reshape(H2, 1),
                W3.T, b3.reshape(H3, 1), Wo[:H3].T, Wo[H3:].T,
                bo.reshape(OUT, 1), St)

# --- scband reference (transcript-rebuilt; emitter-appended) ---
"""Pipeline reference for scband-deep-fmbackbone-65163243815621 (READ-ONLY COPY).

The authoritative reference and input builder live on the scoring server;
editing this copy changes nothing except your own understanding.
"""

import jax, jax.numpy as jnp
import numpy as np

F = 26      # n_sparse_fields
V = 100000  # num_embeddings per field
D = 16      # embedding_dim
B = 16384   # batch
HID = [512, 256, 128]
OUT = 128


def setup_inputs(seed: int = 0) -> dict:
    key = jax.random.key(seed)
    ks = jax.random.split(key, 10)
    indices = jax.random.randint(ks[0], (B, F), 0, V)
    # stacked per-field embedding tables (FeatureEmbedding), N(0, 0.01^2)-style init
    tables = jax.random.normal(ks[1], (F, V, D), dtype=jnp.float32) * 0.01
    dims = [F * D] + HID
    inp = {"indices": indices, "tables": tables}
    for i in range(3):
        fan_in = dims[i]
        inp[f"W{i+1}"] = jax.random.normal(ks[2 + i], (dims[i], dims[i + 1]), dtype=jnp.float32) * (1.0 / np.sqrt(fan_in))
        inp[f"b{i+1}"] = jnp.zeros((dims[i + 1],), dtype=jnp.float32)
    final_in = HID[-1] + D  # deep_out_dim + fm_dim
    inp["Wo"] = jax.random.normal(ks[5], (final_in, OUT), dtype=jnp.float32) * (1.0 / np.sqrt(final_in))
    inp["bo"] = jnp.zeros((OUT,), dtype=jnp.float32)
    return inp


def reference(indices, tables, W1, b1, W2, b2, W3, b3, Wo, bo):
    # FeatureEmbedding: per-field lookup (EmbeddingBag mean with bag size 1 == plain gather)
    emb = tables[jnp.arange(F)[None, :], indices]  # [B, F, D]
    emb_concat = emb.reshape(B, F * D)
    # deep MLP (relu, no bn, dropout=0 in eval)
    h = jnp.maximum(emb_concat @ W1 + b1, 0.0)
    h = jnp.maximum(h @ W2 + b2, 0.0)
    deep_h = jnp.maximum(h @ W3 + b3, 0.0)
    # FM second-order interaction vector (no projection; all dims equal)
    sum_emb = emb.sum(axis=1)                    # [B, D]
    sum_square = sum_emb * sum_emb
    square_sum = (emb * emb).sum(axis=1)
    fm_vec = 0.5 * (sum_square - square_sum) / float(F)
    # legacy pseudo-DeepFM head: concat -> out_proj
    h_cat = jnp.concatenate([deep_h, fm_vec], axis=1)
    h_out = h_cat @ Wo + bo
    return h_out

if __name__ == "__main__":
    import jax
    _d = setup_inputs()
    print(jax.jit(kernel)(*tuple(_d.values())))

</pallas_src>

<mosaic_0001>
#map = affine_map<(d0, d1) -> (0, 0, 0)>
#map1 = affine_map<(d0, d1) -> (0)>
module attributes {stable_mosaic.version = 14 : i64} {
  func.func @_gather(%arg0: i32, %arg1: i32, %arg2: memref<10x128x128xi32, #tpu.memory_space<hbm>>, %arg3: memref<16000000xf32, #tpu.memory_space<hbm>>, %arg4: memref<2x128x16384xf32, #tpu.memory_space<hbm>>, %arg5: memref<10x4x128xi32, #tpu.memory_space<vmem>>, %arg6: memref<64x128xi32, #tpu.memory_space<vmem>>, %arg7: memref<16x512xf32, #tpu.memory_space<vmem>>, %arg8: memref<16x512xf32, #tpu.memory_space<vmem>>, %arg9: memref<!tpu.dma_semaphore, #tpu.memory_space<semaphore_mem>>) attributes {dimension_semantics = [#tpu.dimension_semantics<core_parallel>, #tpu.dimension_semantics<subcore_parallel>], iteration_bounds = array<i64: 2, 16>, scalar_prefetch = 0 : i64, scratch_operands = 5 : i64, tpu.core_type = #tpu.core_type<sc_vector_subcore>, window_params = [{transform_indices = #map}, {transform_indices = #map1}, {transform_indices = #map}]} {
    %mul3A = arith.constant 2 : i32
    %mul3A_0 = arith.muli %arg1, %mul3A : i32
    %add3A = arith.addi %mul3A_0, %arg0 : i32
    %mul3A_1 = arith.constant 4 : i32
    %mul3A_2 = arith.muli %add3A, %mul3A_1 : i32
    "tpu.region"() ({
      %run_scoped3A_33 = tpu.sem_alloc : memref<!tpu.dma_semaphore, #tpu.memory_space<semaphore_mem>>
      %dma_start3A = arith.constant 0 : i32
      %dma_start3A_34 = arith.constant 0 : i32
      %dma_start3A_35 = tpu.memref_slice %arg2[%dma_start3A, %mul3A_2, %dma_start3A_34] : memref<10x128x128xi32, #tpu.memory_space<hbm>> -> memref<10x4x128xi32, #tpu.memory_space<hbm>>
      %dma_start3A_36 = arith.constant 0 : i32
      %dma_start3A_37 = arith.constant 0 : i32
      %dma_start3A_38 = tpu.memref_slice %arg2[%dma_start3A_36, %mul3A_2, %dma_start3A_37] : memref<10x128x128xi32, #tpu.memory_space<hbm>> -> memref<10x4x128xi32, #tpu.memory_space<hbm>>
      tpu.enqueue_dma source(%dma_start3A_38 : memref<10x4x128xi32, #tpu.memory_space<hbm>>) target(%arg5 : memref<10x4x128xi32, #tpu.memory_space<vmem>>) target_semaphore(%run_scoped3A_33 : memref<!tpu.dma_semaphore, #tpu.memory_space<semaphore_mem>>)
      %dma_wait3A = arith.constant 0 : i32
      %dma_wait3A_39 = arith.constant 0 : i32
      %dma_wait3A_40 = tpu.memref_slice %arg2[%dma_wait3A, %mul3A_2, %dma_wait3A_39] : memref<10x128x128xi32, #tpu.memory_space<hbm>> -> memref<10x4x128xi32, #tpu.memory_space<hbm>>
      %dma_wait3A_41 = arith.constant 0 : i32
      %dma_wait3A_42 = arith.constant 0 : i32
      %dma_wait3A_43 = tpu.memref_slice %arg2[%dma_wait3A_41, %mul3A_2, %dma_wait3A_42] : memref<10x128x128xi32, #tpu.memory_space<hbm>> -> memref<10x4x128xi32, #tpu.memory_space<hbm>>
      tpu.wait_dma2 semaphore(%run_scoped3A_33 : memref<!tpu.dma_semaphore, #tpu.memory_space<semaphore_mem>>) src(%dma_wait3A_43 : memref<10x4x128xi32, #tpu.memory_space<hbm>>) dst(%arg5 : memref<10x4x128xi32, #tpu.memory_space<vmem>>)
      tpu.yield
    }) : () -> ()
    %scan3A = arith.constant 0 : i32
    %scan3A_3 = arith.constant 0 : i32
    %scan3A_4 = arith.constant 512 : i32
    %scan3A_5 = arith.addi %scan3A_3, %scan3A_4 : i32
    %scan3A_6 = arith.constant 1 : i32
    %scan3A_7 = scf.for %scan3A_33 = %scan3A_3 to %scan3A_5 step %scan3A_6 iter_args(%scan3A_34 = %scan3A) -> (i32)  : i32 {
      %broadcast_in_dim3A = arith.constant 0.000000e+00 : f32
      %broadcast_in_dim3A_35 = vector.broadcast %broadcast_in_dim3A : f32 to vector<16xf32>
      %jit3A = arith.constant 32 : i32
      %div3A = arith.divsi %scan3A_33, %jit3A : i32
      %sign3A = arith.constant 0 : i32
      %sign3A_36 = arith.cmpi sgt, %scan3A_33, %sign3A : i32
      %sign3A_37 = arith.extui %sign3A_36 : i1 to i32
      %sign3A_38 = arith.constant 0 : i32
      %sign3A_39 = arith.cmpi slt, %scan3A_33, %sign3A_38 : i32
      %sign3A_40 = arith.extui %sign3A_39 : i1 to i32
      %sign3A_41 = arith.subi %sign3A_37, %sign3A_40 : i32
      %sign3A_42 = arith.constant 0 : i32
      %sign3A_43 = arith.cmpi sgt, %jit3A, %sign3A_42 : i32
      %sign3A_44 = arith.extui %sign3A_43 : i1 to i32
      %sign3A_45 = arith.constant 0 : i32
      %sign3A_46 = arith.cmpi slt, %jit3A, %sign3A_45 : i32
      %sign3A_47 = arith.extui %sign3A_46 : i1 to i32
      %sign3A_48 = arith.subi %sign3A_44, %sign3A_47 : i32
      %ne3A = arith.cmpi ne, %sign3A_41, %sign3A_48 : i32
      %rem3A = arith.remsi %scan3A_33, %jit3A : i32
      %ne3A_49 = arith.constant 0 : i32
      %ne3A_50 = arith.cmpi ne, %rem3A, %ne3A_49 : i32
      %and3A = arith.andi %ne3A, %ne3A_50 : i1
      %sub3A = arith.constant 1 : i32
      %sub3A_51 = arith.subi %div3A, %sub3A : i32
      %select_n3A = arith.select %and3A, %sub3A_51, %div3A : i32
      %jit3A_52 = arith.constant 32 : i32
      %eq3A = arith.constant 0 : i32
      %eq3A_53 = arith.cmpi eq, %jit3A_52, %eq3A : i32
      %jit3A_54 = arith.constant 1 : i32
      %select_n3A_55 = arith.select %eq3A_53, %jit3A_54, %jit3A_52 : i32
      %rem3A_56 = arith.remsi %scan3A_33, %select_n3A_55 : i32
      %ne3A_57 = arith.constant 0 : i32
      %ne3A_58 = arith.cmpi ne, %rem3A_56, %ne3A_57 : i32
      %lt3A = arith.constant 0 : i32
      %lt3A_59 = arith.cmpi slt, %rem3A_56, %lt3A : i32
      %lt3A_60 = arith.constant 0 : i32
      %lt3A_61 = arith.cmpi slt, %select_n3A_55, %lt3A_60 : i32
      %ne3A_62 = arith.xori %lt3A_59, %lt3A_61 : i1
      %and3A_63 = arith.andi %ne3A_62, %ne3A_58 : i1
      %add3A_64 = arith.addi %rem3A_56, %select_n3A_55 : i32
      %select_n3A_65 = arith.select %and3A_63, %add3A_64, %rem3A_56 : i32
      %mul3A_66 = arith.constant 16 : i32
      %mul3A_67 = arith.muli %select_n3A_65, %mul3A_66 : i32
      %swap3A = arith.index_cast %select_n3A : i32 to index
      %swap3A_68 = arith.index_cast %mul3A_67 : i32 to index
      %swap3A_69 = tpu.vector_load %arg8[%swap3A, %swap3A_68] {strides = array<i32>} : memref<16x512xf32, #tpu.memory_space<vmem>>, vector<1x16xf32>,
      %swap3A_70 = vector.shape_cast %swap3A_69 : vector<1x16xf32> to vector<16xf32>
      %swap3A_71 = vector.shape_cast %broadcast_in_dim3A_35 : vector<16xf32> to vector<1x16xf32>
      tpu.vector_store %arg8[%swap3A, %swap3A_68], %swap3A_71 {strides = array<i32>} : memref<16x512xf32, #tpu.memory_space<vmem>>, vector<1x16xf32>,
      %scan3A_72 = arith.constant 0 : i32
      scf.yield %scan3A_72 : i32
    }
    %scan3A_8 = arith.constant 512 : i32
    %mul3A_9 = arith.constant 512 : i32
    %mul3A_10 = arith.muli %add3A, %mul3A_9 : i32
    %run_scoped3A = arith.constant 1 : i32
    "tpu.region"() ({
      %run_scoped3A_33 = tpu.sem_alloc : memref<!tpu.dma_semaphore, #tpu.memory_space<semaphore_mem>>
      %dma_start3A = arith.constant 32 : i32
      %dma_start3A_34 = tpu.memref_slice %arg4[%run_scoped3A, %dma_start3A, %mul3A_10] : memref<2x128x16384xf32, #tpu.memory_space<hbm>> -> memref<1x16x512xf32, #tpu.memory_space<hbm>>
      %dma_start3A_35 = tpu.memref_squeeze %dma_start3A_34 : memref<1x16x512xf32, #tpu.memory_space<hbm>> -> memref<16x512xf32, #tpu.memory_space<hbm>>
      %dma_start3A_36 = arith.constant 32 : i32
      %dma_start3A_37 = tpu.memref_slice %arg4[%run_scoped3A, %dma_start3A_36, %mul3A_10] : memref<2x128x16384xf32, #tpu.memory_space<hbm>> -> memref<1x16x512xf32, #tpu.memory_space<hbm>>
      %dma_start3A_38 = tpu.memref_squeeze %dma_start3A_37 : memref<1x16x512xf32, #tpu.memory_space<hbm>> -> memref<16x512xf32, #tpu.memory_space<hbm>>
      tpu.enqueue_dma source(%arg8 : memref<16x512xf32, #tpu.memory_space<vmem>>) target(%dma_start3A_38 : memref<16x512xf32, #tpu.memory_space<hbm>>) target_semaphore(%run_scoped3A_33 : memref<!tpu.dma_semaphore, #tpu.memory_space<semaphore_mem>>)
      %dma_wait3A = arith.constant 32 : i32
      %dma_wait3A_39 = tpu.memref_slice %arg4[%run_scoped3A, %dma_wait3A, %mul3A_10] : memref<2x128x16384xf32, #tpu.memory_space<hbm>> -> memref<1x16x512xf32, #tpu.memory_space<hbm>>
      %dma_wait3A_40 = tpu.memref_squeeze %dma_wait3A_39 : memref<1x16x512xf32, #tpu.memory_space<hbm>> -> memref<16x512xf32, #tpu.memory_space<hbm>>
      %dma_wait3A_41 = arith.constant 32 : i32
      %dma_wait3A_42 = tpu.memref_slice %arg4[%run_scoped3A, %dma_wait3A_41, %mul3A_10] : memref<2x128x16384xf32, #tpu.memory_space<hbm>> -> memref<1x16x512xf32, #tpu.memory_space<hbm>>
      %dma_wait3A_43 = tpu.memref_squeeze %dma_wait3A_42 : memref<1x16x512xf32, #tpu.memory_space<hbm>> -> memref<16x512xf32, #tpu.memory_space<hbm>>
      tpu.wait_dma2 semaphore(%run_scoped3A_33 : memref<!tpu.dma_semaphore, #tpu.memory_space<semaphore_mem>>) src(%arg8 : memref<16x512xf32, #tpu.memory_space<vmem>>) dst(%dma_wait3A_43 : memref<16x512xf32, #tpu.memory_space<hbm>>)
      tpu.yield
    }) : () -> ()
    %mul3A_11 = arith.constant 512 : i32
    %mul3A_12 = arith.muli %add3A, %mul3A_11 : i32
    %run_scoped3A_13 = arith.constant 1 : i32
    "tpu.region"() ({
      %run_scoped3A_33 = tpu.sem_alloc : memref<!tpu.dma_semaphore, #tpu.memory_space<semaphore_mem>>
      %dma_start3A = arith.constant 48 : i32
      %dma_start3A_34 = tpu.memref_slice %arg4[%run_scoped3A_13, %dma_start3A, %mul3A_12] : memref<2x128x16384xf32, #tpu.memory_space<hbm>> -> memref<1x16x512xf32, #tpu.memory_space<hbm>>
      %dma_start3A_35 = tpu.memref_squeeze %dma_start3A_34 : memref<1x16x512xf32, #tpu.memory_space<hbm>> -> memref<16x512xf32, #tpu.memory_space<hbm>>
      %dma_start3A_36 = arith.constant 48 : i32
      %dma_start3A_37 = tpu.memref_slice %arg4[%run_scoped3A_13, %dma_start3A_36, %mul3A_12] : memref<2x128x16384xf32, #tpu.memory_space<hbm>> -> memref<1x16x512xf32, #tpu.memory_space<hbm>>
      %dma_start3A_38 = tpu.memref_squeeze %dma_start3A_37 : memref<1x16x512xf32, #tpu.memory_space<hbm>> -> memref<16x512xf32, #tpu.memory_space<hbm>>
      tpu.enqueue_dma source(%arg8 : memref<16x512xf32, #tpu.memory_space<vmem>>) target(%dma_start3A_38 : memref<16x512xf32, #tpu.memory_space<hbm>>) target_semaphore(%run_scoped3A_33 : memref<!tpu.dma_semaphore, #tpu.memory_space<semaphore_mem>>)
      %dma_wait3A = arith.constant 48 : i32
      %dma_wait3A_39 = tpu.memref_slice %arg4[%run_scoped3A_13, %dma_wait3A, %mul3A_12] : memref<2x128x16384xf32, #tpu.memory_space<hbm>> -> memref<1x16x512xf32, #tpu.memory_space<hbm>>
      %dma_wait3A_40 = tpu.memref_squeeze %dma_wait3A_39 : memref<1x16x512xf32, #tpu.memory_space<hbm>> -> memref<16x512xf32, #tpu.memory_space<hbm>>
      %dma_wait3A_41 = arith.constant 48 : i32
      %dma_wait3A_42 = tpu.memref_slice %arg4[%run_scoped3A_13, %dma_wait3A_41, %mul3A_12] : memref<2x128x16384xf32, #tpu.memory_space<hbm>> -> memref<1x16x512xf32, #tpu.memory_space<hbm>>
      %dma_wait3A_43 = tpu.memref_squeeze %dma_wait3A_42 : memref<1x16x512xf32, #tpu.memory_space<hbm>> -> memref<16x512xf32, #tpu.memory_space<hbm>>
      tpu.wait_dma2 semaphore(%run_scoped3A_33 : memref<!tpu.dma_semaphore, #tpu.memory_space<semaphore_mem>>) src(%arg8 : memref<16x512xf32, #tpu.memory_space<vmem>>) dst(%dma_wait3A_43 : memref<16x512xf32, #tpu.memory_space<hbm>>)
      tpu.yield
    }) : () -> ()
    %mul3A_14 = arith.constant 512 : i32
    %mul3A_15 = arith.muli %add3A, %mul3A_14 : i32
    %run_scoped3A_16 = arith.constant 1 : i32
    "tpu.region"() ({
      %run_scoped3A_33 = tpu.sem_alloc : memref<!tpu.dma_semaphore, #tpu.memory_space<semaphore_mem>>
      %dma_start3A = arith.constant 64 : i32
      %dma_start3A_34 = tpu.memref_slice %arg4[%run_scoped3A_16, %dma_start3A, %mul3A_15] : memref<2x128x16384xf32, #tpu.memory_space<hbm>> -> memref<1x16x512xf32, #tpu.memory_space<hbm>>
      %dma_start3A_35 = tpu.memref_squeeze %dma_start3A_34 : memref<1x16x512xf32, #tpu.memory_space<hbm>> -> memref<16x512xf32, #tpu.memory_space<hbm>>
      %dma_start3A_36 = arith.constant 64 : i32
      %dma_start3A_37 = tpu.memref_slice %arg4[%run_scoped3A_16, %dma_start3A_36, %mul3A_15] : memref<2x128x16384xf32, #tpu.memory_space<hbm>> -> memref<1x16x512xf32, #tpu.memory_space<hbm>>
      %dma_start3A_38 = tpu.memref_squeeze %dma_start3A_37 : memref<1x16x512xf32, #tpu.memory_space<hbm>> -> memref<16x512xf32, #tpu.memory_space<hbm>>
      tpu.enqueue_dma source(%arg8 : memref<16x512xf32, #tpu.memory_space<vmem>>) target(%dma_start3A_38 : memref<16x512xf32, #tpu.memory_space<hbm>>) target_semaphore(%run_scoped3A_33 : memref<!tpu.dma_semaphore, #tpu.memory_space<semaphore_mem>>)
      %dma_wait3A = arith.constant 64 : i32
      %dma_wait3A_39 = tpu.memref_slice %arg4[%run_scoped3A_16, %dma_wait3A, %mul3A_15] : memref<2x128x16384xf32, #tpu.memory_space<hbm>> -> memref<1x16x512xf32, #tpu.memory_space<hbm>>
      %dma_wait3A_40 = tpu.memref_squeeze %dma_wait3A_39 : memref<1x16x512xf32, #tpu.memory_space<hbm>> -> memref<16x512xf32, #tpu.memory_space<hbm>>
      %dma_wait3A_41 = arith.constant 64 : i32
      %dma_wait3A_42 = tpu.memref_slice %arg4[%run_scoped3A_16, %dma_wait3A_41, %mul3A_15] : memref<2x128x16384xf32, #tpu.memory_space<hbm>> -> memref<1x16x512xf32, #tpu.memory_space<hbm>>
      %dma_wait3A_43 = tpu.memref_squeeze %dma_wait3A_42 : memref<1x16x512xf32, #tpu.memory_space<hbm>> -> memref<16x512xf32, #tpu.memory_space<hbm>>
      tpu.wait_dma2 semaphore(%run_scoped3A_33 : memref<!tpu.dma_semaphore, #tpu.memory_space<semaphore_mem>>) src(%arg8 : memref<16x512xf32, #tpu.memory_space<vmem>>) dst(%dma_wait3A_43 : memref<16x512xf32, #tpu.memory_space<hbm>>)
      tpu.yield
    }) : () -> ()
    %mul3A_17 = arith.constant 512 : i32
    %mul3A_18 = arith.muli %add3A, %mul3A_17 : i32
    %run_scoped3A_19 = arith.constant 1 : i32
    "tpu.region"() ({
      %run_scoped3A_33 = tpu.sem_alloc : memref<!tpu.dma_semaphore, #tpu.memory_space<semaphore_mem>>
      %dma_start3A = arith.constant 80 : i32
      %dma_start3A_34 = tpu.memref_slice %arg4[%run_scoped3A_19, %dma_start3A, %mul3A_18] : memref<2x128x16384xf32, #tpu.memory_space<hbm>> -> memref<1x16x512xf32, #tpu.memory_space<hbm>>
      %dma_start3A_35 = tpu.memref_squeeze %dma_start3A_34 : memref<1x16x512xf32, #tpu.memory_space<hbm>> -> memref<16x512xf32, #tpu.memory_space<hbm>>
      %dma_start3A_36 = arith.constant 80 : i32
      %dma_start3A_37 = tpu.memref_slice %arg4[%run_scoped3A_19, %dma_start3A_36, %mul3A_18] : memref<2x128x16384xf32, #tpu.memory_space<hbm>> -> memref<1x16x512xf32, #tpu.memory_space<hbm>>
      %dma_start3A_38 = tpu.memref_squeeze %dma_start3A_37 : memref<1x16x512xf32, #tpu.memory_space<hbm>> -> memref<16x512xf32, #tpu.memory_space<hbm>>
      tpu.enqueue_dma source(%arg8 : memref<16x512xf32, #tpu.memory_space<vmem>>) target(%dma_start3A_38 : memref<16x512xf32, #tpu.memory_space<hbm>>) target_semaphore(%run_scoped3A_33 : memref<!tpu.dma_semaphore, #tpu.memory_space<semaphore_mem>>)
      %dma_wait3A = arith.constant 80 : i32
      %dma_wait3A_39 = tpu.memref_slice %arg4[%run_scoped3A_19, %dma_wait3A, %mul3A_18] : memref<2x128x16384xf32, #tpu.memory_space<hbm>> -> memref<1x16x512xf32, #tpu.memory_space<hbm>>
      %dma_wait3A_40 = tpu.memref_squeeze %dma_wait3A_39 : memref<1x16x512xf32, #tpu.memory_space<hbm>> -> memref<16x512xf32, #tpu.memory_space<hbm>>
      %dma_wait3A_41 = arith.constant 80 : i32
      %dma_wait3A_42 = tpu.memref_slice %arg4[%run_scoped3A_19, %dma_wait3A_41, %mul3A_18] : memref<2x128x16384xf32, #tpu.memory_space<hbm>> -> memref<1x16x512xf32, #tpu.memory_space<hbm>>
      %dma_wait3A_43 = tpu.memref_squeeze %dma_wait3A_42 : memref<1x16x512xf32, #tpu.memory_space<hbm>> -> memref<16x512xf32, #tpu.memory_space<hbm>>
      tpu.wait_dma2 semaphore(%run_scoped3A_33 : memref<!tpu.dma_semaphore, #tpu.memory_space<semaphore_mem>>) src(%arg8 : memref<16x512xf32, #tpu.memory_space<vmem>>) dst(%dma_wait3A_43 : memref<16x512xf32, #tpu.memory_space<hbm>>)
      tpu.yield
    }) : () -> ()
    %mul3A_20 = arith.constant 512 : i32
    %mul3A_21 = arith.muli %add3A, %mul3A_20 : i32
    %run_scoped3A_22 = arith.constant 1 : i32
    "tpu.region"() ({
      %run_scoped3A_33 = tpu.sem_alloc : memref<!tpu.dma_semaphore, #tpu.memory_space<semaphore_mem>>
      %dma_start3A = arith.constant 96 : i32
      %dma_start3A_34 = tpu.memref_slice %arg4[%run_scoped3A_22, %dma_start3A, %mul3A_21] : memref<2x128x16384xf32, #tpu.memory_space<hbm>> -> memref<1x16x512xf32, #tpu.memory_space<hbm>>
      %dma_start3A_35 = tpu.memref_squeeze %dma_start3A_34 : memref<1x16x512xf32, #tpu.memory_space<hbm>> -> memref<16x512xf32, #tpu.memory_space<hbm>>
      %dma_start3A_36 = arith.constant 96 : i32
      %dma_start3A_37 = tpu.memref_slice %arg4[%run_scoped3A_22, %dma_start3A_36, %mul3A_21] : memref<2x128x16384xf32, #tpu.memory_space<hbm>> -> memref<1x16x512xf32, #tpu.memory_space<hbm>>
      %dma_start3A_38 = tpu.memref_squeeze %dma_start3A_37 : memref<1x16x512xf32, #tpu.memory_space<hbm>> -> memref<16x512xf32, #tpu.memory_space<hbm>>
      tpu.enqueue_dma source(%arg8 : memref<16x512xf32, #tpu.memory_space<vmem>>) target(%dma_start3A_38 : memref<16x512xf32, #tpu.memory_space<hbm>>) target_semaphore(%run_scoped3A_33 : memref<!tpu.dma_semaphore, #tpu.memory_space<semaphore_mem>>)
      %dma_wait3A = arith.constant 96 : i32
      %dma_wait3A_39 = tpu.memref_slice %arg4[%run_scoped3A_22, %dma_wait3A, %mul3A_21] : memref<2x128x16384xf32, #tpu.memory_space<hbm>> -> memref<1x16x512xf32, #tpu.memory_space<hbm>>
      %dma_wait3A_40 = tpu.memref_squeeze %dma_wait3A_39 : memref<1x16x512xf32, #tpu.memory_space<hbm>> -> memref<16x512xf32, #tpu.memory_space<hbm>>
      %dma_wait3A_41 = arith.constant 96 : i32
      %dma_wait3A_42 = tpu.memref_slice %arg4[%run_scoped3A_22, %dma_wait3A_41, %mul3A_21] : memref<2x128x16384xf32, #tpu.memory_space<hbm>> -> memref<1x16x512xf32, #tpu.memory_space<hbm>>
      %dma_wait3A_43 = tpu.memref_squeeze %dma_wait3A_42 : memref<1x16x512xf32, #tpu.memory_space<hbm>> -> memref<16x512xf32, #tpu.memory_space<hbm>>
      tpu.wait_dma2 semaphore(%run_scoped3A_33 : memref<!tpu.dma_semaphore, #tpu.memory_space<semaphore_mem>>) src(%arg8 : memref<16x512xf32, #tpu.memory_space<vmem>>) dst(%dma_wait3A_43 : memref<16x512xf32, #tpu.memory_space<hbm>>)
      tpu.yield
    }) : () -> ()
    %mul3A_23 = arith.constant 512 : i32
    %mul3A_24 = arith.muli %add3A, %mul3A_23 : i32
    %run_scoped3A_25 = arith.constant 1 : i32
    "tpu.region"() ({
      %run_scoped3A_33 = tpu.sem_alloc : memref<!tpu.dma_semaphore, #tpu.memory_space<semaphore_mem>>
      %dma_start3A = arith.constant 112 : i32
      %dma_start3A_34 = tpu.memref_slice %arg4[%run_scoped3A_25, %dma_start3A, %mul3A_24] : memref<2x128x16384xf32, #tpu.memory_space<hbm>> -> memref<1x16x512xf32, #tpu.memory_space<hbm>>
      %dma_start3A_35 = tpu.memref_squeeze %dma_start3A_34 : memref<1x16x512xf32, #tpu.memory_space<hbm>> -> memref<16x512xf32, #tpu.memory_space<hbm>>
      %dma_start3A_36 = arith.constant 112 : i32
      %dma_start3A_37 = tpu.memref_slice %arg4[%run_scoped3A_25, %dma_start3A_36, %mul3A_24] : memref<2x128x16384xf32, #tpu.memory_space<hbm>> -> memref<1x16x512xf32, #tpu.memory_space<hbm>>
      %dma_start3A_38 = tpu.memref_squeeze %dma_start3A_37 : memref<1x16x512xf32, #tpu.memory_space<hbm>> -> memref<16x512xf32, #tpu.memory_space<hbm>>
      tpu.enqueue_dma source(%arg8 : memref<16x512xf32, #tpu.memory_space<vmem>>) target(%dma_start3A_38 : memref<16x512xf32, #tpu.memory_space<hbm>>) target_semaphore(%run_scoped3A_33 : memref<!tpu.dma_semaphore, #tpu.memory_space<semaphore_mem>>)
      %dma_wait3A = arith.constant 112 : i32
      %dma_wait3A_39 = tpu.memref_slice %arg4[%run_scoped3A_25, %dma_wait3A, %mul3A_24] : memref<2x128x16384xf32, #tpu.memory_space<hbm>> -> memref<1x16x512xf32, #tpu.memory_space<hbm>>
      %dma_wait3A_40 = tpu.memref_squeeze %dma_wait3A_39 : memref<1x16x512xf32, #tpu.memory_space<hbm>> -> memref<16x512xf32, #tpu.memory_space<hbm>>
      %dma_wait3A_41 = arith.constant 112 : i32
      %dma_wait3A_42 = tpu.memref_slice %arg4[%run_scoped3A_25, %dma_wait3A_41, %mul3A_24] : memref<2x128x16384xf32, #tpu.memory_space<hbm>> -> memref<1x16x512xf32, #tpu.memory_space<hbm>>
      %dma_wait3A_43 = tpu.memref_squeeze %dma_wait3A_42 : memref<1x16x512xf32, #tpu.memory_space<hbm>> -> memref<16x512xf32, #tpu.memory_space<hbm>>
      tpu.wait_dma2 semaphore(%run_scoped3A_33 : memref<!tpu.dma_semaphore, #tpu.memory_space<semaphore_mem>>) src(%arg8 : memref<16x512xf32, #tpu.memory_space<vmem>>) dst(%dma_wait3A_43 : memref<16x512xf32, #tpu.memory_space<hbm>>)
      tpu.yield
    }) : () -> ()
    %scan3A_26 = arith.constant 0 : i32
    %scan3A_27 = arith.constant 0 : i32
    %scan3A_28 = arith.constant 10 : i32
    %scan3A_29 = arith.addi %scan3A_27, %scan3A_28 : i32
    %scan3A_30 = arith.constant 1 : i32
    %scan3A_31 = scf.for %scan3A_33 = %scan3A_27 to %scan3A_29 step %scan3A_30 iter_args(%scan3A_34 = %scan3A_26) -> (i32)  : i32 {
      %scan3A_35 = arith.constant 0 : i32
      %scan3A_36 = arith.constant 0 : i32
      %scan3A_37 = arith.constant 16 : i32
      %scan3A_38 = arith.addi %scan3A_36, %scan3A_37 : i32
      %scan3A_39 = arith.constant 1 : i32
      %scan3A_40 = scf.for %scan3A_98 = %scan3A_36 to %scan3A_38 step %scan3A_39 iter_args(%scan3A_99 = %scan3A_35) -> (i32)  : i32 {
        %mul3A_100 = arith.constant 16 : i32
        %mul3A_101 = arith.muli %scan3A_33, %mul3A_100 : i32
        %add3A_102 = arith.addi %mul3A_101, %scan3A_98 : i32
        %mul3A_103 = arith.constant 100000 : i32
        %mul3A_104 = arith.muli %add3A_102, %mul3A_103 : i32
        %get3A = arith.constant 0 : i32
        %get3A_105 = arith.index_cast %scan3A_33 : i32 to index
        %get3A_106 = arith.index_cast %get3A : i32 to index
        %get3A_107 = arith.constant 0 : index
        %get3A_108 = tpu.vector_load %arg5[%get3A_105, %get3A_106, %get3A_107] {strides = array<i32>} : memref<10x4x128xi32, #tpu.memory_space<vmem>>, vector<1x1x16xi32>,
        %get3A_109 = vector.shape_cast %get3A_108 : vector<1x1x16xi32> to vector<16xi32>
        %add3A_110 = vector.broadcast %mul3A_104 : i32 to vector<16xi32>
        %add3A_111 = arith.addi %get3A_109, %add3A_110 : vector<16xi32>
        %mul3A_112 = arith.constant 4 : i32
        %mul3A_113 = arith.muli %scan3A_98, %mul3A_112 : i32
        %add3A_114 = arith.constant 0 : i32
        %add3A_115 = arith.addi %mul3A_113, %add3A_114 : i32
        %swap3A = arith.index_cast %add3A_115 : i32 to index
        %swap3A_116 = arith.constant 0 : index
        %swap3A_117 = tpu.vector_load %arg6[%swap3A, %swap3A_116] {strides = array<i32>} : memref<64x128xi32, #tpu.memory_space<vmem>>, vector<1x16xi32>,
        %swap3A_118 = vector.shape_cast %swap3A_117 : vector<1x16xi32> to vector<16xi32>
        %swap3A_119 = vector.shape_cast %add3A_111 : vector<16xi32> to vector<1x16xi32>
        tpu.vector_store %arg6[%swap3A, %swap3A_116], %swap3A_119 {strides = array<i32>} : memref<64x128xi32, #tpu.memory_space<vmem>>, vector<1x16xi32>,
        %get3A_120 = arith.constant 0 : i32
        %get3A_121 = arith.index_cast %scan3A_33 : i32 to index
        %get3A_122 = arith.index_cast %get3A_120 : i32 to index
        %get3A_123 = arith.constant 16 : index
        %get3A_124 = tpu.vector_load %arg5[%get3A_121, %get3A_122, %get3A_123] {strides = array<i32>} : memref<10x4x128xi32, #tpu.memory_space<vmem>>, vector<1x1x16xi32>,
        %get3A_125 = vector.shape_cast %get3A_124 : vector<1x1x16xi32> to vector<16xi32>
        %add3A_126 = vector.broadcast %mul3A_104 : i32 to vector<16xi32>
        %add3A_127 = arith.addi %get3A_125, %add3A_126 : vector<16xi32>
        %mul3A_128 = arith.constant 4 : i32
        %mul3A_129 = arith.muli %scan3A_98, %mul3A_128 : i32
        %add3A_130 = arith.constant 0 : i32
        %add3A_131 = arith.addi %mul3A_129, %add3A_130 : i32
        %swap3A_132 = arith.index_cast %add3A_131 : i32 to index
        %swap3A_133 = arith.constant 16 : index
        %swap3A_134 = tpu.vector_load %arg6[%swap3A_132, %swap3A_133] {strides = array<i32>} : memref<64x128xi32, #tpu.memory_space<vmem>>, vector<1x16xi32>,
        %swap3A_135 = vector.shape_cast %swap3A_134 : vector<1x16xi32> to vector<16xi32>
        %swap3A_136 = vector.shape_cast %add3A_127 : vector<16xi32> to vector<1x16xi32>
        tpu.vector_store %arg6[%swap3A_132, %swap3A_133], %swap3A_136 {strides = array<i32>} : memref<64x128xi32, #tpu.memory_space<vmem>>, vector<1x16xi32>,
        %get3A_137 = arith.constant 0 : i32
        %get3A_138 = arith.index_cast %scan3A_33 : i32 to index
        %get3A_139 = arith.index_cast %get3A_137 : i32 to index
        %get3A_140 = arith.constant 32 : index
        %get3A_141 = tpu.vector_load %arg5[%get3A_138, %get3A_139, %get3A_140] {strides = array<i32>} : memref<10x4x128xi32, #tpu.memory_space<vmem>>, vector<1x1x16xi32>,
        %get3A_142 = vector.shape_cast %get3A_141 : vector<1x1x16xi32> to vector<16xi32>
        %add3A_143 = vector.broadcast %mul3A_104 : i32 to vector<16xi32>
        %add3A_144 = arith.addi %get3A_142, %add3A_143 : vector<16xi32>
        %mul3A_145 = arith.constant 4 : i32
        %mul3A_146 = arith.muli %scan3A_98, %mul3A_145 : i32
        %add3A_147 = arith.constant 0 : i32
        %add3A_148 = arith.addi %mul3A_146, %add3A_147 : i32
        %swap3A_149 = arith.index_cast %add3A_148 : i32 to index
        %swap3A_150 = arith.constant 32 : index
        %swap3A_151 = tpu.vector_load %arg6[%swap3A_149, %swap3A_150] {strides = array<i32>} : memref<64x128xi32, #tpu.memory_space<vmem>>, vector<1x16xi32>,
        %swap3A_152 = vector.shape_cast %swap3A_151 : vector<1x16xi32> to vector<16xi32>
        %swap3A_153 = vector.shape_cast %add3A_144 : vector<16xi32> to vector<1x16xi32>
        tpu.vector_store %arg6[%swap3A_149, %swap3A_150], %swap3A_153 {strides = array<i32>} : memref<64x128xi32, #tpu.memory_space<vmem>>, vector<1x16xi32>,
        %get3A_154 = arith.constant 0 : i32
        %get3A_155 = arith.index_cast %scan3A_33 : i32 to index
        %get3A_156 = arith.index_cast %get3A_154 : i32 to index
        %get3A_157 = arith.constant 48 : index
        %get3A_158 = tpu.vector_load %arg5[%get3A_155, %get3A_156, %get3A_157] {strides = array<i32>} : memref<10x4x128xi32, #tpu.memory_space<vmem>>, vector<1x1x16xi32>,
        %get3A_159 = vector.shape_cast %get3A_158 : vector<1x1x16xi32> to vector<16xi32>
        %add3A_160 = vector.broadcast %mul3A_104 : i32 to vector<16xi32>
        %add3A_161 = arith.addi %get3A_159, %add3A_160 : vector<16xi32>
        %mul3A_162 = arith.constant 4 : i32
        %mul3A_163 = arith.muli %scan3A_98, %mul3A_162 : i32
        %add3A_164 = arith.constant 0 : i32
        %add3A_165 = arith.addi %mul3A_163, %add3A_164 : i32
        %swap3A_166 = arith.index_cast %add3A_165 : i32 to index
        %swap3A_167 = arith.constant 48 : index
        %swap3A_168 = tpu.vector_load %arg6[%swap3A_166, %swap3A_167] {strides = array<i32>} : memref<64x128xi32, #tpu.memory_space<vmem>>, vector<1x16xi32>,
        %swap3A_169 = vector.shape_cast %swap3A_168 : vector<1x16xi32> to vector<16xi32>
        %swap3A_170 = vector.shape_cast %add3A_161 : vector<16xi32> to vector<1x16xi32>
        tpu.vector_store %arg6[%swap3A_166, %swap3A_167], %swap3A_170 {strides = array<i32>} : memref<64x128xi32, #tpu.memory_space<vmem>>, vector<1x16xi32>,
        %get3A_171 = arith.constant 0 : i32
        %get3A_172 = arith.index_cast %scan3A_33 : i32 to index
        %get3A_173 = arith.index_cast %get3A_171 : i32 to index
        %get3A_174 = arith.constant 64 : index
        %get3A_175 = tpu.vector_load %arg5[%get3A_172, %get3A_173, %get3A_174] {strides = array<i32>} : memref<10x4x128xi32, #tpu.memory_space<vmem>>, vector<1x1x16xi32>,
        %get3A_176 = vector.shape_cast %get3A_175 : vector<1x1x16xi32> to vector<16xi32>
        %add3A_177 = vector.broadcast %mul3A_104 : i32 to vector<16xi32>
        %add3A_178 = arith.addi %get3A_176, %add3A_177 : vector<16xi32>
        %mul3A_179 = arith.constant 4 : i32
        %mul3A_180 = arith.muli %scan3A_98, %mul3A_179 : i32
        %add3A_181 = arith.constant 0 : i32
        %add3A_182 = arith.addi %mul3A_180, %add3A_181 : i32
        %swap3A_183 = arith.index_cast %add3A_182 : i32 to index
        %swap3A_184 = arith.constant 64 : index
        %swap3A_185 = tpu.vector_load %arg6[%swap3A_183, %swap3A_184] {strides = array<i32>} : memref<64x128xi32, #tpu.memory_space<vmem>>, vector<1x16xi32>,
        %swap3A_186 = vector.shape_cast %swap3A_185 : vector<1x16xi32> to vector<16xi32>
        %swap3A_187 = vector.shape_cast %add3A_178 : vector<16xi32> to vector<1x16xi32>
        tpu.vector_store %arg6[%swap3A_183, %swap3A_184], %swap3A_187 {strides = array<i32>} : memref<64x128xi32, #tpu.memory_space<vmem>>, vector<1x16xi32>,
        %get3A_188 = arith.constant 0 : i32
        %get3A_189 = arith.index_cast %scan3A_33 : i32 to index
        %get3A_190 = arith.index_cast %get3A_188 : i32 to index
        %get3A_191 = arith.constant 80 : index
        %get3A_192 = tpu.vector_load %arg5[%get3A_189, %get3A_190, %get3A_191] {strides = array<i32>} : memref<10x4x128xi32, #tpu.memory_space<vmem>>, vector<1x1x16xi32>,
        %get3A_193 = vector.shape_cast %get3A_192 : vector<1x1x16xi32> to vector<16xi32>
        %add3A_194 = vector.broadcast %mul3A_104 : i32 to vector<16xi32>
        %add3A_195 = arith.addi %get3A_193, %add3A_194 : vector<16xi32>
        %mul3A_196 = arith.constant 4 : i32
        %mul3A_197 = arith.muli %scan3A_98, %mul3A_196 : i32
        %add3A_198 = arith.constant 0 : i32
        %add3A_199 = arith.addi %mul3A_197, %add3A_198 : i32
        %swap3A_200 = arith.index_cast %add3A_199 : i32 to index
        %swap3A_201 = arith.constant 80 : index
        %swap3A_202 = tpu.vector_load %arg6[%swap3A_200, %swap3A_201] {strides = array<i32>} : memref<64x128xi32, #tpu.memory_space<vmem>>, vector<1x16xi32>,
        %swap3A_203 = vector.shape_cast %swap3A_202 : vector<1x16xi32> to vector<16xi32>
        %swap3A_204 = vector.shape_cast %add3A_195 : vector<16xi32> to vector<1x16xi32>
        tpu.vector_store %arg6[%swap3A_200, %swap3A_201], %swap3A_204 {strides = array<i32>} : memref<64x128xi32, #tpu.memory_space<vmem>>, vector<1x16xi32>,
        %get3A_205 = arith.constant 0 : i32
        %get3A_206 = arith.index_cast %scan3A_33 : i32 to index
        %get3A_207 = arith.index_cast %get3A_205 : i32 to index
        %get3A_208 = arith.constant 96 : index
        %get3A_209 = tpu.vector_load %arg5[%get3A_206, %get3A_207, %get3A_208] {strides = array<i32>} : memref<10x4x128xi32, #tpu.memory_space<vmem>>, vector<1x1x16xi32>,
        %get3A_210 = vector.shape_cast %get3A_209 : vector<1x1x16xi32> to vector<16xi32>
        %add3A_211 = vector.broadcast %mul3A_104 : i32 to vector<16xi32>
        %add3A_212 = arith.addi %get3A_210, %add3A_211 : vector<16xi32>
        %mul3A_213 = arith.constant 4 : i32
        %mul3A_214 = arith.muli %scan3A_98, %mul3A_213 : i32
        %add3A_215 = arith.constant 0 : i32
        %add3A_216 = arith.addi %mul3A_214, %add3A_215 : i32
        %swap3A_217 = arith.index_cast %add3A_216 : i32 to index
        %swap3A_218 = arith.constant 96 : index
        %swap3A_219 = tpu.vector_load %arg6[%swap3A_217, %swap3A_218] {strides = array<i32>} : memref<64x128xi32, #tpu.memory_space<vmem>>, vector<1x16xi32>,
        %swap3A_220 = vector.shape_cast %swap3A_219 : vector<1x16xi32> to vector<16xi32>
        %swap3A_221 = vector.shape_cast %add3A_212 : vector<16xi32> to vector<1x16xi32>
        tpu.vector_store %arg6[%swap3A_217, %swap3A_218], %swap3A_221 {strides = array<i32>} : memref<64x128xi32, #tpu.memory_space<vmem>>, vector<1x16xi32>,
        %get3A_222 = arith.constant 0 : i32
        %get3A_223 = arith.index_cast %scan3A_33 : i32 to index
        %get3A_224 = arith.index_cast %get3A_222 : i32 to index
        %get3A_225 = arith.constant 112 : index
        %get3A_226 = tpu.vector_load %arg5[%get3A_223, %get3A_224, %get3A_225] {strides = array<i32>} : memref<10x4x128xi32, #tpu.memory_space<vmem>>, vector<1x1x16xi32>,
        %get3A_227 = vector.shape_cast %get3A_226 : vector<1x1x16xi32> to vector<16xi32>
        %add3A_228 = vector.broadcast %mul3A_104 : i32 to vector<16xi32>
        %add3A_229 = arith.addi %get3A_227, %add3A_228 : vector<16xi32>
        %mul3A_230 = arith.constant 4 : i32
        %mul3A_231 = arith.muli %scan3A_98, %mul3A_230 : i32
        %add3A_232 = arith.constant 0 : i32
        %add3A_233 = arith.addi %mul3A_231, %add3A_232 : i32
        %swap3A_234 = arith.index_cast %add3A_233 : i32 to index
        %swap3A_235 = arith.constant 112 : index
        %swap3A_236 = tpu.vector_load %arg6[%swap3A_234, %swap3A_235] {strides = array<i32>} : memref<64x128xi32, #tpu.memory_space<vmem>>, vector<1x16xi32>,
        %swap3A_237 = vector.shape_cast %swap3A_236 : vector<1x16xi32> to vector<16xi32>
        %swap3A_238 = vector.shape_cast %add3A_229 : vector<16xi32> to vector<1x16xi32>
        tpu.vector_store %arg6[%swap3A_234, %swap3A_235], %swap3A_238 {strides = array<i32>} : memref<64x128xi32, #tpu.memory_space<vmem>>, vector<1x16xi32>,
        %get3A_239 = arith.constant 1 : i32
        %get3A_240 = arith.index_cast %scan3A_33 : i32 to index
        %get3A_241 = arith.index_cast %get3A_239 : i32 to index
        %get3A_242 = arith.constant 0 : index
        %get3A_243 = tpu.vector_load %arg5[%get3A_240, %get3A_241, %get3A_242] {strides = array<i32>} : memref<10x4x128xi32, #tpu.memory_space<vmem>>, vector<1x1x16xi32>,
        %get3A_244 = vector.shape_cast %get3A_243 : vector<1x1x16xi32> to vector<16xi32>
        %add3A_245 = vector.broadcast %mul3A_104 : i32 to vector<16xi32>
        %add3A_246 = arith.addi %get3A_244, %add3A_245 : vector<16xi32>
        %mul3A_247 = arith.constant 4 : i32
        %mul3A_248 = arith.muli %scan3A_98, %mul3A_247 : i32
        %add3A_249 = arith.constant 1 : i32
        %add3A_250 = arith.addi %mul3A_248, %add3A_249 : i32
        %swap3A_251 = arith.index_cast %add3A_250 : i32 to index
        %swap3A_252 = arith.constant 0 : index
        %swap3A_253 = tpu.vector_load %arg6[%swap3A_251, %swap3A_252] {strides = array<i32>} : memref<64x128xi32, #tpu.memory_space<vmem>>, vector<1x16xi32>,
        %swap3A_254 = vector.shape_cast %swap3A_253 : vector<1x16xi32> to vector<16xi32>
        %swap3A_255 = vector.shape_cast %add3A_246 : vector<16xi32> to vector<1x16xi32>
        tpu.vector_store %arg6[%swap3A_251, %swap3A_252], %swap3A_255 {strides = array<i32>} : memref<64x128xi32, #tpu.memory_space<vmem>>, vector<1x16xi32>,
        %get3A_256 = arith.constant 1 : i32
        %get3A_257 = arith.index_cast %scan3A_33 : i32 to index
        %get3A_258 = arith.index_cast %get3A_256 : i32 to index
        %get3A_259 = arith.constant 16 : index
        %get3A_260 = tpu.vector_load %arg5[%get3A_257, %get3A_258, %get3A_259] {strides = array<i32>} : memref<10x4x128xi32, #tpu.memory_space<vmem>>, vector<1x1x16xi32>,
        %get3A_261 = vector.shape_cast %get3A_260 : vector<1x1x16xi32> to vector<16xi32>
        %add3A_262 = vector.broadcast %mul3A_104 : i32 to vector<16xi32>
        %add3A_263 = arith.addi %get3A_261, %add3A_262 : vector<16xi32>
        %mul3A_264 = arith.constant 4 : i32
        %mul3A_265 = arith.muli %scan3A_98, %mul3A_264 : i32
        %add3A_266 = arith.constant 1 : i32
        %add3A_267 = arith.addi %mul3A_265, %add3A_266 : i32
        %swap3A_268 = arith.index_cast %add3A_267 : i32 to index
        %swap3A_269 = arith.constant 16 : index
        %swap3A_270 = tpu.vector_load %arg6[%swap3A_268, %swap3A_269] {strides = array<i32>} : memref<64x128xi32, #tpu.memory_space<vmem>>, vector<1x16xi32>,
        %swap3A_271 = vector.shape_cast %swap3A_270 : vector<1x16xi32> to vector<16xi32>
        %swap3A_272 = vector.shape_cast %add3A_263 : vector<16xi32> to vector<1x16xi32>
        tpu.vector_store %arg6[%swap3A_268, %swap3A_269], %swap3A_272 {strides = array<i32>} : memref<64x128xi32, #tpu.memory_space<vmem>>, vector<1x16xi32>,
        %get3A_273 = arith.constant 1 : i32
        %get3A_274 = arith.index_cast %scan3A_33 : i32 to index
        %get3A_275 = arith.index_cast %get3A_273 : i32 to index
        %get3A_276 = arith.constant 32 : index
        %get3A_277 = tpu.vector_load %arg5[%get3A_274, %get3A_275, %get3A_276] {strides = array<i32>} : memref<10x4x128xi32, #tpu.memory_space<vmem>>, vector<1x1x16xi32>,
        %get3A_278 = vector.shape_cast %get3A_277 : vector<1x1x16xi32> to vector<16xi32>
        %add3A_279 = vector.broadcast %mul3A_104 : i32 to vector<16xi32>
        %add3A_280 = arith.addi %get3A_278, %add3A_279 : vector<16xi32>
        %mul3A_281 = arith.constant 4 : i32
        %mul3A_282 = arith.muli %scan3A_98, %mul3A_281 : i32
        %add3A_283 = arith.constant 1 : i32
        %add3A_284 = arith.addi %mul3A_282, %add3A_283 : i32
        %swap3A_285 = arith.index_cast %add3A_284 : i32 to index
        %swap3A_286 = arith.constant 32 : index
        %swap3A_287 = tpu.vector_load %arg6[%swap3A_285, %swap3A_286] {strides = array<i32>} : memref<64x128xi32, #tpu.memory_space<vmem>>, vector<1x16xi32>,
        %swap3A_288 = vector.shape_cast %swap3A_287 : vector<1x16xi32> to vector<16xi32>
        %swap3A_289 = vector.shape_cast %add3A_280 : vector<16xi32> to vector<1x16xi32>
        tpu.vector_store %arg6[%swap3A_285, %swap3A_286], %swap3A_289 {strides = array<i32>} : memref<64x128xi32, #tpu.memory_space<vmem>>, vector<1x16xi32>,
        %get3A_290 = arith.constant 1 : i32
        %get3A_291 = arith.index_cast %scan3A_33 : i32 to index
        %get3A_292 = arith.index_cast %get3A_290 : i32 to index
        %get3A_293 = arith.constant 48 : index
        %get3A_294 = tpu.vector_load %arg5[%get3A_291, %get3A_292, %get3A_293] {strides = array<i32>} : memref<10x4x128xi32, #tpu.memory_space<vmem>>, vector<1x1x16xi32>,
        %get3A_295 = vector.shape_cast %get3A_294 : vector<1x1x16xi32> to vector<16xi32>
        %add3A_296 = vector.broadcast %mul3A_104 : i32 to vector<16xi32>
        %add3A_297 = arith.addi %get3A_295, %add3A_296 : vector<16xi32>
        %mul3A_298 = arith.constant 4 : i32
        %mul3A_299 = arith.muli %scan3A_98, %mul3A_298 : i32
        %add3A_300 = arith.constant 1 : i32
        %add3A_301 = arith.addi %mul3A_299, %add3A_300 : i32
        %swap3A_302 = arith.index_cast %add3A_301 : i32 to index
        %swap3A_303 = arith.constant 48 : index
        %swap3A_304 = tpu.vector_load %arg6[%swap3A_302, %swap3A_303] {strides = array<i32>} : memref<64x128xi32, #tpu.memory_space<vmem>>, vector<1x16xi32>,
        %swap3A_305 = vector.shape_cast %swap3A_304 : vector<1x16xi32> to vector<16xi32>
        %swap3A_306 = vector.shape_cast %add3A_297 : vector<16xi32> to vector<1x16xi32>
        tpu.vector_store %arg6[%swap3A_302, %swap3A_303], %swap3A_306 {strides = array<i32>} : memref<64x128xi32, #tpu.memory_space<vmem>>, vector<1x16xi32>,
        %get3A_307 = arith.constant 1 : i32
        %get3A_308 = arith.index_cast %scan3A_33 : i32 to index
        %get3A_309 = arith.index_cast %get3A_307 : i32 to index
        %get3A_310 = arith.constant 64 : index
        %get3A_311 = tpu.vector_load %arg5[%get3A_308, %get3A_309, %get3A_310] {strides = array<i32>} : memref<10x4x128xi32, #tpu.memory_space<vmem>>, vector<1x1x16xi32>,
        %get3A_312 = vector.shape_cast %get3A_311 : vector<1x1x16xi32> to vector<16xi32>
        %add3A_313 = vector.broadcast %mul3A_104 : i32 to vector<16xi32>
        %add3A_314 = arith.addi %get3A_312, %add3A_313 : vector<16xi32>
        %mul3A_315 = arith.constant 4 : i32
        %mul3A_316 = arith.muli %scan3A_98, %mul3A_315 : i32
        %add3A_317 = arith.constant 1 : i32
        %add3A_318 = arith.addi %mul3A_316, %add3A_317 : i32
        %swap3A_319 = arith.index_cast %add3A_318 : i32 to index
        %swap3A_320 = arith.constant 64 : index
        %swap3A_321 = tpu.vector_load %arg6[%swap3A_319, %swap3A_320] {strides = array<i32>} : memref<64x128xi32, #tpu.memory_space<vmem>>, vector<1x16xi32>,
        %swap3A_322 = vector.shape_cast %swap3A_321 : vector<1x16xi32> to vector<16xi32>
        %swap3A_323 = vector.shape_cast %add3A_314 : vector<16xi32> to vector<1x16xi32>
        tpu.vector_store %arg6[%swap3A_319, %swap3A_320], %swap3A_323 {strides = array<i32>} : memref<64x128xi32, #tpu.memory_space<vmem>>, vector<1x16xi32>,
        %get3A_324 = arith.constant 1 : i32
        %get3A_325 = arith.index_cast %scan3A_33 : i32 to index
        %get3A_326 = arith.index_cast %get3A_324 : i32 to index
        %get3A_327 = arith.constant 80 : index
        %get3A_328 = tpu.vector_load %arg5[%get3A_325, %get3A_326, %get3A_327] {strides = array<i32>} : memref<10x4x128xi32, #tpu.memory_space<vmem>>, vector<1x1x16xi32>,
        %get3A_329 = vector.shape_cast %get3A_328 : vector<1x1x16xi32> to vector<16xi32>
        %add3A_330 = vector.broadcast %mul3A_104 : i32 to vector<16xi32>
        %add3A_331 = arith.addi %get3A_329, %add3A_330 : vector<16xi32>
        %mul3A_332 = arith.constant 4 : i32
        %mul3A_333 = arith.muli %scan3A_98, %mul3A_332 : i32
        %add3A_334 = arith.constant 1 : i32
        %add3A_335 = arith.addi %mul3A_333, %add3A_334 : i32
        %swap3A_336 = arith.index_cast %add3A_335 : i32 to index
        %swap3A_337 = arith.constant 80 : index
        %swap3A_338 = tpu.vector_load %arg6[%swap3A_336, %swap3A_337] {strides = array<i32>} : memref<64x128xi32, #tpu.memory_space<vmem>>, vector<1x16xi32>,
        %swap3A_339 = vector.shape_cast %swap3A_338 : vector<1x16xi32> to vector<16xi32>
        %swap3A_340 = vector.shape_cast %add3A_331 : vector<16xi32> to vector<1x16xi32>
        tpu.vector_store %arg6[%swap3A_336, %swap3A_337], %swap3A_340 {strides = array<i32>} : memref<64x128xi32, #tpu.memory_space<vmem>>, vector<1x16xi32>,
        %get3A_341 = arith.constant 1 : i32
        %get3A_342 = arith.index_cast %scan3A_33 : i32 to index
        %get3A_343 = arith.index_cast %get3A_341 : i32 to index
        %get3A_344 = arith.constant 96 : index
        %get3A_345 = tpu.vector_load %arg5[%get3A_342, %get3A_343, %get3A_344] {strides = array<i32>} : memref<10x4x128xi32, #tpu.memory_space<vmem>>, vector<1x1x16xi32>,
        %get3A_346 = vector.shape_cast %get3A_345 : vector<1x1x16xi32> to vector<16xi32>
        %add3A_347 = vector.broadcast %mul3A_104 : i32 to vector<16xi32>
        %add3A_348 = arith.addi %get3A_346, %add3A_347 : vector<16xi32>
        %mul3A_349 = arith.constant 4 : i32
        %mul3A_350 = arith.muli %scan3A_98, %mul3A_349 : i32
        %add3A_351 = arith.constant 1 : i32
        %add3A_352 = arith.addi %mul3A_350, %add3A_351 : i32
        %swap3A_353 = arith.index_cast %add3A_352 : i32 to index
        %swap3A_354 = arith.constant 96 : index
        %swap3A_355 = tpu.vector_load %arg6[%swap3A_353, %swap3A_354] {strides = array<i32>} : memref<64x128xi32, #tpu.memory_space<vmem>>, vector<1x16xi32>,
        %swap3A_356 = vector.shape_cast %swap3A_355 : vector<1x16xi32> to vector<16xi32>
        %swap3A_357 = vector.shape_cast %add3A_348 : vector<16xi32> to vector<1x16xi32>
        tpu.vector_store %arg6[%swap3A_353, %swap3A_354], %swap3A_357 {strides = array<i32>} : memref<64x128xi32, #tpu.memory_space<vmem>>, vector<1x16xi32>,
        %get3A_358 = arith.constant 1 : i32
        %get3A_359 = arith.index_cast %scan3A_33 : i32 to index
        %get3A_360 = arith.index_cast %get3A_358 : i32 to index
        %get3A_361 = arith.constant 112 : index
        %get3A_362 = tpu.vector_load %arg5[%get3A_359, %get3A_360, %get3A_361] {strides = array<i32>} : memref<10x4x128xi32, #tpu.memory_space<vmem>>, vector<1x1x16xi32>,
        %get3A_363 = vector.shape_cast %get3A_362 : vector<1x1x16xi32> to vector<16xi32>
        %add3A_364 = vector.broadcast %mul3A_104 : i32 to vector<16xi32>
        %add3A_365 = arith.addi %get3A_363, %add3A_364 : vector<16xi32>
        %mul3A_366 = arith.constant 4 : i32
        %mul3A_367 = arith.muli %scan3A_98, %mul3A_366 : i32
        %add3A_368 = arith.constant 1 : i32
        %add3A_369 = arith.addi %mul3A_367, %add3A_368 : i32
        %swap3A_370 = arith.index_cast %add3A_369 : i32 to index
        %swap3A_371 = arith.constant 112 : index
        %swap3A_372 = tpu.vector_load %arg6[%swap3A_370, %swap3A_371] {strides = array<i32>} : memref<64x128xi32, #tpu.memory_space<vmem>>, vector<1x16xi32>,
        %swap3A_373 = vector.shape_cast %swap3A_372 : vector<1x16xi32> to vector<16xi32>
        %swap3A_374 = vector.shape_cast %add3A_365 : vector<16xi32> to vector<1x16xi32>
        tpu.vector_store %arg6[%swap3A_370, %swap3A_371], %swap3A_374 {strides = array<i32>} : memref<64x128xi32, #tpu.memory_space<vmem>>, vector<1x16xi32>,
        %get3A_375 = arith.constant 2 : i32
        %get3A_376 = arith.index_cast %scan3A_33 : i32 to index
        %get3A_377 = arith.index_cast %get3A_375 : i32 to index
        %get3A_378 = arith.constant 0 : index
        %get3A_379 = tpu.vector_load %arg5[%get3A_376, %get3A_377, %get3A_378] {strides = array<i32>} : memref<10x4x128xi32, #tpu.memory_space<vmem>>, vector<1x1x16xi32>,
        %get3A_380 = vector.shape_cast %get3A_379 : vector<1x1x16xi32> to vector<16xi32>
        %add3A_381 = vector.broadcast %mul3A_104 : i32 to vector<16xi32>
        %add3A_382 = arith.addi %get3A_380, %add3A_381 : vector<16xi32>
        %mul3A_383 = arith.constant 4 : i32
        %mul3A_384 = arith.muli %scan3A_98, %mul3A_383 : i32
        %add3A_385 = arith.constant 2 : i32
        %add3A_386 = arith.addi %mul3A_384, %add3A_385 : i32
        %swap3A_387 = arith.index_cast %add3A_386 : i32 to index
        %swap3A_388 = arith.constant 0 : index
        %swap3A_389 = tpu.vector_load %arg6[%swap3A_387, %swap3A_388] {strides = array<i32>} : memref<64x128xi32, #tpu.memory_space<vmem>>, vector<1x16xi32>,
        %swap3A_390 = vector.shape_cast %swap3A_389 : vector<1x16xi32> to vector<16xi32>
        %swap3A_391 = vector.shape_cast %add3A_382 : vector<16xi32> to vector<1x16xi32>
        tpu.vector_store %arg6[%swap3A_387, %swap3A_388], %swap3A_391 {strides = array<i32>} : memref<64x128xi32, #tpu.memory_space<vmem>>, vector<1x16xi32>,
        %get3A_392 = arith.constant 2 : i32
        %get3A_393 = arith.index_cast %scan3A_33 : i32 to index
        %get3A_394 = arith.index_cast %get3A_392 : i32 to index
        %get3A_395 = arith.constant 16 : index
        %get3A_396 = tpu.vector_load %arg5[%get3A_393, %get3A_394, %get3A_395] {strides = array<i32>} : memref<10x4x128xi32, #tpu.memory_space<vmem>>, vector<1x1x16xi32>,
        %get3A_397 = vector.shape_cast %get3A_396 : vector<1x1x16xi32> to vector<16xi32>
        %add3A_398 = vector.broadcast %mul3A_104 : i32 to vector<16xi32>
        %add3A_399 = arith.addi %get3A_397, %add3A_398 : vector<16xi32>
        %mul3A_400 = arith.constant 4 : i32
        %mul3A_401 = arith.muli %scan3A_98, %mul3A_400 : i32
        %add3A_402 = arith.constant 2 : i32
        %add3A_403 = arith.addi %mul3A_401, %add3A_402 : i32
        %swap3A_404 = arith.index_cast %add3A_403 : i32 to index
        %swap3A_405 = arith.constant 16 : index
        %swap3A_406 = tpu.vector_load %arg6[%swap3A_404, %swap3A_405] {strides = array<i32>} : memref<64x128xi32, #tpu.memory_space<vmem>>, vector<1x16xi32>,
        %swap3A_407 = vector.shape_cast %swap3A_406 : vector<1x16xi32> to vector<16xi32>
        %swap3A_408 = vector.shape_cast %add3A_399 : vector<16xi32> to vector<1x16xi32>
        tpu.vector_store %arg6[%swap3A_404, %swap3A_405], %swap3A_408 {strides = array<i32>} : memref<64x128xi32, #tpu.memory_space<vmem>>, vector<1x16xi32>,
        %get3A_409 = arith.constant 2 : i32
        %get3A_410 = arith.index_cast %scan3A_33 : i32 to index
        %get3A_411 = arith.index_cast %get3A_409 : i32 to index
        %get3A_412 = arith.constant 32 : index
        %get3A_413 = tpu.vector_load %arg5[%get3A_410, %get3A_411, %get3A_412] {strides = array<i32>} : memref<10x4x128xi32, #tpu.memory_space<vmem>>, vector<1x1x16xi32>,
        %get3A_414 = vector.shape_cast %get3A_413 : vector<1x1x16xi32> to vector<16xi32>
        %add3A_415 = vector.broadcast %mul3A_104 : i32 to vector<16xi32>
        %add3A_416 = arith.addi %get3A_414, %add3A_415 : vector<16xi32>
        %mul3A_417 = arith.constant 4 : i32
        %mul3A_418 = arith.muli %scan3A_98, %mul3A_417 : i32
        %add3A_419 = arith.constant 2 : i32
        %add3A_420 = arith.addi %mul3A_418, %add3A_419 : i32
        %swap3A_421 = arith.index_cast %add3A_420 : i32 to index
        %swap3A_422 = arith.constant 32 : index
        %swap3A_423 = tpu.vector_load %arg6[%swap3A_421, %swap3A_422] {strides = array<i32>} : memref<64x128xi32, #tpu.memory_space<vmem>>, vector<1x16xi32>,
        %swap3A_424 = vector.shape_cast %swap3A_423 : vector<1x16xi32> to vector<16xi32>
        %swap3A_425 = vector.shape_cast %add3A_416 : vector<16xi32> to vector<1x16xi32>
        tpu.vector_store %arg6[%swap3A_421, %swap3A_422], %swap3A_425 {strides = array<i32>} : memref<64x128xi32, #tpu.memory_space<vmem>>, vector<1x16xi32>,
        %get3A_426 = arith.constant 2 : i32
        %get3A_427 = arith.index_cast %scan3A_33 : i32 to index
        %get3A_428 = arith.index_cast %get3A_426 : i32 to index
        %get3A_429 = arith.constant 48 : index
        %get3A_430 = tpu.vector_load %arg5[%get3A_427, %get3A_428, %get3A_429] {strides = array<i32>} : memref<10x4x128xi32, #tpu.memory_space<vmem>>, vector<1x1x16xi32>,
        %get3A_431 = vector.shape_cast %get3A_430 : vector<1x1x16xi32> to vector<16xi32>
        %add3A_432 = vector.broadcast %mul3A_104 : i32 to vector<16xi32>
        %add3A_433 = arith.addi %get3A_431, %add3A_432 : vector<16xi32>
        %mul3A_434 = arith.constant 4 : i32
        %mul3A_435 = arith.muli %scan3A_98, %mul3A_434 : i32
        %add3A_436 = arith.constant 2 : i32
        %add3A_437 = arith.addi %mul3A_435, %add3A_436 : i32
        %swap3A_438 = arith.index_cast %add3A_437 : i32 to index
        %swap3A_439 = arith.constant 48 : index
        %swap3A_440 = tpu.vector_load %arg6[%swap3A_438, %swap3A_439] {strides = array<i32>} : memref<64x128xi32, #tpu.memory_space<vmem>>, vector<1x16xi32>,
        %swap3A_441 = vector.shape_cast %swap3A_440 : vector<1x16xi32> to vector<16xi32>
        %swap3A_442 = vector.shape_cast %add3A_433 : vector<16xi32> to vector<1x16xi32>
        tpu.vector_store %arg6[%swap3A_438, %swap3A_439], %swap3A_442 {strides = array<i32>} : memref<64x128xi32, #tpu.memory_space<vmem>>, vector<1x16xi32>,
        %get3A_443 = arith.constant 2 : i32
        %get3A_444 = arith.index_cast %scan3A_33 : i32 to index
        %get3A_445 = arith.index_cast %get3A_443 : i32 to index
        %get3A_446 = arith.constant 64 : index
        %get3A_447 = tpu.vector_load %arg5[%get3A_444, %get3A_445, %get3A_446] {strides = array<i32>} : memref<10x4x128xi32, #tpu.memory_space<vmem>>, vector<1x1x16xi32>,
        %get3A_448 = vector.shape_cast %get3A_447 : vector<1x1x16xi32> to vector<16xi32>
        %add3A_449 = vector.broadcast %mul3A_104 : i32 to vector<16xi32>
        %add3A_450 = arith.addi %get3A_448, %add3A_449 : vector<16xi32>
        %mul3A_451 = arith.constant 4 : i32
        %mul3A_452 = arith.muli %scan3A_98, %mul3A_451 : i32
        %add3A_453 = arith.constant 2 : i32
        %add3A_454 = arith.addi %mul3A_452, %add3A_453 : i32
        %swap3A_455 = arith.index_cast %add3A_454 : i32 to index
        %swap3A_456 = arith.constant 64 : index
        %swap3A_457 = tpu.vector_load %arg6[%swap3A_455, %swap3A_456] {strides = array<i32>} : memref<64x128xi32, #tpu.memory_space<vmem>>, vector<1x16xi32>,
        %swap3A_458 = vector.shape_cast %swap3A_457 : vector<1x16xi32> to vector<16xi32>
        %swap3A_459 = vector.shape_cast %add3A_450 : vector<16xi32> to vector<1x16xi32>
        tpu.vector_store %arg6[%swap3A_455, %swap3A_456], %swap3A_459 {strides = array<i32>} : memref<64x128xi32, #tpu.memory_space<vmem>>, vector<1x16xi32>,
        %get3A_460 = arith.constant 2 : i32
        %get3A_461 = arith.index_cast %scan3A_33 : i32 to index
        %get3A_462 = arith.index_cast %get3A_460 : i32 to index
        %get3A_463 = arith.constant 80 : index
        %get3A_464 = tpu.vector_load %arg5[%get3A_461, %get3A_462, %get3A_463] {strides = array<i32>} : memref<10x4x128xi32, #tpu.memory_space<vmem>>, vector<1x1x16xi32>,
        %get3A_465 = vector.shape_cast %get3A_464 : vector<1x1x16xi32> to vector<16xi32>
        %add3A_466 = vector.broadcast %mul3A_104 : i32 to vector<16xi32>
        %add3A_467 = arith.addi %get3A_465, %add3A_466 : vector<16xi32>
        %mul3A_468 = arith.constant 4 : i32
        %mul3A_469 = arith.muli %scan3A_98, %mul3A_468 : i32
        %add3A_470 = arith.constant 2 : i32
        %add3A_471 = arith.addi %mul3A_469, %add3A_470 : i32
        %swap3A_472 = arith.index_cast %add3A_471 : i32 to index
        %swap3A_473 = arith.constant 80 : index
        %swap3A_474 = tpu.vector_load %arg6[%swap3A_472, %swap3A_473] {strides = array<i32>} : memref<64x128xi32, #tpu.memory_space<vmem>>, vector<1x16xi32>,
        %swap3A_475 = vector.shape_cast %swap3A_474 : vector<1x16xi32> to vector<16xi32>
        %swap3A_476 = vector.shape_cast %add3A_467 : vector<16xi32> to vector<1x16xi32>
        tpu.vector_store %arg6[%swap3A_472, %swap3A_473], %swap3A_476 {strides = array<i32>} : memref<64x128xi32, #tpu.memory_space<vmem>>, vector<1x16xi32>,
        %get3A_477 = arith.constant 2 : i32
        %get3A_478 = arith.index_cast %scan3A_33 : i32 to index
        %get3A_479 = arith.index_cast %get3A_477 : i32 to index
        %get3A_480 = arith.constant 96 : index
        %get3A_481 = tpu.vector_load %arg5[%get3A_478, %get3A_479, %get3A_480] {strides = array<i32>} : memref<10x4x128xi32, #tpu.memory_space<vmem>>, vector<1x1x16xi32>,
        %get3A_482 = vector.shape_cast %get3A_481 : vector<1x1x16xi32> to vector<16xi32>
        %add3A_483 = vector.broadcast %mul3A_104 : i32 to vector<16xi32>
        %add3A_484 = arith.addi %get3A_482, %add3A_483 : vector<16xi32>
        %mul3A_485 = arith.constant 4 : i32
        %mul3A_486 = arith.muli %scan3A_98, %mul3A_485 : i32
        %add3A_487 = arith.constant 2 : i32
        %add3A_488 = arith.addi %mul3A_486, %add3A_487 : i32
        %swap3A_489 = arith.index_cast %add3A_488 : i32 to index
        %swap3A_490 = arith.constant 96 : index
        %swap3A_491 = tpu.vector_load %arg6[%swap3A_489, %swap3A_490] {strides = array<i32>} : memref<64x128xi32, #tpu.memory_space<vmem>>, vector<1x16xi32>,
        %swap3A_492 = vector.shape_cast %swap3A_491 : vector<1x16xi32> to vector<16xi32>
        %swap3A_493 = vector.shape_cast %add3A_484 : vector<16xi32> to vector<1x16xi32>
        tpu.vector_store %arg6[%swap3A_489, %swap3A_490], %swap3A_493 {strides = array<i32>} : memref<64x128xi32, #tpu.memory_space<vmem>>, vector<1x16xi32>,
        %get3A_494 = arith.constant 2 : i32
        %get3A_495 = arith.index_cast %scan3A_33 : i32 to index
        %get3A_496 = arith.index_cast %get3A_494 : i32 to index
        %get3A_497 = arith.constant 112 : index
        %get3A_498 = tpu.vector_load %arg5[%get3A_495, %get3A_496, %get3A_497] {strides = array<i32>} : memref<10x4x128xi32, #tpu.memory_space<vmem>>, vector<1x1x16xi32>,
        %get3A_499 = vector.shape_cast %get3A_498 : vector<1x1x16xi32> to vector<16xi32>
        %add3A_500 = vector.broadcast %mul3A_104 : i32 to vector<16xi32>
        %add3A_501 = arith.addi %get3A_499, %add3A_500 : vector<16xi32>
        %mul3A_502 = arith.constant 4 : i32
        %mul3A_503 = arith.muli %scan3A_98, %mul3A_502 : i32
        %add3A_504 = arith.constant 2 : i32
        %add3A_505 = arith.addi %mul3A_503, %add3A_504 : i32
        %swap3A_506 = arith.index_cast %add3A_505 : i32 to index
        %swap3A_507 = arith.constant 112 : index
        %swap3A_508 = tpu.vector_load %arg6[%swap3A_506, %swap3A_507] {strides = array<i32>} : memref<64x128xi32, #tpu.memory_space<vmem>>, vector<1x16xi32>,
        %swap3A_509 = vector.shape_cast %swap3A_508 : vector<1x16xi32> to vector<16xi32>
        %swap3A_510 = vector.shape_cast %add3A_501 : vector<16xi32> to vector<1x16xi32>
        tpu.vector_store %arg6[%swap3A_506, %swap3A_507], %swap3A_510 {strides = array<i32>} : memref<64x128xi32, #tpu.memory_space<vmem>>, vector<1x16xi32>,
        %get3A_511 = arith.constant 3 : i32
        %get3A_512 = arith.index_cast %scan3A_33 : i32 to index
        %get3A_513 = arith.index_cast %get3A_511 : i32 to index
        %get3A_514 = arith.constant 0 : index
        %get3A_515 = tpu.vector_load %arg5[%get3A_512, %get3A_513, %get3A_514] {strides = array<i32>} : memref<10x4x128xi32, #tpu.memory_space<vmem>>, vector<1x1x16xi32>,
        %get3A_516 = vector.shape_cast %get3A_515 : vector<1x1x16xi32> to vector<16xi32>
        %add3A_517 = vector.broadcast %mul3A_104 : i32 to vector<16xi32>
        %add3A_518 = arith.addi %get3A_516, %add3A_517 : vector<16xi32>
        %mul3A_519 = arith.constant 4 : i32
        %mul3A_520 = arith.muli %scan3A_98, %mul3A_519 : i32
        %add3A_521 = arith.constant 3 : i32
        %add3A_522 = arith.addi %mul3A_520, %add3A_521 : i32
        %swap3A_523 = arith.index_cast %add3A_522 : i32 to index
        %swap3A_524 = arith.constant 0 : index
        %swap3A_525 = tpu.vector_load %arg6[%swap3A_523, %swap3A_524] {strides = array<i32>} : memref<64x128xi32, #tpu.memory_space<vmem>>, vector<1x16xi32>,
        %swap3A_526 = vector.shape_cast %swap3A_525 : vector<1x16xi32> to vector<16xi32>
        %swap3A_527 = vector.shape_cast %add3A_518 : vector<16xi32> to vector<1x16xi32>
        tpu.vector_store %arg6[%swap3A_523, %swap3A_524], %swap3A_527 {strides = array<i32>} : memref<64x128xi32, #tpu.memory_space<vmem>>, vector<1x16xi32>,
        %get3A_528 = arith.constant 3 : i32
        %get3A_529 = arith.index_cast %scan3A_33 : i32 to index
        %get3A_530 = arith.index_cast %get3A_528 : i32 to index
        %get3A_531 = arith.constant 16 : index
        %get3A_532 = tpu.vector_load %arg5[%get3A_529, %get3A_530, %get3A_531] {strides = array<i32>} : memref<10x4x128xi32, #tpu.memory_space<vmem>>, vector<1x1x16xi32>,
        %get3A_533 = vector.shape_cast %get3A_532 : vector<1x1x16xi32> to vector<16xi32>
        %add3A_534 = vector.broadcast %mul3A_104 : i32 to vector<16xi32>
        %add3A_535 = arith.addi %get3A_533, %add3A_534 : vector<16xi32>
        %mul3A_536 = arith.constant 4 : i32
        %mul3A_537 = arith.muli %scan3A_98, %mul3A_536 : i32
        %add3A_538 = arith.constant 3 : i32
        %add3A_539 = arith.addi %mul3A_537, %add3A_538 : i32
        %swap3A_540 = arith.index_cast %add3A_539 : i32 to index
        %swap3A_541 = arith.constant 16 : index
        %swap3A_542 = tpu.vector_load %arg6[%swap3A_540, %swap3A_541] {strides = array<i32>} : memref<64x128xi32, #tpu.memory_space<vmem>>, vector<1x16xi32>,
        %swap3A_543 = vector.shape_cast %swap3A_542 : vector<1x16xi32> to vector<16xi32>
        %swap3A_544 = vector.shape_cast %add3A_535 : vector<16xi32> to vector<1x16xi32>
        tpu.vector_store %arg6[%swap3A_540, %swap3A_541], %swap3A_544 {strides = array<i32>} : memref<64x128xi32, #tpu.memory_space<vmem>>, vector<1x16xi32>,
        %get3A_545 = arith.constant 3 : i32
        %get3A_546 = arith.index_cast %scan3A_33 : i32 to index
        %get3A_547 = arith.index_cast %get3A_545 : i32 to index
        %get3A_548 = arith.constant 32 : index
        %get3A_549 = tpu.vector_load %arg5[%get3A_546, %get3A_547, %get3A_548] {strides = array<i32>} : memref<10x4x128xi32, #tpu.memory_space<vmem>>, vector<1x1x16xi32>,
        %get3A_550 = vector.shape_cast %get3A_549 : vector<1x1x16xi32> to vector<16xi32>
        %add3A_551 = vector.broadcast %mul3A_104 : i32 to vector<16xi32>
        %add3A_552 = arith.addi %get3A_550, %add3A_551 : vector<16xi32>
        %mul3A_553 = arith.constant 4 : i32
        %mul3A_554 = arith.muli %scan3A_98, %mul3A_553 : i32
        %add3A_555 = arith.constant 3 : i32
        %add3A_556 = arith.addi %mul3A_554, %add3A_555 : i32
        %swap3A_557 = arith.index_cast %add3A_556 : i32 to index
        %swap3A_558 = arith.constant 32 : index
        %swap3A_559 = tpu.vector_load %arg6[%swap3A_557, %swap3A_558] {strides = array<i32>} : memref<64x128xi32, #tpu.memory_space<vmem>>, vector<1x16xi32>,
        %swap3A_560 = vector.shape_cast %swap3A_559 : vector<1x16xi32> to vector<16xi32>
        %swap3A_561 = vector.shape_cast %add3A_552 : vector<16xi32> to vector<1x16xi32>
        tpu.vector_store %arg6[%swap3A_557, %swap3A_558], %swap3A_561 {strides = array<i32>} : memref<64x128xi32, #tpu.memory_space<vmem>>, vector<1x16xi32>,
        %get3A_562 = arith.constant 3 : i32
        %get3A_563 = arith.index_cast %scan3A_33 : i32 to index
        %get3A_564 = arith.index_cast %get3A_562 : i32 to index
        %get3A_565 = arith.constant 48 : index
        %get3A_566 = tpu.vector_load %arg5[%get3A_563, %get3A_564, %get3A_565] {strides = array<i32>} : memref<10x4x128xi32, #tpu.memory_space<vmem>>, vector<1x1x16xi32>,
        %get3A_567 = vector.shape_cast %get3A_566 : vector<1x1x16xi32> to vector<16xi32>
        %add3A_568 = vector.broadcast %mul3A_104 : i32 to vector<16xi32>
        %add3A_569 = arith.addi %get3A_567, %add3A_568 : vector<16xi32>
        %mul3A_570 = arith.constant 4 : i32
        %mul3A_571 = arith.muli %scan3A_98, %mul3A_570 : i32
        %add3A_572 = arith.constant 3 : i32
        %add3A_573 = arith.addi %mul3A_571, %add3A_572 : i32
        %swap3A_574 = arith.index_cast %add3A_573 : i32 to index
        %swap3A_575 = arith.constant 48 : index
        %swap3A_576 = tpu.vector_load %arg6[%swap3A_574, %swap3A_575] {strides = array<i32>} : memref<64x128xi32, #tpu.memory_space<vmem>>, vector<1x16xi32>,
        %swap3A_577 = vector.shape_cast %swap3A_576 : vector<1x16xi32> to vector<16xi32>
        %swap3A_578 = vector.shape_cast %add3A_569 : vector<16xi32> to vector<1x16xi32>
        tpu.vector_store %arg6[%swap3A_574, %swap3A_575], %swap3A_578 {strides = array<i32>} : memref<64x128xi32, #tpu.memory_space<vmem>>, vector<1x16xi32>,
        %get3A_579 = arith.constant 3 : i32
        %get3A_580 = arith.index_cast %scan3A_33 : i32 to index
        %get3A_581 = arith.index_cast %get3A_579 : i32 to index
        %get3A_582 = arith.constant 64 : index
        %get3A_583 = tpu.vector_load %arg5[%get3A_580, %get3A_581, %get3A_582] {strides = array<i32>} : memref<10x4x128xi32, #tpu.memory_space<vmem>>, vector<1x1x16xi32>,
        %get3A_584 = vector.shape_cast %get3A_583 : vector<1x1x16xi32> to vector<16xi32>
        %add3A_585 = vector.broadcast %mul3A_104 : i32 to vector<16xi32>
        %add3A_586 = arith.addi %get3A_584, %add3A_585 : vector<16xi32>
        %mul3A_587 = arith.constant 4 : i32
        %mul3A_588 = arith.muli %scan3A_98, %mul3A_587 : i32
        %add3A_589 = arith.constant 3 : i32
        %add3A_590 = arith.addi %mul3A_588, %add3A_589 : i32
        %swap3A_591 = arith.index_cast %add3A_590 : i32 to index
        %swap3A_592 = arith.constant 64 : index
        %swap3A_593 = tpu.vector_load %arg6[%swap3A_591, %swap3A_592] {strides = array<i32>} : memref<64x128xi32, #tpu.memory_space<vmem>>, vector<1x16xi32>,
        %swap3A_594 = vector.shape_cast %swap3A_593 : vector<1x16xi32> to vector<16xi32>
        %swap3A_595 = vector.shape_cast %add3A_586 : vector<16xi32> to vector<1x16xi32>
        tpu.vector_store %arg6[%swap3A_591, %swap3A_592], %swap3A_595 {strides = array<i32>} : memref<64x128xi32, #tpu.memory_space<vmem>>, vector<1x16xi32>,
        %get3A_596 = arith.constant 3 : i32
        %get3A_597 = arith.index_cast %scan3A_33 : i32 to index
        %get3A_598 = arith.index_cast %get3A_596 : i32 to index
        %get3A_599 = arith.constant 80 : index
        %get3A_600 = tpu.vector_load %arg5[%get3A_597, %get3A_598, %get3A_599] {strides = array<i32>} : memref<10x4x128xi32, #tpu.memory_space<vmem>>, vector<1x1x16xi32>,
        %get3A_601 = vector.shape_cast %get3A_600 : vector<1x1x16xi32> to vector<16xi32>
        %add3A_602 = vector.broadcast %mul3A_104 : i32 to vector<16xi32>
        %add3A_603 = arith.addi %get3A_601, %add3A_602 : vector<16xi32>
        %mul3A_604 = arith.constant 4 : i32
        %mul3A_605 = arith.muli %scan3A_98, %mul3A_604 : i32
        %add3A_606 = arith.constant 3 : i32
        %add3A_607 = arith.addi %mul3A_605, %add3A_606 : i32
        %swap3A_608 = arith.index_cast %add3A_607 : i32 to index
        %swap3A_609 = arith.constant 80 : index
        %swap3A_610 = tpu.vector_load %arg6[%swap3A_608, %swap3A_609] {strides = array<i32>} : memref<64x128xi32, #tpu.memory_space<vmem>>, vector<1x16xi32>,
        %swap3A_611 = vector.shape_cast %swap3A_610 : vector<1x16xi32> to vector<16xi32>
        %swap3A_612 = vector.shape_cast %add3A_603 : vector<16xi32> to vector<1x16xi32>
        tpu.vector_store %arg6[%swap3A_608, %swap3A_609], %swap3A_612 {strides = array<i32>} : memref<64x128xi32, #tpu.memory_space<vmem>>, vector<1x16xi32>,
        %get3A_613 = arith.constant 3 : i32
        %get3A_614 = arith.index_cast %scan3A_33 : i32 to index
        %get3A_615 = arith.index_cast %get3A_613 : i32 to index
        %get3A_616 = arith.constant 96 : index
        %get3A_617 = tpu.vector_load %arg5[%get3A_614, %get3A_615, %get3A_616] {strides = array<i32>} : memref<10x4x128xi32, #tpu.memory_space<vmem>>, vector<1x1x16xi32>,
        %get3A_618 = vector.shape_cast %get3A_617 : vector<1x1x16xi32> to vector<16xi32>
        %add3A_619 = vector.broadcast %mul3A_104 : i32 to vector<16xi32>
        %add3A_620 = arith.addi %get3A_618, %add3A_619 : vector<16xi32>
        %mul3A_621 = arith.constant 4 : i32
        %mul3A_622 = arith.muli %scan3A_98, %mul3A_621 : i32
        %add3A_623 = arith.constant 3 : i32
        %add3A_624 = arith.addi %mul3A_622, %add3A_623 : i32
        %swap3A_625 = arith.index_cast %add3A_624 : i32 to index
        %swap3A_626 = arith.constant 96 : index
        %swap3A_627 = tpu.vector_load %arg6[%swap3A_625, %swap3A_626] {strides = array<i32>} : memref<64x128xi32, #tpu.memory_space<vmem>>, vector<1x16xi32>,
        %swap3A_628 = vector.shape_cast %swap3A_627 : vector<1x16xi32> to vector<16xi32>
        %swap3A_629 = vector.shape_cast %add3A_620 : vector<16xi32> to vector<1x16xi32>
        tpu.vector_store %arg6[%swap3A_625, %swap3A_626], %swap3A_629 {strides = array<i32>} : memref<64x128xi32, #tpu.memory_space<vmem>>, vector<1x16xi32>,
        %get3A_630 = arith.constant 3 : i32
        %get3A_631 = arith.index_cast %scan3A_33 : i32 to index
        %get3A_632 = arith.index_cast %get3A_630 : i32 to index
        %get3A_633 = arith.constant 112 : index
        %get3A_634 = tpu.vector_load %arg5[%get3A_631, %get3A_632, %get3A_633] {strides = array<i32>} : memref<10x4x128xi32, #tpu.memory_space<vmem>>, vector<1x1x16xi32>,
        %get3A_635 = vector.shape_cast %get3A_634 : vector<1x1x16xi32> to vector<16xi32>
        %add3A_636 = vector.broadcast %mul3A_104 : i32 to vector<16xi32>
        %add3A_637 = arith.addi %get3A_635, %add3A_636 : vector<16xi32>
        %mul3A_638 = arith.constant 4 : i32
        %mul3A_639 = arith.muli %scan3A_98, %mul3A_638 : i32
        %add3A_640 = arith.constant 3 : i32
        %add3A_641 = arith.addi %mul3A_639, %add3A_640 : i32
        %swap3A_642 = arith.index_cast %add3A_641 : i32 to index
        %swap3A_643 = arith.constant 112 : index
        %swap3A_644 = tpu.vector_load %arg6[%swap3A_642, %swap3A_643] {strides = array<i32>} : memref<64x128xi32, #tpu.memory_space<vmem>>, vector<1x16xi32>,
        %swap3A_645 = vector.shape_cast %swap3A_644 : vector<1x16xi32> to vector<16xi32>
        %swap3A_646 = vector.shape_cast %add3A_637 : vector<16xi32> to vector<1x16xi32>
        tpu.vector_store %arg6[%swap3A_642, %swap3A_643], %swap3A_646 {strides = array<i32>} : memref<64x128xi32, #tpu.memory_space<vmem>>, vector<1x16xi32>,
        %scan3A_647 = arith.constant 0 : i32
        scf.yield %scan3A_647 : i32
      }
      %scan3A_41 = arith.constant 16 : i32
      %scan3A_42 = arith.constant 0 : i32
      %scan3A_43 = arith.constant 0 : i32
      %scan3A_44 = arith.constant 4 : i32
      %scan3A_45 = arith.addi %scan3A_43, %scan3A_44 : i32
      %scan3A_46 = arith.constant 1 : i32
      %scan3A_47 = scf.for %scan3A_98 = %scan3A_43 to %scan3A_45 step %scan3A_46 iter_args(%scan3A_99 = %scan3A_42) -> (i32)  : i32 {
        %mul3A_100 = arith.constant 16 : i32
        %mul3A_101 = arith.muli %scan3A_98, %mul3A_100 : i32
        %add3A_102 = arith.constant 0 : i32
        %add3A_103 = arith.addi %mul3A_101, %add3A_102 : i32
        %mul3A_104 = arith.constant 4 : i32
        %mul3A_105 = arith.muli %scan3A_98, %mul3A_104 : i32
        %add3A_106 = arith.constant 0 : i32
        %add3A_107 = arith.addi %mul3A_105, %add3A_106 : i32
        %dma_start3A = arith.constant 0 : i32
        %dma_start3A_108 = tpu.memref_slice %arg7[%add3A_107, %dma_start3A] : memref<16x512xf32, #tpu.memory_space<vmem>> -> memref<1x128xf32, #tpu.memory_space<vmem>>
        %dma_start3A_109 = tpu.memref_squeeze %dma_start3A_108 : memref<1x128xf32, #tpu.memory_space<vmem>> -> memref<128xf32, #tpu.memory_space<vmem>>
        %dma_start3A_110 = arith.constant 0 : i32
        %dma_start3A_111 = tpu.memref_slice %arg6[%add3A_103, %dma_start3A_110] : memref<64x128xi32, #tpu.memory_space<vmem>> -> memref<1x128xi32, #tpu.memory_space<vmem>>
        %dma_start3A_112 = tpu.memref_squeeze %dma_start3A_111 : memref<1x128xi32, #tpu.memory_space<vmem>> -> memref<128xi32, #tpu.memory_space<vmem>>
        %dma_start3A_113 = arith.constant 0 : i32
        %dma_start3A_114 = tpu.memref_slice %arg3[%dma_start3A_113] : memref<16000000xf32, #tpu.memory_space<hbm>> -> memref<16000000xf32, #tpu.memory_space<hbm>>
        tpu.enqueue_indirect_dma source(%dma_start3A_114 : memref<16000000xf32, #tpu.memory_space<hbm>>) target(%dma_start3A_109 : memref<128xf32, #tpu.memory_space<vmem>>) offsets(%dma_start3A_112 : memref<128xi32, #tpu.memory_space<vmem>>) semaphore(%arg9 : memref<!tpu.dma_semaphore, #tpu.memory_space<semaphore_mem>>)
        %mul3A_115 = arith.constant 16 : i32
        %mul3A_116 = arith.muli %scan3A_98, %mul3A_115 : i32
        %add3A_117 = arith.constant 1 : i32
        %add3A_118 = arith.addi %mul3A_116, %add3A_117 : i32
        %mul3A_119 = arith.constant 4 : i32
        %mul3A_120 = arith.muli %scan3A_98, %mul3A_119 : i32
        %add3A_121 = arith.constant 0 : i32
        %add3A_122 = arith.addi %mul3A_120, %add3A_121 : i32
        %dma_start3A_123 = arith.constant 128 : i32
        %dma_start3A_124 = tpu.memref_slice %arg7[%add3A_122, %dma_start3A_123] : memref<16x512xf32, #tpu.memory_space<vmem>> -> memref<1x128xf32, #tpu.memory_space<vmem>>
        %dma_start3A_125 = tpu.memref_squeeze %dma_start3A_124 : memref<1x128xf32, #tpu.memory_space<vmem>> -> memref<128xf32, #tpu.memory_space<vmem>>
        %dma_start3A_126 = arith.constant 0 : i32
        %dma_start3A_127 = tpu.memref_slice %arg6[%add3A_118, %dma_start3A_126] : memref<64x128xi32, #tpu.memory_space<vmem>> -> memref<1x128xi32, #tpu.memory_space<vmem>>
        %dma_start3A_128 = tpu.memref_squeeze %dma_start3A_127 : memref<1x128xi32, #tpu.memory_space<vmem>> -> memref<128xi32, #tpu.memory_space<vmem>>
        %dma_start3A_129 = arith.constant 0 : i32
        %dma_start3A_130 = tpu.memref_slice %arg3[%dma_start3A_129] : memref<16000000xf32, #tpu.memory_space<hbm>> -> memref<16000000xf32, #tpu.memory_space<hbm>>
        tpu.enqueue_indirect_dma source(%dma_start3A_130 : memref<16000000xf32, #tpu.memory_space<hbm>>) target(%dma_start3A_125 : memref<128xf32, #tpu.memory_space<vmem>>) offsets(%dma_start3A_128 : memref<128xi32, #tpu.memory_space<vmem>>) semaphore(%arg9 : memref<!tpu.dma_semaphore, #tpu.memory_space<semaphore_mem>>)
        %mul3A_131 = arith.constant 16 : i32
        %mul3A_132 = arith.muli %scan3A_98, %mul3A_131 : i32
        %add3A_133 = arith.constant 2 : i32
        %add3A_134 = arith.addi %mul3A_132, %add3A_133 : i32
        %mul3A_135 = arith.constant 4 : i32
        %mul3A_136 = arith.muli %scan3A_98, %mul3A_135 : i32
        %add3A_137 = arith.constant 0 : i32
        %add3A_138 = arith.addi %mul3A_136, %add3A_137 : i32
        %dma_start3A_139 = arith.constant 256 : i32
        %dma_start3A_140 = tpu.memref_slice %arg7[%add3A_138, %dma_start3A_139] : memref<16x512xf32, #tpu.memory_space<vmem>> -> memref<1x128xf32, #tpu.memory_space<vmem>>
        %dma_start3A_141 = tpu.memref_squeeze %dma_start3A_140 : memref<1x128xf32, #tpu.memory_space<vmem>> -> memref<128xf32, #tpu.memory_space<vmem>>
        %dma_start3A_142 = arith.constant 0 : i32
        %dma_start3A_143 = tpu.memref_slice %arg6[%add3A_134, %dma_start3A_142] : memref<64x128xi32, #tpu.memory_space<vmem>> -> memref<1x128xi32, #tpu.memory_space<vmem>>
        %dma_start3A_144 = tpu.memref_squeeze %dma_start3A_143 : memref<1x128xi32, #tpu.memory_space<vmem>> -> memref<128xi32, #tpu.memory_space<vmem>>
        %dma_start3A_145 = arith.constant 0 : i32
        %dma_start3A_146 = tpu.memref_slice %arg3[%dma_start3A_145] : memref<16000000xf32, #tpu.memory_space<hbm>> -> memref<16000000xf32, #tpu.memory_space<hbm>>
        tpu.enqueue_indirect_dma source(%dma_start3A_146 : memref<16000000xf32, #tpu.memory_space<hbm>>) target(%dma_start3A_141 : memref<128xf32, #tpu.memory_space<vmem>>) offsets(%dma_start3A_144 : memref<128xi32, #tpu.memory_space<vmem>>) semaphore(%arg9 : memref<!tpu.dma_semaphore, #tpu.memory_space<semaphore_mem>>)
        %mul3A_147 = arith.constant 16 : i32
        %mul3A_148 = arith.muli %scan3A_98, %mul3A_147 : i32
        %add3A_149 = arith.constant 3 : i32
        %add3A_150 = arith.addi %mul3A_148, %add3A_149 : i32
        %mul3A_151 = arith.constant 4 : i32
        %mul3A_152 = arith.muli %scan3A_98, %mul3A_151 : i32
        %add3A_153 = arith.constant 0 : i32
        %add3A_154 = arith.addi %mul3A_152, %add3A_153 : i32
        %dma_start3A_155 = arith.constant 384 : i32
        %dma_start3A_156 = tpu.memref_slice %arg7[%add3A_154, %dma_start3A_155] : memref<16x512xf32, #tpu.memory_space<vmem>> -> memref<1x128xf32, #tpu.memory_space<vmem>>
        %dma_start3A_157 = tpu.memref_squeeze %dma_start3A_156 : memref<1x128xf32, #tpu.memory_space<vmem>> -> memref<128xf32, #tpu.memory_space<vmem>>
        %dma_start3A_158 = arith.constant 0 : i32
        %dma_start3A_159 = tpu.memref_slice %arg6[%add3A_150, %dma_start3A_158] : memref<64x128xi32, #tpu.memory_space<vmem>> -> memref<1x128xi32, #tpu.memory_space<vmem>>
        %dma_start3A_160 = tpu.memref_squeeze %dma_start3A_159 : memref<1x128xi32, #tpu.memory_space<vmem>> -> memref<128xi32, #tpu.memory_space<vmem>>
        %dma_start3A_161 = arith.constant 0 : i32
        %dma_start3A_162 = tpu.memref_slice %arg3[%dma_start3A_161] : memref<16000000xf32, #tpu.memory_space<hbm>> -> memref<16000000xf32, #tpu.memory_space<hbm>>
        tpu.enqueue_indirect_dma source(%dma_start3A_162 : memref<16000000xf32, #tpu.memory_space<hbm>>) target(%dma_start3A_157 : memref<128xf32, #tpu.memory_space<vmem>>) offsets(%dma_start3A_160 : memref<128xi32, #tpu.memory_space<vmem>>) semaphore(%arg9 : memref<!tpu.dma_semaphore, #tpu.memory_space<semaphore_mem>>)
        %mul3A_163 = arith.constant 16 : i32
        %mul3A_164 = arith.muli %scan3A_98, %mul3A_163 : i32
        %add3A_165 = arith.constant 4 : i32
        %add3A_166 = arith.addi %mul3A_164, %add3A_165 : i32
        %mul3A_167 = arith.constant 4 : i32
        %mul3A_168 = arith.muli %scan3A_98, %mul3A_167 : i32
        %add3A_169 = arith.constant 1 : i32
        %add3A_170 = arith.addi %mul3A_168, %add3A_169 : i32
        %dma_start3A_171 = arith.constant 0 : i32
        %dma_start3A_172 = tpu.memref_slice %arg7[%add3A_170, %dma_start3A_171] : memref<16x512xf32, #tpu.memory_space<vmem>> -> memref<1x128xf32, #tpu.memory_space<vmem>>
        %dma_start3A_173 = tpu.memref_squeeze %dma_start3A_172 : memref<1x128xf32, #tpu.memory_space<vmem>> -> memref<128xf32, #tpu.memory_space<vmem>>
        %dma_start3A_174 = arith.constant 0 : i32
        %dma_start3A_175 = tpu.memref_slice %arg6[%add3A_166, %dma_start3A_174] : memref<64x128xi32, #tpu.memory_space<vmem>> -> memref<1x128xi32, #tpu.memory_space<vmem>>
        %dma_start3A_176 = tpu.memref_squeeze %dma_start3A_175 : memref<1x128xi32, #tpu.memory_space<vmem>> -> memref<128xi32, #tpu.memory_space<vmem>>
        %dma_start3A_177 = arith.constant 0 : i32
        %dma_start3A_178 = tpu.memref_slice %arg3[%dma_start3A_177] : memref<16000000xf32, #tpu.memory_space<hbm>> -> memref<16000000xf32, #tpu.memory_space<hbm>>
        tpu.enqueue_indirect_dma source(%dma_start3A_178 : memref<16000000xf32, #tpu.memory_space<hbm>>) target(%dma_start3A_173 : memref<128xf32, #tpu.memory_space<vmem>>) offsets(%dma_start3A_176 : memref<128xi32, #tpu.memory_space<vmem>>) semaphore(%arg9 : memref<!tpu.dma_semaphore, #tpu.memory_space<semaphore_mem>>)
        %mul3A_179 = arith.constant 16 : i32
        %mul3A_180 = arith.muli %scan3A_98, %mul3A_179 : i32
        %add3A_181 = arith.constant 5 : i32
        %add3A_182 = arith.addi %mul3A_180, %add3A_181 : i32
        %mul3A_183 = arith.constant 4 : i32
        %mul3A_184 = arith.muli %scan3A_98, %mul3A_183 : i32
        %add3A_185 = arith.constant 1 : i32
        %add3A_186 = arith.addi %mul3A_184, %add3A_185 : i32
        %dma_start3A_187 = arith.constant 128 : i32
        %dma_start3A_188 = tpu.memref_slice %arg7[%add3A_186, %dma_start3A_187] : memref<16x512xf32, #tpu.memory_space<vmem>> -> memref<1x128xf32, #tpu.memory_space<vmem>>
        %dma_start3A_189 = tpu.memref_squeeze %dma_start3A_188 : memref<1x128xf32, #tpu.memory_space<vmem>> -> memref<128xf32, #tpu.memory_space<vmem>>
        %dma_start3A_190 = arith.constant 0 : i32
        %dma_start3A_191 = tpu.memref_slice %arg6[%add3A_182, %dma_start3A_190] : memref<64x128xi32, #tpu.memory_space<vmem>> -> memref<1x128xi32, #tpu.memory_space<vmem>>
        %dma_start3A_192 = tpu.memref_squeeze %dma_start3A_191 : memref<1x128xi32, #tpu.memory_space<vmem>> -> memref<128xi32, #tpu.memory_space<vmem>>
        %dma_start3A_193 = arith.constant 0 : i32
        %dma_start3A_194 = tpu.memref_slice %arg3[%dma_start3A_193] : memref<16000000xf32, #tpu.memory_space<hbm>> -> memref<16000000xf32, #tpu.memory_space<hbm>>
        tpu.enqueue_indirect_dma source(%dma_start3A_194 : memref<16000000xf32, #tpu.memory_space<hbm>>) target(%dma_start3A_189 : memref<128xf32, #tpu.memory_space<vmem>>) offsets(%dma_start3A_192 : memref<128xi32, #tpu.memory_space<vmem>>) semaphore(%arg9 : memref<!tpu.dma_semaphore, #tpu.memory_space<semaphore_mem>>)
        %mul3A_195 = arith.constant 16 : i32
        %mul3A_196 = arith.muli %scan3A_98, %mul3A_195 : i32
        %add3A_197 = arith.constant 6 : i32
        %add3A_198 = arith.addi %mul3A_196, %add3A_197 : i32
        %mul3A_199 = arith.constant 4 : i32
        %mul3A_200 = arith.muli %scan3A_98, %mul3A_199 : i32
        %add3A_201 = arith.constant 1 : i32
        %add3A_202 = arith.addi %mul3A_200, %add3A_201 : i32
        %dma_start3A_203 = arith.constant 256 : i32
        %dma_start3A_204 = tpu.memref_slice %arg7[%add3A_202, %dma_start3A_203] : memref<16x512xf32, #tpu.memory_space<vmem>> -> memref<1x128xf32, #tpu.memory_space<vmem>>
        %dma_start3A_205 = tpu.memref_squeeze %dma_start3A_204 : memref<1x128xf32, #tpu.memory_space<vmem>> -> memref<128xf32, #tpu.memory_space<vmem>>
        %dma_start3A_206 = arith.constant 0 : i32
        %dma_start3A_207 = tpu.memref_slice %arg6[%add3A_198, %dma_start3A_206] : memref<64x128xi32, #tpu.memory_space<vmem>> -> memref<1x128xi32, #tpu.memory_space<vmem>>
        %dma_start3A_208 = tpu.memref_squeeze %dma_start3A_207 : memref<1x128xi32, #tpu.memory_space<vmem>> -> memref<128xi32, #tpu.memory_space<vmem>>
        %dma_start3A_209 = arith.constant 0 : i32
        %dma_start3A_210 = tpu.memref_slice %arg3[%dma_start3A_209] : memref<16000000xf32, #tpu.memory_space<hbm>> -> memref<16000000xf32, #tpu.memory_space<hbm>>
        tpu.enqueue_indirect_dma source(%dma_start3A_210 : memref<16000000xf32, #tpu.memory_space<hbm>>) target(%dma_start3A_205 : memref<128xf32, #tpu.memory_space<vmem>>) offsets(%dma_start3A_208 : memref<128xi32, #tpu.memory_space<vmem>>) semaphore(%arg9 : memref<!tpu.dma_semaphore, #tpu.memory_space<semaphore_mem>>)
        %mul3A_211 = arith.constant 16 : i32
        %mul3A_212 = arith.muli %scan3A_98, %mul3A_211 : i32
        %add3A_213 = arith.constant 7 : i32
        %add3A_214 = arith.addi %mul3A_212, %add3A_213 : i32
        %mul3A_215 = arith.constant 4 : i32
        %mul3A_216 = arith.muli %scan3A_98, %mul3A_215 : i32
        %add3A_217 = arith.constant 1 : i32
        %add3A_218 = arith.addi %mul3A_216, %add3A_217 : i32
        %dma_start3A_219 = arith.constant 384 : i32
        %dma_start3A_220 = tpu.memref_slice %arg7[%add3A_218, %dma_start3A_219] : memref<16x512xf32, #tpu.memory_space<vmem>> -> memref<1x128xf32, #tpu.memory_space<vmem>>
        %dma_start3A_221 = tpu.memref_squeeze %dma_start3A_220 : memref<1x128xf32, #tpu.memory_space<vmem>> -> memref<128xf32, #tpu.memory_space<vmem>>
        %dma_start3A_222 = arith.constant 0 : i32
        %dma_start3A_223 = tpu.memref_slice %arg6[%add3A_214, %dma_start3A_222] : memref<64x128xi32, #tpu.memory_space<vmem>> -> memref<1x128xi32, #tpu.memory_space<vmem>>
        %dma_start3A_224 = tpu.memref_squeeze %dma_start3A_223 : memref<1x128xi32, #tpu.memory_space<vmem>> -> memref<128xi32, #tpu.memory_space<vmem>>
        %dma_start3A_225 = arith.constant 0 : i32
        %dma_start3A_226 = tpu.memref_slice %arg3[%dma_start3A_225] : memref<16000000xf32, #tpu.memory_space<hbm>> -> memref<16000000xf32, #tpu.memory_space<hbm>>
        tpu.enqueue_indirect_dma source(%dma_start3A_226 : memref<16000000xf32, #tpu.memory_space<hbm>>) target(%dma_start3A_221 : memref<128xf32, #tpu.memory_space<vmem>>) offsets(%dma_start3A_224 : memref<128xi32, #tpu.memory_space<vmem>>) semaphore(%arg9 : memref<!tpu.dma_semaphore, #tpu.memory_space<semaphore_mem>>)
        %mul3A_227 = arith.constant 16 : i32
        %mul3A_228 = arith.muli %scan3A_98, %mul3A_227 : i32
        %add3A_229 = arith.constant 8 : i32
        %add3A_230 = arith.addi %mul3A_228, %add3A_229 : i32
        %mul3A_231 = arith.constant 4 : i32
        %mul3A_232 = arith.muli %scan3A_98, %mul3A_231 : i32
        %add3A_233 = arith.constant 2 : i32
        %add3A_234 = arith.addi %mul3A_232, %add3A_233 : i32
        %dma_start3A_235 = arith.constant 0 : i32
        %dma_start3A_236 = tpu.memref_slice %arg7[%add3A_234, %dma_start3A_235] : memref<16x512xf32, #tpu.memory_space<vmem>> -> memref<1x128xf32, #tpu.memory_space<vmem>>
        %dma_start3A_237 = tpu.memref_squeeze %dma_start3A_236 : memref<1x128xf32, #tpu.memory_space<vmem>> -> memref<128xf32, #tpu.memory_space<vmem>>
        %dma_start3A_238 = arith.constant 0 : i32
        %dma_start3A_239 = tpu.memref_slice %arg6[%add3A_230, %dma_start3A_238] : memref<64x128xi32, #tpu.memory_space<vmem>> -> memref<1x128xi32, #tpu.memory_space<vmem>>
        %dma_start3A_240 = tpu.memref_squeeze %dma_start3A_239 : memref<1x128xi32, #tpu.memory_space<vmem>> -> memref<128xi32, #tpu.memory_space<vmem>>
        %dma_start3A_241 = arith.constant 0 : i32
        %dma_start3A_242 = tpu.memref_slice %arg3[%dma_start3A_241] : memref<16000000xf32, #tpu.memory_space<hbm>> -> memref<16000000xf32, #tpu.memory_space<hbm>>
        tpu.enqueue_indirect_dma source(%dma_start3A_242 : memref<16000000xf32, #tpu.memory_space<hbm>>) target(%dma_start3A_237 : memref<128xf32, #tpu.memory_space<vmem>>) offsets(%dma_start3A_240 : memref<128xi32, #tpu.memory_space<vmem>>) semaphore(%arg9 : memref<!tpu.dma_semaphore, #tpu.memory_space<semaphore_mem>>)
        %mul3A_243 = arith.constant 16 : i32
        %mul3A_244 = arith.muli %scan3A_98, %mul3A_243 : i32
        %add3A_245 = arith.constant 9 : i32
        %add3A_246 = arith.addi %mul3A_244, %add3A_245 : i32
        %mul3A_247 = arith.constant 4 : i32
        %mul3A_248 = arith.muli %scan3A_98, %mul3A_247 : i32
        %add3A_249 = arith.constant 2 : i32
        %add3A_250 = arith.addi %mul3A_248, %add3A_249 : i32
        %dma_start3A_251 = arith.constant 128 : i32
        %dma_start3A_252 = tpu.memref_slice %arg7[%add3A_250, %dma_start3A_251] : memref<16x512xf32, #tpu.memory_space<vmem>> -> memref<1x128xf32, #tpu.memory_space<vmem>>
        %dma_start3A_253 = tpu.memref_squeeze %dma_start3A_252 : memref<1x128xf32, #tpu.memory_space<vmem>> -> memref<128xf32, #tpu.memory_space<vmem>>
        %dma_start3A_254 = arith.constant 0 : i32
        %dma_start3A_255 = tpu.memref_slice %arg6[%add3A_246, %dma_start3A_254] : memref<64x128xi32, #tpu.memory_space<vmem>> -> memref<1x128xi32, #tpu.memory_space<vmem>>
        %dma_start3A_256 = tpu.memref_squeeze %dma_start3A_255 : memref<1x128xi32, #tpu.memory_space<vmem>> -> memref<128xi32, #tpu.memory_space<vmem>>
        %dma_start3A_257 = arith.constant 0 : i32
        %dma_start3A_258 = tpu.memref_slice %arg3[%dma_start3A_257] : memref<16000000xf32, #tpu.memory_space<hbm>> -> memref<16000000xf32, #tpu.memory_space<hbm>>
        tpu.enqueue_indirect_dma source(%dma_start3A_258 : memref<16000000xf32, #tpu.memory_space<hbm>>) target(%dma_start3A_253 : memref<128xf32, #tpu.memory_space<vmem>>) offsets(%dma_start3A_256 : memref<128xi32, #tpu.memory_space<vmem>>) semaphore(%arg9 : memref<!tpu.dma_semaphore, #tpu.memory_space<semaphore_mem>>)
        %mul3A_259 = arith.constant 16 : i32
        %mul3A_260 = arith.muli %scan3A_98, %mul3A_259 : i32
        %add3A_261 = arith.constant 10 : i32
        %add3A_262 = arith.addi %mul3A_260, %add3A_261 : i32
        %mul3A_263 = arith.constant 4 : i32
        %mul3A_264 = arith.muli %scan3A_98, %mul3A_263 : i32
        %add3A_265 = arith.constant 2 : i32
        %add3A_266 = arith.addi %mul3A_264, %add3A_265 : i32
        %dma_start3A_267 = arith.constant 256 : i32
        %dma_start3A_268 = tpu.memref_slice %arg7[%add3A_266, %dma_start3A_267] : memref<16x512xf32, #tpu.memory_space<vmem>> -> memref<1x128xf32, #tpu.memory_space<vmem>>
        %dma_start3A_269 = tpu.memref_squeeze %dma_start3A_268 : memref<1x128xf32, #tpu.memory_space<vmem>> -> memref<128xf32, #tpu.memory_space<vmem>>
        %dma_start3A_270 = arith.constant 0 : i32
        %dma_start3A_271 = tpu.memref_slice %arg6[%add3A_262, %dma_start3A_270] : memref<64x128xi32, #tpu.memory_space<vmem>> -> memref<1x128xi32, #tpu.memory_space<vmem>>
        %dma_start3A_272 = tpu.memref_squeeze %dma_start3A_271 : memref<1x128xi32, #tpu.memory_space<vmem>> -> memref<128xi32, #tpu.memory_space<vmem>>
        %dma_start3A_273 = arith.constant 0 : i32
        %dma_start3A_274 = tpu.memref_slice %arg3[%dma_start3A_273] : memref<16000000xf32, #tpu.memory_space<hbm>> -> memref<16000000xf32, #tpu.memory_space<hbm>>
        tpu.enqueue_indirect_dma source(%dma_start3A_274 : memref<16000000xf32, #tpu.memory_space<hbm>>) target(%dma_start3A_269 : memref<128xf32, #tpu.memory_space<vmem>>) offsets(%dma_start3A_272 : memref<128xi32, #tpu.memory_space<vmem>>) semaphore(%arg9 : memref<!tpu.dma_semaphore, #tpu.memory_space<semaphore_mem>>)
        %mul3A_275 = arith.constant 16 : i32
        %mul3A_276 = arith.muli %scan3A_98, %mul3A_275 : i32
        %add3A_277 = arith.constant 11 : i32
        %add3A_278 = arith.addi %mul3A_276, %add3A_277 : i32
        %mul3A_279 = arith.constant 4 : i32
        %mul3A_280 = arith.muli %scan3A_98, %mul3A_279 : i32
        %add3A_281 = arith.constant 2 : i32
        %add3A_282 = arith.addi %mul3A_280, %add3A_281 : i32
        %dma_start3A_283 = arith.constant 384 : i32
        %dma_start3A_284 = tpu.memref_slice %arg7[%add3A_282, %dma_start3A_283] : memref<16x512xf32, #tpu.memory_space<vmem>> -> memref<1x128xf32, #tpu.memory_space<vmem>>
        %dma_start3A_285 = tpu.memref_squeeze %dma_start3A_284 : memref<1x128xf32, #tpu.memory_space<vmem>> -> memref<128xf32, #tpu.memory_space<vmem>>
        %dma_start3A_286 = arith.constant 0 : i32
        %dma_start3A_287 = tpu.memref_slice %arg6[%add3A_278, %dma_start3A_286] : memref<64x128xi32, #tpu.memory_space<vmem>> -> memref<1x128xi32, #tpu.memory_space<vmem>>
        %dma_start3A_288 = tpu.memref_squeeze %dma_start3A_287 : memref<1x128xi32, #tpu.memory_space<vmem>> -> memref<128xi32, #tpu.memory_space<vmem>>
        %dma_start3A_289 = arith.constant 0 : i32
        %dma_start3A_290 = tpu.memref_slice %arg3[%dma_start3A_289] : memref<16000000xf32, #tpu.memory_space<hbm>> -> memref<16000000xf32, #tpu.memory_space<hbm>>
        tpu.enqueue_indirect_dma source(%dma_start3A_290 : memref<16000000xf32, #tpu.memory_space<hbm>>) target(%dma_start3A_285 : memref<128xf32, #tpu.memory_space<vmem>>) offsets(%dma_start3A_288 : memref<128xi32, #tpu.memory_space<vmem>>) semaphore(%arg9 : memref<!tpu.dma_semaphore, #tpu.memory_space<semaphore_mem>>)
        %mul3A_291 = arith.constant 16 : i32
        %mul3A_292 = arith.muli %scan3A_98, %mul3A_291 : i32
        %add3A_293 = arith.constant 12 : i32
        %add3A_294 = arith.addi %mul3A_292, %add3A_293 : i32
        %mul3A_295 = arith.constant 4 : i32
        %mul3A_296 = arith.muli %scan3A_98, %mul3A_295 : i32
        %add3A_297 = arith.constant 3 : i32
        %add3A_298 = arith.addi %mul3A_296, %add3A_297 : i32
        %dma_start3A_299 = arith.constant 0 : i32
        %dma_start3A_300 = tpu.memref_slice %arg7[%add3A_298, %dma_start3A_299] : memref<16x512xf32, #tpu.memory_space<vmem>> -> memref<1x128xf32, #tpu.memory_space<vmem>>
        %dma_start3A_301 = tpu.memref_squeeze %dma_start3A_300 : memref<1x128xf32, #tpu.memory_space<vmem>> -> memref<128xf32, #tpu.memory_space<vmem>>
        %dma_start3A_302 = arith.constant 0 : i32
        %dma_start3A_303 = tpu.memref_slice %arg6[%add3A_294, %dma_start3A_302] : memref<64x128xi32, #tpu.memory_space<vmem>> -> memref<1x128xi32, #tpu.memory_space<vmem>>
        %dma_start3A_304 = tpu.memref_squeeze %dma_start3A_303 : memref<1x128xi32, #tpu.memory_space<vmem>> -> memref<128xi32, #tpu.memory_space<vmem>>
        %dma_start3A_305 = arith.constant 0 : i32
        %dma_start3A_306 = tpu.memref_slice %arg3[%dma_start3A_305] : memref<16000000xf32, #tpu.memory_space<hbm>> -> memref<16000000xf32, #tpu.memory_space<hbm>>
        tpu.enqueue_indirect_dma source(%dma_start3A_306 : memref<16000000xf32, #tpu.memory_space<hbm>>) target(%dma_start3A_301 : memref<128xf32, #tpu.memory_space<vmem>>) offsets(%dma_start3A_304 : memref<128xi32, #tpu.memory_space<vmem>>) semaphore(%arg9 : memref<!tpu.dma_semaphore, #tpu.memory_space<semaphore_mem>>)
        %mul3A_307 = arith.constant 16 : i32
        %mul3A_308 = arith.muli %scan3A_98, %mul3A_307 : i32
        %add3A_309 = arith.constant 13 : i32
        %add3A_310 = arith.addi %mul3A_308, %add3A_309 : i32
        %mul3A_311 = arith.constant 4 : i32
        %mul3A_312 = arith.muli %scan3A_98, %mul3A_311 : i32
        %add3A_313 = arith.constant 3 : i32
        %add3A_314 = arith.addi %mul3A_312, %add3A_313 : i32
        %dma_start3A_315 = arith.constant 128 : i32
        %dma_start3A_316 = tpu.memref_slice %arg7[%add3A_314, %dma_start3A_315] : memref<16x512xf32, #tpu.memory_space<vmem>> -> memref<1x128xf32, #tpu.memory_space<vmem>>
        %dma_start3A_317 = tpu.memref_squeeze %dma_start3A_316 : memref<1x128xf32, #tpu.memory_space<vmem>> -> memref<128xf32, #tpu.memory_space<vmem>>
        %dma_start3A_318 = arith.constant 0 : i32
        %dma_start3A_319 = tpu.memref_slice %arg6[%add3A_310, %dma_start3A_318] : memref<64x128xi32, #tpu.memory_space<vmem>> -> memref<1x128xi32, #tpu.memory_space<vmem>>
        %dma_start3A_320 = tpu.memref_squeeze %dma_start3A_319 : memref<1x128xi32, #tpu.memory_space<vmem>> -> memref<128xi32, #tpu.memory_space<vmem>>
        %dma_start3A_321 = arith.constant 0 : i32
        %dma_start3A_322 = tpu.memref_slice %arg3[%dma_start3A_321] : memref<16000000xf32, #tpu.memory_space<hbm>> -> memref<16000000xf32, #tpu.memory_space<hbm>>
        tpu.enqueue_indirect_dma source(%dma_start3A_322 : memref<16000000xf32, #tpu.memory_space<hbm>>) target(%dma_start3A_317 : memref<128xf32, #tpu.memory_space<vmem>>) offsets(%dma_start3A_320 : memref<128xi32, #tpu.memory_space<vmem>>) semaphore(%arg9 : memref<!tpu.dma_semaphore, #tpu.memory_space<semaphore_mem>>)
        %mul3A_323 = arith.constant 16 : i32
        %mul3A_324 = arith.muli %scan3A_98, %mul3A_323 : i32
        %add3A_325 = arith.constant 14 : i32
        %add3A_326 = arith.addi %mul3A_324, %add3A_325 : i32
        %mul3A_327 = arith.constant 4 : i32
        %mul3A_328 = arith.muli %scan3A_98, %mul3A_327 : i32
        %add3A_329 = arith.constant 3 : i32
        %add3A_330 = arith.addi %mul3A_328, %add3A_329 : i32
        %dma_start3A_331 = arith.constant 256 : i32
        %dma_start3A_332 = tpu.memref_slice %arg7[%add3A_330, %dma_start3A_331] : memref<16x512xf32, #tpu.memory_space<vmem>> -> memref<1x128xf32, #tpu.memory_space<vmem>>
        %dma_start3A_333 = tpu.memref_squeeze %dma_start3A_332 : memref<1x128xf32, #tpu.memory_space<vmem>> -> memref<128xf32, #tpu.memory_space<vmem>>
        %dma_start3A_334 = arith.constant 0 : i32
        %dma_start3A_335 = tpu.memref_slice %arg6[%add3A_326, %dma_start3A_334] : memref<64x128xi32, #tpu.memory_space<vmem>> -> memref<1x128xi32, #tpu.memory_space<vmem>>
        %dma_start3A_336 = tpu.memref_squeeze %dma_start3A_335 : memref<1x128xi32, #tpu.memory_space<vmem>> -> memref<128xi32, #tpu.memory_space<vmem>>
        %dma_start3A_337 = arith.constant 0 : i32
        %dma_start3A_338 = tpu.memref_slice %arg3[%dma_start3A_337] : memref<16000000xf32, #tpu.memory_space<hbm>> -> memref<16000000xf32, #tpu.memory_space<hbm>>
        tpu.enqueue_indirect_dma source(%dma_start3A_338 : memref<16000000xf32, #tpu.memory_space<hbm>>) target(%dma_start3A_333 : memref<128xf32, #tpu.memory_space<vmem>>) offsets(%dma_start3A_336 : memref<128xi32, #tpu.memory_space<vmem>>) semaphore(%arg9 : memref<!tpu.dma_semaphore, #tpu.memory_space<semaphore_mem>>)
        %mul3A_339 = arith.constant 16 : i32
        %mul3A_340 = arith.muli %scan3A_98, %mul3A_339 : i32
        %add3A_341 = arith.constant 15 : i32
        %add3A_342 = arith.addi %mul3A_340, %add3A_341 : i32
        %mul3A_343 = arith.constant 4 : i32
        %mul3A_344 = arith.muli %scan3A_98, %mul3A_343 : i32
        %add3A_345 = arith.constant 3 : i32
        %add3A_346 = arith.addi %mul3A_344, %add3A_345 : i32
        %dma_start3A_347 = arith.constant 384 : i32
        %dma_start3A_348 = tpu.memref_slice %arg7[%add3A_346, %dma_start3A_347] : memref<16x512xf32, #tpu.memory_space<vmem>> -> memref<1x128xf32, #tpu.memory_space<vmem>>
        %dma_start3A_349 = tpu.memref_squeeze %dma_start3A_348 : memref<1x128xf32, #tpu.memory_space<vmem>> -> memref<128xf32, #tpu.memory_space<vmem>>
        %dma_start3A_350 = arith.constant 0 : i32
        %dma_start3A_351 = tpu.memref_slice %arg6[%add3A_342, %dma_start3A_350] : memref<64x128xi32, #tpu.memory_space<vmem>> -> memref<1x128xi32, #tpu.memory_space<vmem>>
        %dma_start3A_352 = tpu.memref_squeeze %dma_start3A_351 : memref<1x128xi32, #tpu.memory_space<vmem>> -> memref<128xi32, #tpu.memory_space<vmem>>
        %dma_start3A_353 = arith.constant 0 : i32
        %dma_start3A_354 = tpu.memref_slice %arg3[%dma_start3A_353] : memref<16000000xf32, #tpu.memory_space<hbm>> -> memref<16000000xf32, #tpu.memory_space<hbm>>
        tpu.enqueue_indirect_dma source(%dma_start3A_354 : memref<16000000xf32, #tpu.memory_space<hbm>>) target(%dma_start3A_349 : memref<128xf32, #tpu.memory_space<vmem>>) offsets(%dma_start3A_352 : memref<128xi32, #tpu.memory_space<vmem>>) semaphore(%arg9 : memref<!tpu.dma_semaphore, #tpu.memory_space<semaphore_mem>>)
        %ge3A = arith.constant 1 : i32
        %ge3A_355 = arith.cmpi sge, %scan3A_98, %ge3A : i32
        %convert_element_type3A = arith.extui %ge3A_355 : i1 to i32
        %cond3A = arith.constant 0 : i32
        %cond3A_356 = arith.cmpi ne, %convert_element_type3A, %cond3A : i32
        scf.if %cond3A_356 {
          %dma_wait3A_358 = arith.constant 0 : i32
          %dma_wait3A_359 = arith.constant 0 : i32
          %dma_wait3A_360 = arith.constant 0 : i32
          %dma_wait3A_361 = tpu.memref_slice %arg7[%dma_wait3A_359, %dma_wait3A_360] : memref<16x512xf32, #tpu.memory_space<vmem>> -> memref<16x128xf32, #tpu.memory_space<vmem>>
          %dma_wait3A_362 = arith.constant 0 : i32
          %dma_wait3A_363 = arith.constant 0 : i32
          %dma_wait3A_364 = tpu.memref_slice %arg4[%dma_wait3A_358, %dma_wait3A_362, %dma_wait3A_363] : memref<2x128x16384xf32, #tpu.memory_space<hbm>> -> memref<1x16x128xf32, #tpu.memory_space<hbm>>
          %dma_wait3A_365 = tpu.memref_squeeze %dma_wait3A_364 : memref<1x16x128xf32, #tpu.memory_space<hbm>> -> memref<16x128xf32, #tpu.memory_space<hbm>>
          %dma_wait3A_366 = arith.constant 0 : i32
          %dma_wait3A_367 = arith.constant 0 : i32
          %dma_wait3A_368 = tpu.memref_slice %arg7[%dma_wait3A_366, %dma_wait3A_367] : memref<16x512xf32, #tpu.memory_space<vmem>> -> memref<16x128xf32, #tpu.memory_space<vmem>>
          %dma_wait3A_369 = arith.constant 0 : i32
          %dma_wait3A_370 = arith.constant 0 : i32
          %dma_wait3A_371 = tpu.memref_slice %arg4[%dma_wait3A_358, %dma_wait3A_369, %dma_wait3A_370] : memref<2x128x16384xf32, #tpu.memory_space<hbm>> -> memref<1x16x128xf32, #tpu.memory_space<hbm>>
          %dma_wait3A_372 = tpu.memref_squeeze %dma_wait3A_371 : memref<1x16x128xf32, #tpu.memory_space<hbm>> -> memref<16x128xf32, #tpu.memory_space<hbm>>
          tpu.wait_dma2 semaphore(%arg9 : memref<!tpu.dma_semaphore, #tpu.memory_space<semaphore_mem>>) src(%dma_wait3A_372 : memref<16x128xf32, #tpu.memory_space<hbm>>) dst(%dma_wait3A_368 : memref<16x128xf32, #tpu.memory_space<vmem>>)
        } else {
        }
        %scan3A_357 = arith.constant 0 : i32
        scf.yield %scan3A_357 : i32
      }
      %scan3A_48 = arith.constant 4 : i32
      %dma_wait3A = arith.constant 0 : i32
      %dma_wait3A_49 = arith.constant 0 : i32
      %dma_wait3A_50 = arith.constant 0 : i32
      %dma_wait3A_51 = tpu.memref_slice %arg7[%dma_wait3A_49, %dma_wait3A_50] : memref<16x512xf32, #tpu.memory_space<vmem>> -> memref<16x128xf32, #tpu.memory_space<vmem>>
      %dma_wait3A_52 = arith.constant 0 : i32
      %dma_wait3A_53 = arith.constant 0 : i32
      %dma_wait3A_54 = tpu.memref_slice %arg4[%dma_wait3A, %dma_wait3A_52, %dma_wait3A_53] : memref<2x128x16384xf32, #tpu.memory_space<hbm>> -> memref<1x16x128xf32, #tpu.memory_space<hbm>>
      %dma_wait3A_55 = tpu.memref_squeeze %dma_wait3A_54 : memref<1x16x128xf32, #tpu.memory_space<hbm>> -> memref<16x128xf32, #tpu.memory_space<hbm>>
      %dma_wait3A_56 = arith.constant 0 : i32
      %dma_wait3A_57 = arith.constant 0 : i32
      %dma_wait3A_58 = tpu.memref_slice %arg7[%dma_wait3A_56, %dma_wait3A_57] : memref<16x512xf32, #tpu.memory_space<vmem>> -> memref<16x128xf32, #tpu.memory_space<vmem>>
      %dma_wait3A_59 = arith.constant 0 : i32
      %dma_wait3A_60 = arith.constant 0 : i32
      %dma_wait3A_61 = tpu.memref_slice %arg4[%dma_wait3A, %dma_wait3A_59, %dma_wait3A_60] : memref<2x128x16384xf32, #tpu.memory_space<hbm>> -> memref<1x16x128xf32, #tpu.memory_space<hbm>>
      %dma_wait3A_62 = tpu.memref_squeeze %dma_wait3A_61 : memref<1x16x128xf32, #tpu.memory_space<hbm>> -> memref<16x128xf32, #tpu.memory_space<hbm>>
      tpu.wait_dma2 semaphore(%arg9 : memref<!tpu.dma_semaphore, #tpu.memory_space<semaphore_mem>>) src(%dma_wait3A_62 : memref<16x128xf32, #tpu.memory_space<hbm>>) dst(%dma_wait3A_58 : memref<16x128xf32, #tpu.memory_space<vmem>>)
      %jit3A = arith.constant 8 : i32
      %div3A = arith.divsi %scan3A_33, %jit3A : i32
      %sign3A = arith.constant 0 : i32
      %sign3A_63 = arith.cmpi sgt, %scan3A_33, %sign3A : i32
      %sign3A_64 = arith.extui %sign3A_63 : i1 to i32
      %sign3A_65 = arith.constant 0 : i32
      %sign3A_66 = arith.cmpi slt, %scan3A_33, %sign3A_65 : i32
      %sign3A_67 = arith.extui %sign3A_66 : i1 to i32
      %sign3A_68 = arith.subi %sign3A_64, %sign3A_67 : i32
      %sign3A_69 = arith.constant 0 : i32
      %sign3A_70 = arith.cmpi sgt, %jit3A, %sign3A_69 : i32
      %sign3A_71 = arith.extui %sign3A_70 : i1 to i32
      %sign3A_72 = arith.constant 0 : i32
      %sign3A_73 = arith.cmpi slt, %jit3A, %sign3A_72 : i32
      %sign3A_74 = arith.extui %sign3A_73 : i1 to i32
      %sign3A_75 = arith.subi %sign3A_71, %sign3A_74 : i32
      %ne3A = arith.cmpi ne, %sign3A_68, %sign3A_75 : i32
      %rem3A = arith.remsi %scan3A_33, %jit3A : i32
      %ne3A_76 = arith.constant 0 : i32
      %ne3A_77 = arith.cmpi ne, %rem3A, %ne3A_76 : i32
      %and3A = arith.andi %ne3A, %ne3A_77 : i1
      %sub3A = arith.constant 1 : i32
      %sub3A_78 = arith.subi %div3A, %sub3A : i32
      %select_n3A = arith.select %and3A, %sub3A_78, %div3A : i32
      %jit3A_79 = arith.constant 8 : i32
      %eq3A = arith.constant 0 : i32
      %eq3A_80 = arith.cmpi eq, %jit3A_79, %eq3A : i32
      %jit3A_81 = arith.constant 1 : i32
      %select_n3A_82 = arith.select %eq3A_80, %jit3A_81, %jit3A_79 : i32
      %rem3A_83 = arith.remsi %scan3A_33, %select_n3A_82 : i32
      %ne3A_84 = arith.constant 0 : i32
      %ne3A_85 = arith.cmpi ne, %rem3A_83, %ne3A_84 : i32
      %lt3A = arith.constant 0 : i32
      %lt3A_86 = arith.cmpi slt, %rem3A_83, %lt3A : i32
      %lt3A_87 = arith.constant 0 : i32
      %lt3A_88 = arith.cmpi slt, %select_n3A_82, %lt3A_87 : i32
      %ne3A_89 = arith.xori %lt3A_86, %lt3A_88 : i1
      %and3A_90 = arith.andi %ne3A_89, %ne3A_85 : i1
      %add3A_91 = arith.addi %rem3A_83, %select_n3A_82 : i32
      %select_n3A_92 = arith.select %and3A_90, %add3A_91, %rem3A_83 : i32
      %mul3A_93 = arith.constant 16 : i32
      %mul3A_94 = arith.muli %select_n3A_92, %mul3A_93 : i32
      %mul3A_95 = arith.constant 512 : i32
      %mul3A_96 = arith.muli %add3A, %mul3A_95 : i32
      "tpu.region"() ({
        %run_scoped3A_98 = tpu.sem_alloc : memref<!tpu.dma_semaphore, #tpu.memory_space<semaphore_mem>>
        %dma_start3A = tpu.memref_slice %arg4[%select_n3A, %mul3A_94, %mul3A_96] : memref<2x128x16384xf32, #tpu.memory_space<hbm>> -> memref<1x16x512xf32, #tpu.memory_space<hbm>>
        %dma_start3A_99 = tpu.memref_squeeze %dma_start3A : memref<1x16x512xf32, #tpu.memory_space<hbm>> -> memref<16x512xf32, #tpu.memory_space<hbm>>
        %dma_start3A_100 = tpu.memref_slice %arg4[%select_n3A, %mul3A_94, %mul3A_96] : memref<2x128x16384xf32, #tpu.memory_space<hbm>> -> memref<1x16x512xf32, #tpu.memory_space<hbm>>
        %dma_start3A_101 = tpu.memref_squeeze %dma_start3A_100 : memref<1x16x512xf32, #tpu.memory_space<hbm>> -> memref<16x512xf32, #tpu.memory_space<hbm>>
        tpu.enqueue_dma source(%arg7 : memref<16x512xf32, #tpu.memory_space<vmem>>) target(%dma_start3A_101 : memref<16x512xf32, #tpu.memory_space<hbm>>) target_semaphore(%run_scoped3A_98 : memref<!tpu.dma_semaphore, #tpu.memory_space<semaphore_mem>>)
        %dma_wait3A_102 = tpu.memref_slice %arg4[%select_n3A, %mul3A_94, %mul3A_96] : memref<2x128x16384xf32, #tpu.memory_space<hbm>> -> memref<1x16x512xf32, #tpu.memory_space<hbm>>
        %dma_wait3A_103 = tpu.memref_squeeze %dma_wait3A_102 : memref<1x16x512xf32, #tpu.memory_space<hbm>> -> memref<16x512xf32, #tpu.memory_space<hbm>>
        %dma_wait3A_104 = tpu.memref_slice %arg4[%select_n3A, %mul3A_94, %mul3A_96] : memref<2x128x16384xf32, #tpu.memory_space<hbm>> -> memref<1x16x512xf32, #tpu.memory_space<hbm>>
        %dma_wait3A_105 = tpu.memref_squeeze %dma_wait3A_104 : memref<1x16x512xf32, #tpu.memory_space<hbm>> -> memref<16x512xf32, #tpu.memory_space<hbm>>
        tpu.wait_dma2 semaphore(%run_scoped3A_98 : memref<!tpu.dma_semaphore, #tpu.memory_space<semaphore_mem>>) src(%arg7 : memref<16x512xf32, #tpu.memory_space<vmem>>) dst(%dma_wait3A_105 : memref<16x512xf32, #tpu.memory_space<hbm>>)
        tpu.yield
      }) : () -> ()
      %scan3A_97 = arith.constant 0 : i32
      scf.yield %scan3A_97 : i32
    }
    %scan3A_32 = arith.constant 10 : i32
    return
  }
}

#map = affine_map<(d0, d1) -> (0, 0, 0)>
#map1 = affine_map<(d0, d1) -> (0)>
module attributes {stable_mosaic.version = 14 : i64} {
  func.func @_gather(%arg0: i32, %arg1: i32, %arg2: memref<16x128x128xi32, #tpu.memory_space<hbm>>, %arg3: memref<25600000xf32, #tpu.memory_space<hbm>>, %arg4: memref<2x128x16384xf32, #tpu.memory_space<hbm>>, %arg5: memref<16x4x128xi32, #tpu.memory_space<vmem>>, %arg6: memref<64x128xi32, #tpu.memory_space<vmem>>, %arg7: memref<16x512xf32, #tpu.memory_space<vmem>>, %arg8: memref<16x512xf32, #tpu.memory_space<vmem>>, %arg9: memref<!tpu.dma_semaphore, #tpu.memory_space<semaphore_mem>>) attributes {dimension_semantics = [#tpu.dimension_semantics<core_parallel>, #tpu.dimension_semantics<subcore_parallel>], iteration_bounds = array<i64: 2, 16>, scalar_prefetch = 0 : i64, scratch_operands = 5 : i64, tpu.core_type = #tpu.core_type<sc_vector_subcore>, window_params = [{transform_indices = #map}, {transform_indices = #map1}, {transform_indices = #map}]} {
    %mul3A = arith.constant 2 : i32
    %mul3A_0 = arith.muli %arg1, %mul3A : i32
    %add3A = arith.addi %mul3A_0, %arg0 : i32
    %mul3A_1 = arith.constant 4 : i32
    %mul3A_2 = arith.muli %add3A, %mul3A_1 : i32
    "tpu.region"() ({
      %run_scoped3A = tpu.sem_alloc : memref<!tpu.dma_semaphore, #tpu.memory_space<semaphore_mem>>
      %dma_start3A = arith.constant 0 : i32
      %dma_start3A_9 = arith.constant 0 : i32
      %dma_start3A_10 = tpu.memref_slice %arg2[%dma_start3A, %mul3A_2, %dma_start3A_9] : memref<16x128x128xi32, #tpu.memory_space<hbm>> -> memref<16x4x128xi32, #tpu.memory_space<hbm>>
      %dma_start3A_11 = arith.constant 0 : i32
      %dma_start3A_12 = arith.constant 0 : i32
      %dma_start3A_13 = tpu.memref_slice %arg2[%dma_start3A_11, %mul3A_2, %dma_start3A_12] : memref<16x128x128xi32, #tpu.memory_space<hbm>> -> memref<16x4x128xi32, #tpu.memory_space<hbm>>
      tpu.enqueue_dma source(%dma_start3A_13 : memref<16x4x128xi32, #tpu.memory_space<hbm>>) target(%arg5 : memref<16x4x128xi32, #tpu.memory_space<vmem>>) target_semaphore(%run_scoped3A : memref<!tpu.dma_semaphore, #tpu.memory_space<semaphore_mem>>)
      %dma_wait3A = arith.constant 0 : i32
      %dma_wait3A_14 = arith.constant 0 : i32
      %dma_wait3A_15 = tpu.memref_slice %arg2[%dma_wait3A, %mul3A_2, %dma_wait3A_14] : memref<16x128x128xi32, #tpu.memory_space<hbm>> -> memref<16x4x128xi32, #tpu.memory_space<hbm>>
      %dma_wait3A_16 = arith.constant 0 : i32
      %dma_wait3A_17 = arith.constant 0 : i32
      %dma_wait3A_18 = tpu.memref_slice %arg2[%dma_wait3A_16, %mul3A_2, %dma_wait3A_17] : memref<16x128x128xi32, #tpu.memory_space<hbm>> -> memref<16x4x128xi32, #tpu.memory_space<hbm>>
      tpu.wait_dma2 semaphore(%run_scoped3A : memref<!tpu.dma_semaphore, #tpu.memory_space<semaphore_mem>>) src(%dma_wait3A_18 : memref<16x4x128xi32, #tpu.memory_space<hbm>>) dst(%arg5 : memref<16x4x128xi32, #tpu.memory_space<vmem>>)
      tpu.yield
    }) : () -> ()
    %scan3A = arith.constant 0 : i32
    %scan3A_3 = arith.constant 0 : i32
    %scan3A_4 = arith.constant 16 : i32
    %scan3A_5 = arith.addi %scan3A_3, %scan3A_4 : i32
    %scan3A_6 = arith.constant 1 : i32
    %scan3A_7 = scf.for %scan3A_9 = %scan3A_3 to %scan3A_5 step %scan3A_6 iter_args(%scan3A_10 = %scan3A) -> (i32)  : i32 {
      %scan3A_11 = arith.constant 0 : i32
      %scan3A_12 = arith.constant 0 : i32
      %scan3A_13 = arith.constant 16 : i32
      %scan3A_14 = arith.addi %scan3A_12, %scan3A_13 : i32
      %scan3A_15 = arith.constant 1 : i32
      %scan3A_16 = scf.for %scan3A_74 = %scan3A_12 to %scan3A_14 step %scan3A_15 iter_args(%scan3A_75 = %scan3A_11) -> (i32)  : i32 {
        %mul3A_76 = arith.constant 16 : i32
        %mul3A_77 = arith.muli %scan3A_9, %mul3A_76 : i32
        %add3A_78 = arith.addi %mul3A_77, %scan3A_74 : i32
        %mul3A_79 = arith.constant 100000 : i32
        %mul3A_80 = arith.muli %add3A_78, %mul3A_79 : i32
        %get3A = arith.constant 0 : i32
        %get3A_81 = arith.index_cast %scan3A_9 : i32 to index
        %get3A_82 = arith.index_cast %get3A : i32 to index
        %get3A_83 = arith.constant 0 : index
        %get3A_84 = tpu.vector_load %arg5[%get3A_81, %get3A_82, %get3A_83] {strides = array<i32>} : memref<16x4x128xi32, #tpu.memory_space<vmem>>, vector<1x1x16xi32>,
        %get3A_85 = vector.shape_cast %get3A_84 : vector<1x1x16xi32> to vector<16xi32>
        %add3A_86 = vector.broadcast %mul3A_80 : i32 to vector<16xi32>
        %add3A_87 = arith.addi %get3A_85, %add3A_86 : vector<16xi32>
        %mul3A_88 = arith.constant 4 : i32
        %mul3A_89 = arith.muli %scan3A_74, %mul3A_88 : i32
        %add3A_90 = arith.constant 0 : i32
        %add3A_91 = arith.addi %mul3A_89, %add3A_90 : i32
        %swap3A = arith.index_cast %add3A_91 : i32 to index
        %swap3A_92 = arith.constant 0 : index
        %swap3A_93 = tpu.vector_load %arg6[%swap3A, %swap3A_92] {strides = array<i32>} : memref<64x128xi32, #tpu.memory_space<vmem>>, vector<1x16xi32>,
        %swap3A_94 = vector.shape_cast %swap3A_93 : vector<1x16xi32> to vector<16xi32>
        %swap3A_95 = vector.shape_cast %add3A_87 : vector<16xi32> to vector<1x16xi32>
        tpu.vector_store %arg6[%swap3A, %swap3A_92], %swap3A_95 {strides = array<i32>} : memref<64x128xi32, #tpu.memory_space<vmem>>, vector<1x16xi32>,
        %get3A_96 = arith.constant 0 : i32
        %get3A_97 = arith.index_cast %scan3A_9 : i32 to index
        %get3A_98 = arith.index_cast %get3A_96 : i32 to index
        %get3A_99 = arith.constant 16 : index
        %get3A_100 = tpu.vector_load %arg5[%get3A_97, %get3A_98, %get3A_99] {strides = array<i32>} : memref<16x4x128xi32, #tpu.memory_space<vmem>>, vector<1x1x16xi32>,
        %get3A_101 = vector.shape_cast %get3A_100 : vector<1x1x16xi32> to vector<16xi32>
        %add3A_102 = vector.broadcast %mul3A_80 : i32 to vector<16xi32>
        %add3A_103 = arith.addi %get3A_101, %add3A_102 : vector<16xi32>
        %mul3A_104 = arith.constant 4 : i32
        %mul3A_105 = arith.muli %scan3A_74, %mul3A_104 : i32
        %add3A_106 = arith.constant 0 : i32
        %add3A_107 = arith.addi %mul3A_105, %add3A_106 : i32
        %swap3A_108 = arith.index_cast %add3A_107 : i32 to index
        %swap3A_109 = arith.constant 16 : index
        %swap3A_110 = tpu.vector_load %arg6[%swap3A_108, %swap3A_109] {strides = array<i32>} : memref<64x128xi32, #tpu.memory_space<vmem>>, vector<1x16xi32>,
        %swap3A_111 = vector.shape_cast %swap3A_110 : vector<1x16xi32> to vector<16xi32>
        %swap3A_112 = vector.shape_cast %add3A_103 : vector<16xi32> to vector<1x16xi32>
        tpu.vector_store %arg6[%swap3A_108, %swap3A_109], %swap3A_112 {strides = array<i32>} : memref<64x128xi32, #tpu.memory_space<vmem>>, vector<1x16xi32>,
        %get3A_113 = arith.constant 0 : i32
        %get3A_114 = arith.index_cast %scan3A_9 : i32 to index
        %get3A_115 = arith.index_cast %get3A_113 : i32 to index
        %get3A_116 = arith.constant 32 : index
        %get3A_117 = tpu.vector_load %arg5[%get3A_114, %get3A_115, %get3A_116] {strides = array<i32>} : memref<16x4x128xi32, #tpu.memory_space<vmem>>, vector<1x1x16xi32>,
        %get3A_118 = vector.shape_cast %get3A_117 : vector<1x1x16xi32> to vector<16xi32>
        %add3A_119 = vector.broadcast %mul3A_80 : i32 to vector<16xi32>
        %add3A_120 = arith.addi %get3A_118, %add3A_119 : vector<16xi32>
        %mul3A_121 = arith.constant 4 : i32
        %mul3A_122 = arith.muli %scan3A_74, %mul3A_121 : i32
        %add3A_123 = arith.constant 0 : i32
        %add3A_124 = arith.addi %mul3A_122, %add3A_123 : i32
        %swap3A_125 = arith.index_cast %add3A_124 : i32 to index
        %swap3A_126 = arith.constant 32 : index
        %swap3A_127 = tpu.vector_load %arg6[%swap3A_125, %swap3A_126] {strides = array<i32>} : memref<64x128xi32, #tpu.memory_space<vmem>>, vector<1x16xi32>,
        %swap3A_128 = vector.shape_cast %swap3A_127 : vector<1x16xi32> to vector<16xi32>
        %swap3A_129 = vector.shape_cast %add3A_120 : vector<16xi32> to vector<1x16xi32>
        tpu.vector_store %arg6[%swap3A_125, %swap3A_126], %swap3A_129 {strides = array<i32>} : memref<64x128xi32, #tpu.memory_space<vmem>>, vector<1x16xi32>,
        %get3A_130 = arith.constant 0 : i32
        %get3A_131 = arith.index_cast %scan3A_9 : i32 to index
        %get3A_132 = arith.index_cast %get3A_130 : i32 to index
        %get3A_133 = arith.constant 48 : index
        %get3A_134 = tpu.vector_load %arg5[%get3A_131, %get3A_132, %get3A_133] {strides = array<i32>} : memref<16x4x128xi32, #tpu.memory_space<vmem>>, vector<1x1x16xi32>,
        %get3A_135 = vector.shape_cast %get3A_134 : vector<1x1x16xi32> to vector<16xi32>
        %add3A_136 = vector.broadcast %mul3A_80 : i32 to vector<16xi32>
        %add3A_137 = arith.addi %get3A_135, %add3A_136 : vector<16xi32>
        %mul3A_138 = arith.constant 4 : i32
        %mul3A_139 = arith.muli %scan3A_74, %mul3A_138 : i32
        %add3A_140 = arith.constant 0 : i32
        %add3A_141 = arith.addi %mul3A_139, %add3A_140 : i32
        %swap3A_142 = arith.index_cast %add3A_141 : i32 to index
        %swap3A_143 = arith.constant 48 : index
        %swap3A_144 = tpu.vector_load %arg6[%swap3A_142, %swap3A_143] {strides = array<i32>} : memref<64x128xi32, #tpu.memory_space<vmem>>, vector<1x16xi32>,
        %swap3A_145 = vector.shape_cast %swap3A_144 : vector<1x16xi32> to vector<16xi32>
        %swap3A_146 = vector.shape_cast %add3A_137 : vector<16xi32> to vector<1x16xi32>
        tpu.vector_store %arg6[%swap3A_142, %swap3A_143], %swap3A_146 {strides = array<i32>} : memref<64x128xi32, #tpu.memory_space<vmem>>, vector<1x16xi32>,
        %get3A_147 = arith.constant 0 : i32
        %get3A_148 = arith.index_cast %scan3A_9 : i32 to index
        %get3A_149 = arith.index_cast %get3A_147 : i32 to index
        %get3A_150 = arith.constant 64 : index
        %get3A_151 = tpu.vector_load %arg5[%get3A_148, %get3A_149, %get3A_150] {strides = array<i32>} : memref<16x4x128xi32, #tpu.memory_space<vmem>>, vector<1x1x16xi32>,
        %get3A_152 = vector.shape_cast %get3A_151 : vector<1x1x16xi32> to vector<16xi32>
        %add3A_153 = vector.broadcast %mul3A_80 : i32 to vector<16xi32>
        %add3A_154 = arith.addi %get3A_152, %add3A_153 : vector<16xi32>
        %mul3A_155 = arith.constant 4 : i32
        %mul3A_156 = arith.muli %scan3A_74, %mul3A_155 : i32
        %add3A_157 = arith.constant 0 : i32
        %add3A_158 = arith.addi %mul3A_156, %add3A_157 : i32
        %swap3A_159 = arith.index_cast %add3A_158 : i32 to index
        %swap3A_160 = arith.constant 64 : index
        %swap3A_161 = tpu.vector_load %arg6[%swap3A_159, %swap3A_160] {strides = array<i32>} : memref<64x128xi32, #tpu.memory_space<vmem>>, vector<1x16xi32>,
        %swap3A_162 = vector.shape_cast %swap3A_161 : vector<1x16xi32> to vector<16xi32>
        %swap3A_163 = vector.shape_cast %add3A_154 : vector<16xi32> to vector<1x16xi32>
        tpu.vector_store %arg6[%swap3A_159, %swap3A_160], %swap3A_163 {strides = array<i32>} : memref<64x128xi32, #tpu.memory_space<vmem>>, vector<1x16xi32>,
        %get3A_164 = arith.constant 0 : i32
        %get3A_165 = arith.index_cast %scan3A_9 : i32 to index
        %get3A_166 = arith.index_cast %get3A_164 : i32 to index
        %get3A_167 = arith.constant 80 : index
        %get3A_168 = tpu.vector_load %arg5[%get3A_165, %get3A_166, %get3A_167] {strides = array<i32>} : memref<16x4x128xi32, #tpu.memory_space<vmem>>, vector<1x1x16xi32>,
        %get3A_169 = vector.shape_cast %get3A_168 : vector<1x1x16xi32> to vector<16xi32>
        %add3A_170 = vector.broadcast %mul3A_80 : i32 to vector<16xi32>
        %add3A_171 = arith.addi %get3A_169, %add3A_170 : vector<16xi32>
        %mul3A_172 = arith.constant 4 : i32
        %mul3A_173 = arith.muli %scan3A_74, %mul3A_172 : i32
        %add3A_174 = arith.constant 0 : i32
        %add3A_175 = arith.addi %mul3A_173, %add3A_174 : i32
        %swap3A_176 = arith.index_cast %add3A_175 : i32 to index
        %swap3A_177 = arith.constant 80 : index
        %swap3A_178 = tpu.vector_load %arg6[%swap3A_176, %swap3A_177] {strides = array<i32>} : memref<64x128xi32, #tpu.memory_space<vmem>>, vector<1x16xi32>,
        %swap3A_179 = vector.shape_cast %swap3A_178 : vector<1x16xi32> to vector<16xi32>
        %swap3A_180 = vector.shape_cast %add3A_171 : vector<16xi32> to vector<1x16xi32>
        tpu.vector_store %arg6[%swap3A_176, %swap3A_177], %swap3A_180 {strides = array<i32>} : memref<64x128xi32, #tpu.memory_space<vmem>>, vector<1x16xi32>,
        %get3A_181 = arith.constant 0 : i32
        %get3A_182 = arith.index_cast %scan3A_9 : i32 to index
        %get3A_183 = arith.index_cast %get3A_181 : i32 to index
        %get3A_184 = arith.constant 96 : index
        %get3A_185 = tpu.vector_load %arg5[%get3A_182, %get3A_183, %get3A_184] {strides = array<i32>} : memref<16x4x128xi32, #tpu.memory_space<vmem>>, vector<1x1x16xi32>,
        %get3A_186 = vector.shape_cast %get3A_185 : vector<1x1x16xi32> to vector<16xi32>
        %add3A_187 = vector.broadcast %mul3A_80 : i32 to vector<16xi32>
        %add3A_188 = arith.addi %get3A_186, %add3A_187 : vector<16xi32>
        %mul3A_189 = arith.constant 4 : i32
        %mul3A_190 = arith.muli %scan3A_74, %mul3A_189 : i32
        %add3A_191 = arith.constant 0 : i32
        %add3A_192 = arith.addi %mul3A_190, %add3A_191 : i32
        %swap3A_193 = arith.index_cast %add3A_192 : i32 to index
        %swap3A_194 = arith.constant 96 : index
        %swap3A_195 = tpu.vector_load %arg6[%swap3A_193, %swap3A_194] {strides = array<i32>} : memref<64x128xi32, #tpu.memory_space<vmem>>, vector<1x16xi32>,
        %swap3A_196 = vector.shape_cast %swap3A_195 : vector<1x16xi32> to vector<16xi32>
        %swap3A_197 = vector.shape_cast %add3A_188 : vector<16xi32> to vector<1x16xi32>
        tpu.vector_store %arg6[%swap3A_193, %swap3A_194], %swap3A_197 {strides = array<i32>} : memref<64x128xi32, #tpu.memory_space<vmem>>, vector<1x16xi32>,
        %get3A_198 = arith.constant 0 : i32
        %get3A_199 = arith.index_cast %scan3A_9 : i32 to index
        %get3A_200 = arith.index_cast %get3A_198 : i32 to index
        %get3A_201 = arith.constant 112 : index
        %get3A_202 = tpu.vector_load %arg5[%get3A_199, %get3A_200, %get3A_201] {strides = array<i32>} : memref<16x4x128xi32, #tpu.memory_space<vmem>>, vector<1x1x16xi32>,
        %get3A_203 = vector.shape_cast %get3A_202 : vector<1x1x16xi32> to vector<16xi32>
        %add3A_204 = vector.broadcast %mul3A_80 : i32 to vector<16xi32>
        %add3A_205 = arith.addi %get3A_203, %add3A_204 : vector<16xi32>
        %mul3A_206 = arith.constant 4 : i32
        %mul3A_207 = arith.muli %scan3A_74, %mul3A_206 : i32
        %add3A_208 = arith.constant 0 : i32
        %add3A_209 = arith.addi %mul3A_207, %add3A_208 : i32
        %swap3A_210 = arith.index_cast %add3A_209 : i32 to index
        %swap3A_211 = arith.constant 112 : index
        %swap3A_212 = tpu.vector_load %arg6[%swap3A_210, %swap3A_211] {strides = array<i32>} : memref<64x128xi32, #tpu.memory_space<vmem>>, vector<1x16xi32>,
        %swap3A_213 = vector.shape_cast %swap3A_212 : vector<1x16xi32> to vector<16xi32>
        %swap3A_214 = vector.shape_cast %add3A_205 : vector<16xi32> to vector<1x16xi32>
        tpu.vector_store %arg6[%swap3A_210, %swap3A_211], %swap3A_214 {strides = array<i32>} : memref<64x128xi32, #tpu.memory_space<vmem>>, vector<1x16xi32>,
        %get3A_215 = arith.constant 1 : i32
        %get3A_216 = arith.index_cast %scan3A_9 : i32 to index
        %get3A_217 = arith.index_cast %get3A_215 : i32 to index
        %get3A_218 = arith.constant 0 : index
        %get3A_219 = tpu.vector_load %arg5[%get3A_216, %get3A_217, %get3A_218] {strides = array<i32>} : memref<16x4x128xi32, #tpu.memory_space<vmem>>, vector<1x1x16xi32>,
        %get3A_220 = vector.shape_cast %get3A_219 : vector<1x1x16xi32> to vector<16xi32>
        %add3A_221 = vector.broadcast %mul3A_80 : i32 to vector<16xi32>
        %add3A_222 = arith.addi %get3A_220, %add3A_221 : vector<16xi32>
        %mul3A_223 = arith.constant 4 : i32
        %mul3A_224 = arith.muli %scan3A_74, %mul3A_223 : i32
        %add3A_225 = arith.constant 1 : i32
        %add3A_226 = arith.addi %mul3A_224, %add3A_225 : i32
        %swap3A_227 = arith.index_cast %add3A_226 : i32 to index
        %swap3A_228 = arith.constant 0 : index
        %swap3A_229 = tpu.vector_load %arg6[%swap3A_227, %swap3A_228] {strides = array<i32>} : memref<64x128xi32, #tpu.memory_space<vmem>>, vector<1x16xi32>,
        %swap3A_230 = vector.shape_cast %swap3A_229 : vector<1x16xi32> to vector<16xi32>
        %swap3A_231 = vector.shape_cast %add3A_222 : vector<16xi32> to vector<1x16xi32>
        tpu.vector_store %arg6[%swap3A_227, %swap3A_228], %swap3A_231 {strides = array<i32>} : memref<64x128xi32, #tpu.memory_space<vmem>>, vector<1x16xi32>,
        %get3A_232 = arith.constant 1 : i32
        %get3A_233 = arith.index_cast %scan3A_9 : i32 to index
        %get3A_234 = arith.index_cast %get3A_232 : i32 to index
        %get3A_235 = arith.constant 16 : index
        %get3A_236 = tpu.vector_load %arg5[%get3A_233, %get3A_234, %get3A_235] {strides = array<i32>} : memref<16x4x128xi32, #tpu.memory_space<vmem>>, vector<1x1x16xi32>,
        %get3A_237 = vector.shape_cast %get3A_236 : vector<1x1x16xi32> to vector<16xi32>
        %add3A_238 = vector.broadcast %mul3A_80 : i32 to vector<16xi32>
        %add3A_239 = arith.addi %get3A_237, %add3A_238 : vector<16xi32>
        %mul3A_240 = arith.constant 4 : i32
        %mul3A_241 = arith.muli %scan3A_74, %mul3A_240 : i32
        %add3A_242 = arith.constant 1 : i32
        %add3A_243 = arith.addi %mul3A_241, %add3A_242 : i32
        %swap3A_244 = arith.index_cast %add3A_243 : i32 to index
        %swap3A_245 = arith.constant 16 : index
        %swap3A_246 = tpu.vector_load %arg6[%swap3A_244, %swap3A_245] {strides = array<i32>} : memref<64x128xi32, #tpu.memory_space<vmem>>, vector<1x16xi32>,
        %swap3A_247 = vector.shape_cast %swap3A_246 : vector<1x16xi32> to vector<16xi32>
        %swap3A_248 = vector.shape_cast %add3A_239 : vector<16xi32> to vector<1x16xi32>
        tpu.vector_store %arg6[%swap3A_244, %swap3A_245], %swap3A_248 {strides = array<i32>} : memref<64x128xi32, #tpu.memory_space<vmem>>, vector<1x16xi32>,
        %get3A_249 = arith.constant 1 : i32
        %get3A_250 = arith.index_cast %scan3A_9 : i32 to index
        %get3A_251 = arith.index_cast %get3A_249 : i32 to index
        %get3A_252 = arith.constant 32 : index
        %get3A_253 = tpu.vector_load %arg5[%get3A_250, %get3A_251, %get3A_252] {strides = array<i32>} : memref<16x4x128xi32, #tpu.memory_space<vmem>>, vector<1x1x16xi32>,
        %get3A_254 = vector.shape_cast %get3A_253 : vector<1x1x16xi32> to vector<16xi32>
        %add3A_255 = vector.broadcast %mul3A_80 : i32 to vector<16xi32>
        %add3A_256 = arith.addi %get3A_254, %add3A_255 : vector<16xi32>
        %mul3A_257 = arith.constant 4 : i32
        %mul3A_258 = arith.muli %scan3A_74, %mul3A_257 : i32
        %add3A_259 = arith.constant 1 : i32
        %add3A_260 = arith.addi %mul3A_258, %add3A_259 : i32
        %swap3A_261 = arith.index_cast %add3A_260 : i32 to index
        %swap3A_262 = arith.constant 32 : index
        %swap3A_263 = tpu.vector_load %arg6[%swap3A_261, %swap3A_262] {strides = array<i32>} : memref<64x128xi32, #tpu.memory_space<vmem>>, vector<1x16xi32>,
        %swap3A_264 = vector.shape_cast %swap3A_263 : vector<1x16xi32> to vector<16xi32>
        %swap3A_265 = vector.shape_cast %add3A_256 : vector<16xi32> to vector<1x16xi32>
        tpu.vector_store %arg6[%swap3A_261, %swap3A_262], %swap3A_265 {strides = array<i32>} : memref<64x128xi32, #tpu.memory_space<vmem>>, vector<1x16xi32>,
        %get3A_266 = arith.constant 1 : i32
        %get3A_267 = arith.index_cast %scan3A_9 : i32 to index
        %get3A_268 = arith.index_cast %get3A_266 : i32 to index
        %get3A_269 = arith.constant 48 : index
        %get3A_270 = tpu.vector_load %arg5[%get3A_267, %get3A_268, %get3A_269] {strides = array<i32>} : memref<16x4x128xi32, #tpu.memory_space<vmem>>, vector<1x1x16xi32>,
        %get3A_271 = vector.shape_cast %get3A_270 : vector<1x1x16xi32> to vector<16xi32>
        %add3A_272 = vector.broadcast %mul3A_80 : i32 to vector<16xi32>
        %add3A_273 = arith.addi %get3A_271, %add3A_272 : vector<16xi32>
        %mul3A_274 = arith.constant 4 : i32
        %mul3A_275 = arith.muli %scan3A_74, %mul3A_274 : i32
        %add3A_276 = arith.constant 1 : i32
        %add3A_277 = arith.addi %mul3A_275, %add3A_276 : i32
        %swap3A_278 = arith.index_cast %add3A_277 : i32 to index
        %swap3A_279 = arith.constant 48 : index
        %swap3A_280 = tpu.vector_load %arg6[%swap3A_278, %swap3A_279] {strides = array<i32>} : memref<64x128xi32, #tpu.memory_space<vmem>>, vector<1x16xi32>,
        %swap3A_281 = vector.shape_cast %swap3A_280 : vector<1x16xi32> to vector<16xi32>
        %swap3A_282 = vector.shape_cast %add3A_273 : vector<16xi32> to vector<1x16xi32>
        tpu.vector_store %arg6[%swap3A_278, %swap3A_279], %swap3A_282 {strides = array<i32>} : memref<64x128xi32, #tpu.memory_space<vmem>>, vector<1x16xi32>,
        %get3A_283 = arith.constant 1 : i32
        %get3A_284 = arith.index_cast %scan3A_9 : i32 to index
        %get3A_285 = arith.index_cast %get3A_283 : i32 to index
        %get3A_286 = arith.constant 64 : index
        %get3A_287 = tpu.vector_load %arg5[%get3A_284, %get3A_285, %get3A_286] {strides = array<i32>} : memref<16x4x128xi32, #tpu.memory_space<vmem>>, vector<1x1x16xi32>,
        %get3A_288 = vector.shape_cast %get3A_287 : vector<1x1x16xi32> to vector<16xi32>
        %add3A_289 = vector.broadcast %mul3A_80 : i32 to vector<16xi32>
        %add3A_290 = arith.addi %get3A_288, %add3A_289 : vector<16xi32>
        %mul3A_291 = arith.constant 4 : i32
        %mul3A_292 = arith.muli %scan3A_74, %mul3A_291 : i32
        %add3A_293 = arith.constant 1 : i32
        %add3A_294 = arith.addi %mul3A_292, %add3A_293 : i32
        %swap3A_295 = arith.index_cast %add3A_294 : i32 to index
        %swap3A_296 = arith.constant 64 : index
        %swap3A_297 = tpu.vector_load %arg6[%swap3A_295, %swap3A_296] {strides = array<i32>} : memref<64x128xi32, #tpu.memory_space<vmem>>, vector<1x16xi32>,
        %swap3A_298 = vector.shape_cast %swap3A_297 : vector<1x16xi32> to vector<16xi32>
        %swap3A_299 = vector.shape_cast %add3A_290 : vector<16xi32> to vector<1x16xi32>
        tpu.vector_store %arg6[%swap3A_295, %swap3A_296], %swap3A_299 {strides = array<i32>} : memref<64x128xi32, #tpu.memory_space<vmem>>, vector<1x16xi32>,
        %get3A_300 = arith.constant 1 : i32
        %get3A_301 = arith.index_cast %scan3A_9 : i32 to index
        %get3A_302 = arith.index_cast %get3A_300 : i32 to index
        %get3A_303 = arith.constant 80 : index
        %get3A_304 = tpu.vector_load %arg5[%get3A_301, %get3A_302, %get3A_303] {strides = array<i32>} : memref<16x4x128xi32, #tpu.memory_space<vmem>>, vector<1x1x16xi32>,
        %get3A_305 = vector.shape_cast %get3A_304 : vector<1x1x16xi32> to vector<16xi32>
        %add3A_306 = vector.broadcast %mul3A_80 : i32 to vector<16xi32>
        %add3A_307 = arith.addi %get3A_305, %add3A_306 : vector<16xi32>
        %mul3A_308 = arith.constant 4 : i32
        %mul3A_309 = arith.muli %scan3A_74, %mul3A_308 : i32
        %add3A_310 = arith.constant 1 : i32
        %add3A_311 = arith.addi %mul3A_309, %add3A_310 : i32
        %swap3A_312 = arith.index_cast %add3A_311 : i32 to index
        %swap3A_313 = arith.constant 80 : index
        %swap3A_314 = tpu.vector_load %arg6[%swap3A_312, %swap3A_313] {strides = array<i32>} : memref<64x128xi32, #tpu.memory_space<vmem>>, vector<1x16xi32>,
        %swap3A_315 = vector.shape_cast %swap3A_314 : vector<1x16xi32> to vector<16xi32>
        %swap3A_316 = vector.shape_cast %add3A_307 : vector<16xi32> to vector<1x16xi32>
        tpu.vector_store %arg6[%swap3A_312, %swap3A_313], %swap3A_316 {strides = array<i32>} : memref<64x128xi32, #tpu.memory_space<vmem>>, vector<1x16xi32>,
        %get3A_317 = arith.constant 1 : i32
        %get3A_318 = arith.index_cast %scan3A_9 : i32 to index
        %get3A_319 = arith.index_cast %get3A_317 : i32 to index
        %get3A_320 = arith.constant 96 : index
        %get3A_321 = tpu.vector_load %arg5[%get3A_318, %get3A_319, %get3A_320] {strides = array<i32>} : memref<16x4x128xi32, #tpu.memory_space<vmem>>, vector<1x1x16xi32>,
        %get3A_322 = vector.shape_cast %get3A_321 : vector<1x1x16xi32> to vector<16xi32>
        %add3A_323 = vector.broadcast %mul3A_80 : i32 to vector<16xi32>
        %add3A_324 = arith.addi %get3A_322, %add3A_323 : vector<16xi32>
        %mul3A_325 = arith.constant 4 : i32
        %mul3A_326 = arith.muli %scan3A_74, %mul3A_325 : i32
        %add3A_327 = arith.constant 1 : i32
        %add3A_328 = arith.addi %mul3A_326, %add3A_327 : i32
        %swap3A_329 = arith.index_cast %add3A_328 : i32 to index
        %swap3A_330 = arith.constant 96 : index
        %swap3A_331 = tpu.vector_load %arg6[%swap3A_329, %swap3A_330] {strides = array<i32>} : memref<64x128xi32, #tpu.memory_space<vmem>>, vector<1x16xi32>,
        %swap3A_332 = vector.shape_cast %swap3A_331 : vector<1x16xi32> to vector<16xi32>
        %swap3A_333 = vector.shape_cast %add3A_324 : vector<16xi32> to vector<1x16xi32>
        tpu.vector_store %arg6[%swap3A_329, %swap3A_330], %swap3A_333 {strides = array<i32>} : memref<64x128xi32, #tpu.memory_space<vmem>>, vector<1x16xi32>,
        %get3A_334 = arith.constant 1 : i32
        %get3A_335 = arith.index_cast %scan3A_9 : i32 to index
        %get3A_336 = arith.index_cast %get3A_334 : i32 to index
        %get3A_337 = arith.constant 112 : index
        %get3A_338 = tpu.vector_load %arg5[%get3A_335, %get3A_336, %get3A_337] {strides = array<i32>} : memref<16x4x128xi32, #tpu.memory_space<vmem>>, vector<1x1x16xi32>,
        %get3A_339 = vector.shape_cast %get3A_338 : vector<1x1x16xi32> to vector<16xi32>
        %add3A_340 = vector.broadcast %mul3A_80 : i32 to vector<16xi32>
        %add3A_341 = arith.addi %get3A_339, %add3A_340 : vector<16xi32>
        %mul3A_342 = arith.constant 4 : i32
        %mul3A_343 = arith.muli %scan3A_74, %mul3A_342 : i32
        %add3A_344 = arith.constant 1 : i32
        %add3A_345 = arith.addi %mul3A_343, %add3A_344 : i32
        %swap3A_346 = arith.index_cast %add3A_345 : i32 to index
        %swap3A_347 = arith.constant 112 : index
        %swap3A_348 = tpu.vector_load %arg6[%swap3A_346, %swap3A_347] {strides = array<i32>} : memref<64x128xi32, #tpu.memory_space<vmem>>, vector<1x16xi32>,
        %swap3A_349 = vector.shape_cast %swap3A_348 : vector<1x16xi32> to vector<16xi32>
        %swap3A_350 = vector.shape_cast %add3A_341 : vector<16xi32> to vector<1x16xi32>
        tpu.vector_store %arg6[%swap3A_346, %swap3A_347], %swap3A_350 {strides = array<i32>} : memref<64x128xi32, #tpu.memory_space<vmem>>, vector<1x16xi32>,
        %get3A_351 = arith.constant 2 : i32
        %get3A_352 = arith.index_cast %scan3A_9 : i32 to index
        %get3A_353 = arith.index_cast %get3A_351 : i32 to index
        %get3A_354 = arith.constant 0 : index
        %get3A_355 = tpu.vector_load %arg5[%get3A_352, %get3A_353, %get3A_354] {strides = array<i32>} : memref<16x4x128xi32, #tpu.memory_space<vmem>>, vector<1x1x16xi32>,
        %get3A_356 = vector.shape_cast %get3A_355 : vector<1x1x16xi32> to vector<16xi32>
        %add3A_357 = vector.broadcast %mul3A_80 : i32 to vector<16xi32>
        %add3A_358 = arith.addi %get3A_356, %add3A_357 : vector<16xi32>
        %mul3A_359 = arith.constant 4 : i32
        %mul3A_360 = arith.muli %scan3A_74, %mul3A_359 : i32
        %add3A_361 = arith.constant 2 : i32
        %add3A_362 = arith.addi %mul3A_360, %add3A_361 : i32
        %swap3A_363 = arith.index_cast %add3A_362 : i32 to index
        %swap3A_364 = arith.constant 0 : index
        %swap3A_365 = tpu.vector_load %arg6[%swap3A_363, %swap3A_364] {strides = array<i32>} : memref<64x128xi32, #tpu.memory_space<vmem>>, vector<1x16xi32>,
        %swap3A_366 = vector.shape_cast %swap3A_365 : vector<1x16xi32> to vector<16xi32>
        %swap3A_367 = vector.shape_cast %add3A_358 : vector<16xi32> to vector<1x16xi32>
        tpu.vector_store %arg6[%swap3A_363, %swap3A_364], %swap3A_367 {strides = array<i32>} : memref<64x128xi32, #tpu.memory_space<vmem>>, vector<1x16xi32>,
        %get3A_368 = arith.constant 2 : i32
        %get3A_369 = arith.index_cast %scan3A_9 : i32 to index
        %get3A_370 = arith.index_cast %get3A_368 : i32 to index
        %get3A_371 = arith.constant 16 : index
        %get3A_372 = tpu.vector_load %arg5[%get3A_369, %get3A_370, %get3A_371] {strides = array<i32>} : memref<16x4x128xi32, #tpu.memory_space<vmem>>, vector<1x1x16xi32>,
        %get3A_373 = vector.shape_cast %get3A_372 : vector<1x1x16xi32> to vector<16xi32>
        %add3A_374 = vector.broadcast %mul3A_80 : i32 to vector<16xi32>
        %add3A_375 = arith.addi %get3A_373, %add3A_374 : vector<16xi32>
        %mul3A_376 = arith.constant 4 : i32
        %mul3A_377 = arith.muli %scan3A_74, %mul3A_376 : i32
        %add3A_378 = arith.constant 2 : i32
        %add3A_379 = arith.addi %mul3A_377, %add3A_378 : i32
        %swap3A_380 = arith.index_cast %add3A_379 : i32 to index
        %swap3A_381 = arith.constant 16 : index
        %swap3A_382 = tpu.vector_load %arg6[%swap3A_380, %swap3A_381] {strides = array<i32>} : memref<64x128xi32, #tpu.memory_space<vmem>>, vector<1x16xi32>,
        %swap3A_383 = vector.shape_cast %swap3A_382 : vector<1x16xi32> to vector<16xi32>
        %swap3A_384 = vector.shape_cast %add3A_375 : vector<16xi32> to vector<1x16xi32>
        tpu.vector_store %arg6[%swap3A_380, %swap3A_381], %swap3A_384 {strides = array<i32>} : memref<64x128xi32, #tpu.memory_space<vmem>>, vector<1x16xi32>,
        %get3A_385 = arith.constant 2 : i32
        %get3A_386 = arith.index_cast %scan3A_9 : i32 to index
        %get3A_387 = arith.index_cast %get3A_385 : i32 to index
        %get3A_388 = arith.constant 32 : index
        %get3A_389 = tpu.vector_load %arg5[%get3A_386, %get3A_387, %get3A_388] {strides = array<i32>} : memref<16x4x128xi32, #tpu.memory_space<vmem>>, vector<1x1x16xi32>,
        %get3A_390 = vector.shape_cast %get3A_389 : vector<1x1x16xi32> to vector<16xi32>
        %add3A_391 = vector.broadcast %mul3A_80 : i32 to vector<16xi32>
        %add3A_392 = arith.addi %get3A_390, %add3A_391 : vector<16xi32>
        %mul3A_393 = arith.constant 4 : i32
        %mul3A_394 = arith.muli %scan3A_74, %mul3A_393 : i32
        %add3A_395 = arith.constant 2 : i32
        %add3A_396 = arith.addi %mul3A_394, %add3A_395 : i32
        %swap3A_397 = arith.index_cast %add3A_396 : i32 to index
        %swap3A_398 = arith.constant 32 : index
        %swap3A_399 = tpu.vector_load %arg6[%swap3A_397, %swap3A_398] {strides = array<i32>} : memref<64x128xi32, #tpu.memory_space<vmem>>, vector<1x16xi32>,
        %swap3A_400 = vector.shape_cast %swap3A_399 : vector<1x16xi32> to vector<16xi32>
        %swap3A_401 = vector.shape_cast %add3A_392 : vector<16xi32> to vector<1x16xi32>
        tpu.vector_store %arg6[%swap3A_397, %swap3A_398], %swap3A_401 {strides = array<i32>} : memref<64x128xi32, #tpu.memory_space<vmem>>, vector<1x16xi32>,
        %get3A_402 = arith.constant 2 : i32
        %get3A_403 = arith.index_cast %scan3A_9 : i32 to index
        %get3A_404 = arith.index_cast %get3A_402 : i32 to index
        %get3A_405 = arith.constant 48 : index
        %get3A_406 = tpu.vector_load %arg5[%get3A_403, %get3A_404, %get3A_405] {strides = array<i32>} : memref<16x4x128xi32, #tpu.memory_space<vmem>>, vector<1x1x16xi32>,
        %get3A_407 = vector.shape_cast %get3A_406 : vector<1x1x16xi32> to vector<16xi32>
        %add3A_408 = vector.broadcast %mul3A_80 : i32 to vector<16xi32>
        %add3A_409 = arith.addi %get3A_407, %add3A_408 : vector<16xi32>
        %mul3A_410 = arith.constant 4 : i32
        %mul3A_411 = arith.muli %scan3A_74, %mul3A_410 : i32
        %add3A_412 = arith.constant 2 : i32
        %add3A_413 = arith.addi %mul3A_411, %add3A_412 : i32
        %swap3A_414 = arith.index_cast %add3A_413 : i32 to index
        %swap3A_415 = arith.constant 48 : index
        %swap3A_416 = tpu.vector_load %arg6[%swap3A_414, %swap3A_415] {strides = array<i32>} : memref<64x128xi32, #tpu.memory_space<vmem>>, vector<1x16xi32>,
        %swap3A_417 = vector.shape_cast %swap3A_416 : vector<1x16xi32> to vector<16xi32>
        %swap3A_418 = vector.shape_cast %add3A_409 : vector<16xi32> to vector<1x16xi32>
        tpu.vector_store %arg6[%swap3A_414, %swap3A_415], %swap3A_418 {strides = array<i32>} : memref<64x128xi32, #tpu.memory_space<vmem>>, vector<1x16xi32>,
        %get3A_419 = arith.constant 2 : i32
        %get3A_420 = arith.index_cast %scan3A_9 : i32 to index
        %get3A_421 = arith.index_cast %get3A_419 : i32 to index
        %get3A_422 = arith.constant 64 : index
        %get3A_423 = tpu.vector_load %arg5[%get3A_420, %get3A_421, %get3A_422] {strides = array<i32>} : memref<16x4x128xi32, #tpu.memory_space<vmem>>, vector<1x1x16xi32>,
        %get3A_424 = vector.shape_cast %get3A_423 : vector<1x1x16xi32> to vector<16xi32>
        %add3A_425 = vector.broadcast %mul3A_80 : i32 to vector<16xi32>
        %add3A_426 = arith.addi %get3A_424, %add3A_425 : vector<16xi32>
        %mul3A_427 = arith.constant 4 : i32
        %mul3A_428 = arith.muli %scan3A_74, %mul3A_427 : i32
        %add3A_429 = arith.constant 2 : i32
        %add3A_430 = arith.addi %mul3A_428, %add3A_429 : i32
        %swap3A_431 = arith.index_cast %add3A_430 : i32 to index
        %swap3A_432 = arith.constant 64 : index
        %swap3A_433 = tpu.vector_load %arg6[%swap3A_431, %swap3A_432] {strides = array<i32>} : memref<64x128xi32, #tpu.memory_space<vmem>>, vector<1x16xi32>,
        %swap3A_434 = vector.shape_cast %swap3A_433 : vector<1x16xi32> to vector<16xi32>
        %swap3A_435 = vector.shape_cast %add3A_426 : vector<16xi32> to vector<1x16xi32>
        tpu.vector_store %arg6[%swap3A_431, %swap3A_432], %swap3A_435 {strides = array<i32>} : memref<64x128xi32, #tpu.memory_space<vmem>>, vector<1x16xi32>,
        %get3A_436 = arith.constant 2 : i32
        %get3A_437 = arith.index_cast %scan3A_9 : i32 to index
        %get3A_438 = arith.index_cast %get3A_436 : i32 to index
        %get3A_439 = arith.constant 80 : index
        %get3A_440 = tpu.vector_load %arg5[%get3A_437, %get3A_438, %get3A_439] {strides = array<i32>} : memref<16x4x128xi32, #tpu.memory_space<vmem>>, vector<1x1x16xi32>,
        %get3A_441 = vector.shape_cast %get3A_440 : vector<1x1x16xi32> to vector<16xi32>
        %add3A_442 = vector.broadcast %mul3A_80 : i32 to vector<16xi32>
        %add3A_443 = arith.addi %get3A_441, %add3A_442 : vector<16xi32>
        %mul3A_444 = arith.constant 4 : i32
        %mul3A_445 = arith.muli %scan3A_74, %mul3A_444 : i32
        %add3A_446 = arith.constant 2 : i32
        %add3A_447 = arith.addi %mul3A_445, %add3A_446 : i32
        %swap3A_448 = arith.index_cast %add3A_447 : i32 to index
        %swap3A_449 = arith.constant 80 : index
        %swap3A_450 = tpu.vector_load %arg6[%swap3A_448, %swap3A_449] {strides = array<i32>} : memref<64x128xi32, #tpu.memory_space<vmem>>, vector<1x16xi32>,
        %swap3A_451 = vector.shape_cast %swap3A_450 : vector<1x16xi32> to vector<16xi32>
        %swap3A_452 = vector.shape_cast %add3A_443 : vector<16xi32> to vector<1x16xi32>
        tpu.vector_store %arg6[%swap3A_448, %swap3A_449], %swap3A_452 {strides = array<i32>} : memref<64x128xi32, #tpu.memory_space<vmem>>, vector<1x16xi32>,
        %get3A_453 = arith.constant 2 : i32
        %get3A_454 = arith.index_cast %scan3A_9 : i32 to index
        %get3A_455 = arith.index_cast %get3A_453 : i32 to index
        %get3A_456 = arith.constant 96 : index
        %get3A_457 = tpu.vector_load %arg5[%get3A_454, %get3A_455, %get3A_456] {strides = array<i32>} : memref<16x4x128xi32, #tpu.memory_space<vmem>>, vector<1x1x16xi32>,
        %get3A_458 = vector.shape_cast %get3A_457 : vector<1x1x16xi32> to vector<16xi32>
        %add3A_459 = vector.broadcast %mul3A_80 : i32 to vector<16xi32>
        %add3A_460 = arith.addi %get3A_458, %add3A_459 : vector<16xi32>
        %mul3A_461 = arith.constant 4 : i32
        %mul3A_462 = arith.muli %scan3A_74, %mul3A_461 : i32
        %add3A_463 = arith.constant 2 : i32
        %add3A_464 = arith.addi %mul3A_462, %add3A_463 : i32
        %swap3A_465 = arith.index_cast %add3A_464 : i32 to index
        %swap3A_466 = arith.constant 96 : index
        %swap3A_467 = tpu.vector_load %arg6[%swap3A_465, %swap3A_466] {strides = array<i32>} : memref<64x128xi32, #tpu.memory_space<vmem>>, vector<1x16xi32>,
        %swap3A_468 = vector.shape_cast %swap3A_467 : vector<1x16xi32> to vector<16xi32>
        %swap3A_469 = vector.shape_cast %add3A_460 : vector<16xi32> to vector<1x16xi32>
        tpu.vector_store %arg6[%swap3A_465, %swap3A_466], %swap3A_469 {strides = array<i32>} : memref<64x128xi32, #tpu.memory_space<vmem>>, vector<1x16xi32>,
        %get3A_470 = arith.constant 2 : i32
        %get3A_471 = arith.index_cast %scan3A_9 : i32 to index
        %get3A_472 = arith.index_cast %get3A_470 : i32 to index
        %get3A_473 = arith.constant 112 : index
        %get3A_474 = tpu.vector_load %arg5[%get3A_471, %get3A_472, %get3A_473] {strides = array<i32>} : memref<16x4x128xi32, #tpu.memory_space<vmem>>, vector<1x1x16xi32>,
        %get3A_475 = vector.shape_cast %get3A_474 : vector<1x1x16xi32> to vector<16xi32>
        %add3A_476 = vector.broadcast %mul3A_80 : i32 to vector<16xi32>
        %add3A_477 = arith.addi %get3A_475, %add3A_476 : vector<16xi32>
        %mul3A_478 = arith.constant 4 : i32
        %mul3A_479 = arith.muli %scan3A_74, %mul3A_478 : i32
        %add3A_480 = arith.constant 2 : i32
        %add3A_481 = arith.addi %mul3A_479, %add3A_480 : i32
        %swap3A_482 = arith.index_cast %add3A_481 : i32 to index
        %swap3A_483 = arith.constant 112 : index
        %swap3A_484 = tpu.vector_load %arg6[%swap3A_482, %swap3A_483] {strides = array<i32>} : memref<64x128xi32, #tpu.memory_space<vmem>>, vector<1x16xi32>,
        %swap3A_485 = vector.shape_cast %swap3A_484 : vector<1x16xi32> to vector<16xi32>
        %swap3A_486 = vector.shape_cast %add3A_477 : vector<16xi32> to vector<1x16xi32>
        tpu.vector_store %arg6[%swap3A_482, %swap3A_483], %swap3A_486 {strides = array<i32>} : memref<64x128xi32, #tpu.memory_space<vmem>>, vector<1x16xi32>,
        %get3A_487 = arith.constant 3 : i32
        %get3A_488 = arith.index_cast %scan3A_9 : i32 to index
        %get3A_489 = arith.index_cast %get3A_487 : i32 to index
        %get3A_490 = arith.constant 0 : index
        %get3A_491 = tpu.vector_load %arg5[%get3A_488, %get3A_489, %get3A_490] {strides = array<i32>} : memref<16x4x128xi32, #tpu.memory_space<vmem>>, vector<1x1x16xi32>,
        %get3A_492 = vector.shape_cast %get3A_491 : vector<1x1x16xi32> to vector<16xi32>
        %add3A_493 = vector.broadcast %mul3A_80 : i32 to vector<16xi32>
        %add3A_494 = arith.addi %get3A_492, %add3A_493 : vector<16xi32>
        %mul3A_495 = arith.constant 4 : i32
        %mul3A_496 = arith.muli %scan3A_74, %mul3A_495 : i32
        %add3A_497 = arith.constant 3 : i32
        %add3A_498 = arith.addi %mul3A_496, %add3A_497 : i32
        %swap3A_499 = arith.index_cast %add3A_498 : i32 to index
        %swap3A_500 = arith.constant 0 : index
        %swap3A_501 = tpu.vector_load %arg6[%swap3A_499, %swap3A_500] {strides = array<i32>} : memref<64x128xi32, #tpu.memory_space<vmem>>, vector<1x16xi32>,
        %swap3A_502 = vector.shape_cast %swap3A_501 : vector<1x16xi32> to vector<16xi32>
        %swap3A_503 = vector.shape_cast %add3A_494 : vector<16xi32> to vector<1x16xi32>
        tpu.vector_store %arg6[%swap3A_499, %swap3A_500], %swap3A_503 {strides = array<i32>} : memref<64x128xi32, #tpu.memory_space<vmem>>, vector<1x16xi32>,
        %get3A_504 = arith.constant 3 : i32
        %get3A_505 = arith.index_cast %scan3A_9 : i32 to index
        %get3A_506 = arith.index_cast %get3A_504 : i32 to index
        %get3A_507 = arith.constant 16 : index
        %get3A_508 = tpu.vector_load %arg5[%get3A_505, %get3A_506, %get3A_507] {strides = array<i32>} : memref<16x4x128xi32, #tpu.memory_space<vmem>>, vector<1x1x16xi32>,
        %get3A_509 = vector.shape_cast %get3A_508 : vector<1x1x16xi32> to vector<16xi32>
        %add3A_510 = vector.broadcast %mul3A_80 : i32 to vector<16xi32>
        %add3A_511 = arith.addi %get3A_509, %add3A_510 : vector<16xi32>
        %mul3A_512 = arith.constant 4 : i32
        %mul3A_513 = arith.muli %scan3A_74, %mul3A_512 : i32
        %add3A_514 = arith.constant 3 : i32
        %add3A_515 = arith.addi %mul3A_513, %add3A_514 : i32
        %swap3A_516 = arith.index_cast %add3A_515 : i32 to index
        %swap3A_517 = arith.constant 16 : index
        %swap3A_518 = tpu.vector_load %arg6[%swap3A_516, %swap3A_517] {strides = array<i32>} : memref<64x128xi32, #tpu.memory_space<vmem>>, vector<1x16xi32>,
        %swap3A_519 = vector.shape_cast %swap3A_518 : vector<1x16xi32> to vector<16xi32>
        %swap3A_520 = vector.shape_cast %add3A_511 : vector<16xi32> to vector<1x16xi32>
        tpu.vector_store %arg6[%swap3A_516, %swap3A_517], %swap3A_520 {strides = array<i32>} : memref<64x128xi32, #tpu.memory_space<vmem>>, vector<1x16xi32>,
        %get3A_521 = arith.constant 3 : i32
        %get3A_522 = arith.index_cast %scan3A_9 : i32 to index
        %get3A_523 = arith.index_cast %get3A_521 : i32 to index
        %get3A_524 = arith.constant 32 : index
        %get3A_525 = tpu.vector_load %arg5[%get3A_522, %get3A_523, %get3A_524] {strides = array<i32>} : memref<16x4x128xi32, #tpu.memory_space<vmem>>, vector<1x1x16xi32>,
        %get3A_526 = vector.shape_cast %get3A_525 : vector<1x1x16xi32> to vector<16xi32>
        %add3A_527 = vector.broadcast %mul3A_80 : i32 to vector<16xi32>
        %add3A_528 = arith.addi %get3A_526, %add3A_527 : vector<16xi32>
        %mul3A_529 = arith.constant 4 : i32
        %mul3A_530 = arith.muli %scan3A_74, %mul3A_529 : i32
        %add3A_531 = arith.constant 3 : i32
        %add3A_532 = arith.addi %mul3A_530, %add3A_531 : i32
        %swap3A_533 = arith.index_cast %add3A_532 : i32 to index
        %swap3A_534 = arith.constant 32 : index
        %swap3A_535 = tpu.vector_load %arg6[%swap3A_533, %swap3A_534] {strides = array<i32>} : memref<64x128xi32, #tpu.memory_space<vmem>>, vector<1x16xi32>,
        %swap3A_536 = vector.shape_cast %swap3A_535 : vector<1x16xi32> to vector<16xi32>
        %swap3A_537 = vector.shape_cast %add3A_528 : vector<16xi32> to vector<1x16xi32>
        tpu.vector_store %arg6[%swap3A_533, %swap3A_534], %swap3A_537 {strides = array<i32>} : memref<64x128xi32, #tpu.memory_space<vmem>>, vector<1x16xi32>,
        %get3A_538 = arith.constant 3 : i32
        %get3A_539 = arith.index_cast %scan3A_9 : i32 to index
        %get3A_540 = arith.index_cast %get3A_538 : i32 to index
        %get3A_541 = arith.constant 48 : index
        %get3A_542 = tpu.vector_load %arg5[%get3A_539, %get3A_540, %get3A_541] {strides = array<i32>} : memref<16x4x128xi32, #tpu.memory_space<vmem>>, vector<1x1x16xi32>,
        %get3A_543 = vector.shape_cast %get3A_542 : vector<1x1x16xi32> to vector<16xi32>
        %add3A_544 = vector.broadcast %mul3A_80 : i32 to vector<16xi32>
        %add3A_545 = arith.addi %get3A_543, %add3A_544 : vector<16xi32>
        %mul3A_546 = arith.constant 4 : i32
        %mul3A_547 = arith.muli %scan3A_74, %mul3A_546 : i32
        %add3A_548 = arith.constant 3 : i32
        %add3A_549 = arith.addi %mul3A_547, %add3A_548 : i32
        %swap3A_550 = arith.index_cast %add3A_549 : i32 to index
        %swap3A_551 = arith.constant 48 : index
        %swap3A_552 = tpu.vector_load %arg6[%swap3A_550, %swap3A_551] {strides = array<i32>} : memref<64x128xi32, #tpu.memory_space<vmem>>, vector<1x16xi32>,
        %swap3A_553 = vector.shape_cast %swap3A_552 : vector<1x16xi32> to vector<16xi32>
        %swap3A_554 = vector.shape_cast %add3A_545 : vector<16xi32> to vector<1x16xi32>
        tpu.vector_store %arg6[%swap3A_550, %swap3A_551], %swap3A_554 {strides = array<i32>} : memref<64x128xi32, #tpu.memory_space<vmem>>, vector<1x16xi32>,
        %get3A_555 = arith.constant 3 : i32
        %get3A_556 = arith.index_cast %scan3A_9 : i32 to index
        %get3A_557 = arith.index_cast %get3A_555 : i32 to index
        %get3A_558 = arith.constant 64 : index
        %get3A_559 = tpu.vector_load %arg5[%get3A_556, %get3A_557, %get3A_558] {strides = array<i32>} : memref<16x4x128xi32, #tpu.memory_space<vmem>>, vector<1x1x16xi32>,
        %get3A_560 = vector.shape_cast %get3A_559 : vector<1x1x16xi32> to vector<16xi32>
        %add3A_561 = vector.broadcast %mul3A_80 : i32 to vector<16xi32>
        %add3A_562 = arith.addi %get3A_560, %add3A_561 : vector<16xi32>
        %mul3A_563 = arith.constant 4 : i32
        %mul3A_564 = arith.muli %scan3A_74, %mul3A_563 : i32
        %add3A_565 = arith.constant 3 : i32
        %add3A_566 = arith.addi %mul3A_564, %add3A_565 : i32
        %swap3A_567 = arith.index_cast %add3A_566 : i32 to index
        %swap3A_568 = arith.constant 64 : index
        %swap3A_569 = tpu.vector_load %arg6[%swap3A_567, %swap3A_568] {strides = array<i32>} : memref<64x128xi32, #tpu.memory_space<vmem>>, vector<1x16xi32>,
        %swap3A_570 = vector.shape_cast %swap3A_569 : vector<1x16xi32> to vector<16xi32>
        %swap3A_571 = vector.shape_cast %add3A_562 : vector<16xi32> to vector<1x16xi32>
        tpu.vector_store %arg6[%swap3A_567, %swap3A_568], %swap3A_571 {strides = array<i32>} : memref<64x128xi32, #tpu.memory_space<vmem>>, vector<1x16xi32>,
        %get3A_572 = arith.constant 3 : i32
        %get3A_573 = arith.index_cast %scan3A_9 : i32 to index
        %get3A_574 = arith.index_cast %get3A_572 : i32 to index
        %get3A_575 = arith.constant 80 : index
        %get3A_576 = tpu.vector_load %arg5[%get3A_573, %get3A_574, %get3A_575] {strides = array<i32>} : memref<16x4x128xi32, #tpu.memory_space<vmem>>, vector<1x1x16xi32>,
        %get3A_577 = vector.shape_cast %get3A_576 : vector<1x1x16xi32> to vector<16xi32>
        %add3A_578 = vector.broadcast %mul3A_80 : i32 to vector<16xi32>
        %add3A_579 = arith.addi %get3A_577, %add3A_578 : vector<16xi32>
        %mul3A_580 = arith.constant 4 : i32
        %mul3A_581 = arith.muli %scan3A_74, %mul3A_580 : i32
        %add3A_582 = arith.constant 3 : i32
        %add3A_583 = arith.addi %mul3A_581, %add3A_582 : i32
        %swap3A_584 = arith.index_cast %add3A_583 : i32 to index
        %swap3A_585 = arith.constant 80 : index
        %swap3A_586 = tpu.vector_load %arg6[%swap3A_584, %swap3A_585] {strides = array<i32>} : memref<64x128xi32, #tpu.memory_space<vmem>>, vector<1x16xi32>,
        %swap3A_587 = vector.shape_cast %swap3A_586 : vector<1x16xi32> to vector<16xi32>
        %swap3A_588 = vector.shape_cast %add3A_579 : vector<16xi32> to vector<1x16xi32>
        tpu.vector_store %arg6[%swap3A_584, %swap3A_585], %swap3A_588 {strides = array<i32>} : memref<64x128xi32, #tpu.memory_space<vmem>>, vector<1x16xi32>,
        %get3A_589 = arith.constant 3 : i32
        %get3A_590 = arith.index_cast %scan3A_9 : i32 to index
        %get3A_591 = arith.index_cast %get3A_589 : i32 to index
        %get3A_592 = arith.constant 96 : index
        %get3A_593 = tpu.vector_load %arg5[%get3A_590, %get3A_591, %get3A_592] {strides = array<i32>} : memref<16x4x128xi32, #tpu.memory_space<vmem>>, vector<1x1x16xi32>,
        %get3A_594 = vector.shape_cast %get3A_593 : vector<1x1x16xi32> to vector<16xi32>
        %add3A_595 = vector.broadcast %mul3A_80 : i32 to vector<16xi32>
        %add3A_596 = arith.addi %get3A_594, %add3A_595 : vector<16xi32>
        %mul3A_597 = arith.constant 4 : i32
        %mul3A_598 = arith.muli %scan3A_74, %mul3A_597 : i32
        %add3A_599 = arith.constant 3 : i32
        %add3A_600 = arith.addi %mul3A_598, %add3A_599 : i32
        %swap3A_601 = arith.index_cast %add3A_600 : i32 to index
        %swap3A_602 = arith.constant 96 : index
        %swap3A_603 = tpu.vector_load %arg6[%swap3A_601, %swap3A_602] {strides = array<i32>} : memref<64x128xi32, #tpu.memory_space<vmem>>, vector<1x16xi32>,
        %swap3A_604 = vector.shape_cast %swap3A_603 : vector<1x16xi32> to vector<16xi32>
        %swap3A_605 = vector.shape_cast %add3A_596 : vector<16xi32> to vector<1x16xi32>
        tpu.vector_store %arg6[%swap3A_601, %swap3A_602], %swap3A_605 {strides = array<i32>} : memref<64x128xi32, #tpu.memory_space<vmem>>, vector<1x16xi32>,
        %get3A_606 = arith.constant 3 : i32
        %get3A_607 = arith.index_cast %scan3A_9 : i32 to index
        %get3A_608 = arith.index_cast %get3A_606 : i32 to index
        %get3A_609 = arith.constant 112 : index
        %get3A_610 = tpu.vector_load %arg5[%get3A_607, %get3A_608, %get3A_609] {strides = array<i32>} : memref<16x4x128xi32, #tpu.memory_space<vmem>>, vector<1x1x16xi32>,
        %get3A_611 = vector.shape_cast %get3A_610 : vector<1x1x16xi32> to vector<16xi32>
        %add3A_612 = vector.broadcast %mul3A_80 : i32 to vector<16xi32>
        %add3A_613 = arith.addi %get3A_611, %add3A_612 : vector<16xi32>
        %mul3A_614 = arith.constant 4 : i32
        %mul3A_615 = arith.muli %scan3A_74, %mul3A_614 : i32
        %add3A_616 = arith.constant 3 : i32
        %add3A_617 = arith.addi %mul3A_615, %add3A_616 : i32
        %swap3A_618 = arith.index_cast %add3A_617 : i32 to index
        %swap3A_619 = arith.constant 112 : index
        %swap3A_620 = tpu.vector_load %arg6[%swap3A_618, %swap3A_619] {strides = array<i32>} : memref<64x128xi32, #tpu.memory_space<vmem>>, vector<1x16xi32>,
        %swap3A_621 = vector.shape_cast %swap3A_620 : vector<1x16xi32> to vector<16xi32>
        %swap3A_622 = vector.shape_cast %add3A_613 : vector<16xi32> to vector<1x16xi32>
        tpu.vector_store %arg6[%swap3A_618, %swap3A_619], %swap3A_622 {strides = array<i32>} : memref<64x128xi32, #tpu.memory_space<vmem>>, vector<1x16xi32>,
        %scan3A_623 = arith.constant 0 : i32
        scf.yield %scan3A_623 : i32
      }
      %scan3A_17 = arith.constant 16 : i32
      %scan3A_18 = arith.constant 0 : i32
      %scan3A_19 = arith.constant 0 : i32
      %scan3A_20 = arith.constant 4 : i32
      %scan3A_21 = arith.addi %scan3A_19, %scan3A_20 : i32
      %scan3A_22 = arith.constant 1 : i32
      %scan3A_23 = scf.for %scan3A_74 = %scan3A_19 to %scan3A_21 step %scan3A_22 iter_args(%scan3A_75 = %scan3A_18) -> (i32)  : i32 {
        %mul3A_76 = arith.constant 16 : i32
        %mul3A_77 = arith.muli %scan3A_74, %mul3A_76 : i32
        %add3A_78 = arith.constant 0 : i32
        %add3A_79 = arith.addi %mul3A_77, %add3A_78 : i32
        %mul3A_80 = arith.constant 4 : i32
        %mul3A_81 = arith.muli %scan3A_74, %mul3A_80 : i32
        %add3A_82 = arith.constant 0 : i32
        %add3A_83 = arith.addi %mul3A_81, %add3A_82 : i32
        %dma_start3A = arith.constant 0 : i32
        %dma_start3A_84 = tpu.memref_slice %arg7[%add3A_83, %dma_start3A] : memref<16x512xf32, #tpu.memory_space<vmem>> -> memref<1x128xf32, #tpu.memory_space<vmem>>
        %dma_start3A_85 = tpu.memref_squeeze %dma_start3A_84 : memref<1x128xf32, #tpu.memory_space<vmem>> -> memref<128xf32, #tpu.memory_space<vmem>>
        %dma_start3A_86 = arith.constant 0 : i32
        %dma_start3A_87 = tpu.memref_slice %arg6[%add3A_79, %dma_start3A_86] : memref<64x128xi32, #tpu.memory_space<vmem>> -> memref<1x128xi32, #tpu.memory_space<vmem>>
        %dma_start3A_88 = tpu.memref_squeeze %dma_start3A_87 : memref<1x128xi32, #tpu.memory_space<vmem>> -> memref<128xi32, #tpu.memory_space<vmem>>
        %dma_start3A_89 = arith.constant 0 : i32
        %dma_start3A_90 = tpu.memref_slice %arg3[%dma_start3A_89] : memref<25600000xf32, #tpu.memory_space<hbm>> -> memref<25600000xf32, #tpu.memory_space<hbm>>
        tpu.enqueue_indirect_dma source(%dma_start3A_90 : memref<25600000xf32, #tpu.memory_space<hbm>>) target(%dma_start3A_85 : memref<128xf32, #tpu.memory_space<vmem>>) offsets(%dma_start3A_88 : memref<128xi32, #tpu.memory_space<vmem>>) semaphore(%arg9 : memref<!tpu.dma_semaphore, #tpu.memory_space<semaphore_mem>>)
        %mul3A_91 = arith.constant 16 : i32
        %mul3A_92 = arith.muli %scan3A_74, %mul3A_91 : i32
        %add3A_93 = arith.constant 1 : i32
        %add3A_94 = arith.addi %mul3A_92, %add3A_93 : i32
        %mul3A_95 = arith.constant 4 : i32
        %mul3A_96 = arith.muli %scan3A_74, %mul3A_95 : i32
        %add3A_97 = arith.constant 0 : i32
        %add3A_98 = arith.addi %mul3A_96, %add3A_97 : i32
        %dma_start3A_99 = arith.constant 128 : i32
        %dma_start3A_100 = tpu.memref_slice %arg7[%add3A_98, %dma_start3A_99] : memref<16x512xf32, #tpu.memory_space<vmem>> -> memref<1x128xf32, #tpu.memory_space<vmem>>
        %dma_start3A_101 = tpu.memref_squeeze %dma_start3A_100 : memref<1x128xf32, #tpu.memory_space<vmem>> -> memref<128xf32, #tpu.memory_space<vmem>>
        %dma_start3A_102 = arith.constant 0 : i32
        %dma_start3A_103 = tpu.memref_slice %arg6[%add3A_94, %dma_start3A_102] : memref<64x128xi32, #tpu.memory_space<vmem>> -> memref<1x128xi32, #tpu.memory_space<vmem>>
        %dma_start3A_104 = tpu.memref_squeeze %dma_start3A_103 : memref<1x128xi32, #tpu.memory_space<vmem>> -> memref<128xi32, #tpu.memory_space<vmem>>
        %dma_start3A_105 = arith.constant 0 : i32
        %dma_start3A_106 = tpu.memref_slice %arg3[%dma_start3A_105] : memref<25600000xf32, #tpu.memory_space<hbm>> -> memref<25600000xf32, #tpu.memory_space<hbm>>
        tpu.enqueue_indirect_dma source(%dma_start3A_106 : memref<25600000xf32, #tpu.memory_space<hbm>>) target(%dma_start3A_101 : memref<128xf32, #tpu.memory_space<vmem>>) offsets(%dma_start3A_104 : memref<128xi32, #tpu.memory_space<vmem>>) semaphore(%arg9 : memref<!tpu.dma_semaphore, #tpu.memory_space<semaphore_mem>>)
        %mul3A_107 = arith.constant 16 : i32
        %mul3A_108 = arith.muli %scan3A_74, %mul3A_107 : i32
        %add3A_109 = arith.constant 2 : i32
        %add3A_110 = arith.addi %mul3A_108, %add3A_109 : i32
        %mul3A_111 = arith.constant 4 : i32
        %mul3A_112 = arith.muli %scan3A_74, %mul3A_111 : i32
        %add3A_113 = arith.constant 0 : i32
        %add3A_114 = arith.addi %mul3A_112, %add3A_113 : i32
        %dma_start3A_115 = arith.constant 256 : i32
        %dma_start3A_116 = tpu.memref_slice %arg7[%add3A_114, %dma_start3A_115] : memref<16x512xf32, #tpu.memory_space<vmem>> -> memref<1x128xf32, #tpu.memory_space<vmem>>
        %dma_start3A_117 = tpu.memref_squeeze %dma_start3A_116 : memref<1x128xf32, #tpu.memory_space<vmem>> -> memref<128xf32, #tpu.memory_space<vmem>>
        %dma_start3A_118 = arith.constant 0 : i32
        %dma_start3A_119 = tpu.memref_slice %arg6[%add3A_110, %dma_start3A_118] : memref<64x128xi32, #tpu.memory_space<vmem>> -> memref<1x128xi32, #tpu.memory_space<vmem>>
        %dma_start3A_120 = tpu.memref_squeeze %dma_start3A_119 : memref<1x128xi32, #tpu.memory_space<vmem>> -> memref<128xi32, #tpu.memory_space<vmem>>
        %dma_start3A_121 = arith.constant 0 : i32
        %dma_start3A_122 = tpu.memref_slice %arg3[%dma_start3A_121] : memref<25600000xf32, #tpu.memory_space<hbm>> -> memref<25600000xf32, #tpu.memory_space<hbm>>
        tpu.enqueue_indirect_dma source(%dma_start3A_122 : memref<25600000xf32, #tpu.memory_space<hbm>>) target(%dma_start3A_117 : memref<128xf32, #tpu.memory_space<vmem>>) offsets(%dma_start3A_120 : memref<128xi32, #tpu.memory_space<vmem>>) semaphore(%arg9 : memref<!tpu.dma_semaphore, #tpu.memory_space<semaphore_mem>>)
        %mul3A_123 = arith.constant 16 : i32
        %mul3A_124 = arith.muli %scan3A_74, %mul3A_123 : i32
        %add3A_125 = arith.constant 3 : i32
        %add3A_126 = arith.addi %mul3A_124, %add3A_125 : i32
        %mul3A_127 = arith.constant 4 : i32
        %mul3A_128 = arith.muli %scan3A_74, %mul3A_127 : i32
        %add3A_129 = arith.constant 0 : i32
        %add3A_130 = arith.addi %mul3A_128, %add3A_129 : i32
        %dma_start3A_131 = arith.constant 384 : i32
        %dma_start3A_132 = tpu.memref_slice %arg7[%add3A_130, %dma_start3A_131] : memref<16x512xf32, #tpu.memory_space<vmem>> -> memref<1x128xf32, #tpu.memory_space<vmem>>
        %dma_start3A_133 = tpu.memref_squeeze %dma_start3A_132 : memref<1x128xf32, #tpu.memory_space<vmem>> -> memref<128xf32, #tpu.memory_space<vmem>>
        %dma_start3A_134 = arith.constant 0 : i32
        %dma_start3A_135 = tpu.memref_slice %arg6[%add3A_126, %dma_start3A_134] : memref<64x128xi32, #tpu.memory_space<vmem>> -> memref<1x128xi32, #tpu.memory_space<vmem>>
        %dma_start3A_136 = tpu.memref_squeeze %dma_start3A_135 : memref<1x128xi32, #tpu.memory_space<vmem>> -> memref<128xi32, #tpu.memory_space<vmem>>
        %dma_start3A_137 = arith.constant 0 : i32
        %dma_start3A_138 = tpu.memref_slice %arg3[%dma_start3A_137] : memref<25600000xf32, #tpu.memory_space<hbm>> -> memref<25600000xf32, #tpu.memory_space<hbm>>
        tpu.enqueue_indirect_dma source(%dma_start3A_138 : memref<25600000xf32, #tpu.memory_space<hbm>>) target(%dma_start3A_133 : memref<128xf32, #tpu.memory_space<vmem>>) offsets(%dma_start3A_136 : memref<128xi32, #tpu.memory_space<vmem>>) semaphore(%arg9 : memref<!tpu.dma_semaphore, #tpu.memory_space<semaphore_mem>>)
        %mul3A_139 = arith.constant 16 : i32
        %mul3A_140 = arith.muli %scan3A_74, %mul3A_139 : i32
        %add3A_141 = arith.constant 4 : i32
        %add3A_142 = arith.addi %mul3A_140, %add3A_141 : i32
        %mul3A_143 = arith.constant 4 : i32
        %mul3A_144 = arith.muli %scan3A_74, %mul3A_143 : i32
        %add3A_145 = arith.constant 1 : i32
        %add3A_146 = arith.addi %mul3A_144, %add3A_145 : i32
        %dma_start3A_147 = arith.constant 0 : i32
        %dma_start3A_148 = tpu.memref_slice %arg7[%add3A_146, %dma_start3A_147] : memref<16x512xf32, #tpu.memory_space<vmem>> -> memref<1x128xf32, #tpu.memory_space<vmem>>
        %dma_start3A_149 = tpu.memref_squeeze %dma_start3A_148 : memref<1x128xf32, #tpu.memory_space<vmem>> -> memref<128xf32, #tpu.memory_space<vmem>>
        %dma_start3A_150 = arith.constant 0 : i32
        %dma_start3A_151 = tpu.memref_slice %arg6[%add3A_142, %dma_start3A_150] : memref<64x128xi32, #tpu.memory_space<vmem>> -> memref<1x128xi32, #tpu.memory_space<vmem>>
        %dma_start3A_152 = tpu.memref_squeeze %dma_start3A_151 : memref<1x128xi32, #tpu.memory_space<vmem>> -> memref<128xi32, #tpu.memory_space<vmem>>
        %dma_start3A_153 = arith.constant 0 : i32
        %dma_start3A_154 = tpu.memref_slice %arg3[%dma_start3A_153] : memref<25600000xf32, #tpu.memory_space<hbm>> -> memref<25600000xf32, #tpu.memory_space<hbm>>
        tpu.enqueue_indirect_dma source(%dma_start3A_154 : memref<25600000xf32, #tpu.memory_space<hbm>>) target(%dma_start3A_149 : memref<128xf32, #tpu.memory_space<vmem>>) offsets(%dma_start3A_152 : memref<128xi32, #tpu.memory_space<vmem>>) semaphore(%arg9 : memref<!tpu.dma_semaphore, #tpu.memory_space<semaphore_mem>>)
        %mul3A_155 = arith.constant 16 : i32
        %mul3A_156 = arith.muli %scan3A_74, %mul3A_155 : i32
        %add3A_157 = arith.constant 5 : i32
        %add3A_158 = arith.addi %mul3A_156, %add3A_157 : i32
        %mul3A_159 = arith.constant 4 : i32
        %mul3A_160 = arith.muli %scan3A_74, %mul3A_159 : i32
        %add3A_161 = arith.constant 1 : i32
        %add3A_162 = arith.addi %mul3A_160, %add3A_161 : i32
        %dma_start3A_163 = arith.constant 128 : i32
        %dma_start3A_164 = tpu.memref_slice %arg7[%add3A_162, %dma_start3A_163] : memref<16x512xf32, #tpu.memory_space<vmem>> -> memref<1x128xf32, #tpu.memory_space<vmem>>
        %dma_start3A_165 = tpu.memref_squeeze %dma_start3A_164 : memref<1x128xf32, #tpu.memory_space<vmem>> -> memref<128xf32, #tpu.memory_space<vmem>>
        %dma_start3A_166 = arith.constant 0 : i32
        %dma_start3A_167 = tpu.memref_slice %arg6[%add3A_158, %dma_start3A_166] : memref<64x128xi32, #tpu.memory_space<vmem>> -> memref<1x128xi32, #tpu.memory_space<vmem>>
        %dma_start3A_168 = tpu.memref_squeeze %dma_start3A_167 : memref<1x128xi32, #tpu.memory_space<vmem>> -> memref<128xi32, #tpu.memory_space<vmem>>
        %dma_start3A_169 = arith.constant 0 : i32
        %dma_start3A_170 = tpu.memref_slice %arg3[%dma_start3A_169] : memref<25600000xf32, #tpu.memory_space<hbm>> -> memref<25600000xf32, #tpu.memory_space<hbm>>
        tpu.enqueue_indirect_dma source(%dma_start3A_170 : memref<25600000xf32, #tpu.memory_space<hbm>>) target(%dma_start3A_165 : memref<128xf32, #tpu.memory_space<vmem>>) offsets(%dma_start3A_168 : memref<128xi32, #tpu.memory_space<vmem>>) semaphore(%arg9 : memref<!tpu.dma_semaphore, #tpu.memory_space<semaphore_mem>>)
        %mul3A_171 = arith.constant 16 : i32
        %mul3A_172 = arith.muli %scan3A_74, %mul3A_171 : i32
        %add3A_173 = arith.constant 6 : i32
        %add3A_174 = arith.addi %mul3A_172, %add3A_173 : i32
        %mul3A_175 = arith.constant 4 : i32
        %mul3A_176 = arith.muli %scan3A_74, %mul3A_175 : i32
        %add3A_177 = arith.constant 1 : i32
        %add3A_178 = arith.addi %mul3A_176, %add3A_177 : i32
        %dma_start3A_179 = arith.constant 256 : i32
        %dma_start3A_180 = tpu.memref_slice %arg7[%add3A_178, %dma_start3A_179] : memref<16x512xf32, #tpu.memory_space<vmem>> -> memref<1x128xf32, #tpu.memory_space<vmem>>
        %dma_start3A_181 = tpu.memref_squeeze %dma_start3A_180 : memref<1x128xf32, #tpu.memory_space<vmem>> -> memref<128xf32, #tpu.memory_space<vmem>>
        %dma_start3A_182 = arith.constant 0 : i32
        %dma_start3A_183 = tpu.memref_slice %arg6[%add3A_174, %dma_start3A_182] : memref<64x128xi32, #tpu.memory_space<vmem>> -> memref<1x128xi32, #tpu.memory_space<vmem>>
        %dma_start3A_184 = tpu.memref_squeeze %dma_start3A_183 : memref<1x128xi32, #tpu.memory_space<vmem>> -> memref<128xi32, #tpu.memory_space<vmem>>
        %dma_start3A_185 = arith.constant 0 : i32
        %dma_start3A_186 = tpu.memref_slice %arg3[%dma_start3A_185] : memref<25600000xf32, #tpu.memory_space<hbm>> -> memref<25600000xf32, #tpu.memory_space<hbm>>
        tpu.enqueue_indirect_dma source(%dma_start3A_186 : memref<25600000xf32, #tpu.memory_space<hbm>>) target(%dma_start3A_181 : memref<128xf32, #tpu.memory_space<vmem>>) offsets(%dma_start3A_184 : memref<128xi32, #tpu.memory_space<vmem>>) semaphore(%arg9 : memref<!tpu.dma_semaphore, #tpu.memory_space<semaphore_mem>>)
        %mul3A_187 = arith.constant 16 : i32
        %mul3A_188 = arith.muli %scan3A_74, %mul3A_187 : i32
        %add3A_189 = arith.constant 7 : i32
        %add3A_190 = arith.addi %mul3A_188, %add3A_189 : i32
        %mul3A_191 = arith.constant 4 : i32
        %mul3A_192 = arith.muli %scan3A_74, %mul3A_191 : i32
        %add3A_193 = arith.constant 1 : i32
        %add3A_194 = arith.addi %mul3A_192, %add3A_193 : i32
        %dma_start3A_195 = arith.constant 384 : i32
        %dma_start3A_196 = tpu.memref_slice %arg7[%add3A_194, %dma_start3A_195] : memref<16x512xf32, #tpu.memory_space<vmem>> -> memref<1x128xf32, #tpu.memory_space<vmem>>
        %dma_start3A_197 = tpu.memref_squeeze %dma_start3A_196 : memref<1x128xf32, #tpu.memory_space<vmem>> -> memref<128xf32, #tpu.memory_space<vmem>>
        %dma_start3A_198 = arith.constant 0 : i32
        %dma_start3A_199 = tpu.memref_slice %arg6[%add3A_190, %dma_start3A_198] : memref<64x128xi32, #tpu.memory_space<vmem>> -> memref<1x128xi32, #tpu.memory_space<vmem>>
        %dma_start3A_200 = tpu.memref_squeeze %dma_start3A_199 : memref<1x128xi32, #tpu.memory_space<vmem>> -> memref<128xi32, #tpu.memory_space<vmem>>
        %dma_start3A_201 = arith.constant 0 : i32
        %dma_start3A_202 = tpu.memref_slice %arg3[%dma_start3A_201] : memref<25600000xf32, #tpu.memory_space<hbm>> -> memref<25600000xf32, #tpu.memory_space<hbm>>
        tpu.enqueue_indirect_dma source(%dma_start3A_202 : memref<25600000xf32, #tpu.memory_space<hbm>>) target(%dma_start3A_197 : memref<128xf32, #tpu.memory_space<vmem>>) offsets(%dma_start3A_200 : memref<128xi32, #tpu.memory_space<vmem>>) semaphore(%arg9 : memref<!tpu.dma_semaphore, #tpu.memory_space<semaphore_mem>>)
        %mul3A_203 = arith.constant 16 : i32
        %mul3A_204 = arith.muli %scan3A_74, %mul3A_203 : i32
        %add3A_205 = arith.constant 8 : i32
        %add3A_206 = arith.addi %mul3A_204, %add3A_205 : i32
        %mul3A_207 = arith.constant 4 : i32
        %mul3A_208 = arith.muli %scan3A_74, %mul3A_207 : i32
        %add3A_209 = arith.constant 2 : i32
        %add3A_210 = arith.addi %mul3A_208, %add3A_209 : i32
        %dma_start3A_211 = arith.constant 0 : i32
        %dma_start3A_212 = tpu.memref_slice %arg7[%add3A_210, %dma_start3A_211] : memref<16x512xf32, #tpu.memory_space<vmem>> -> memref<1x128xf32, #tpu.memory_space<vmem>>
        %dma_start3A_213 = tpu.memref_squeeze %dma_start3A_212 : memref<1x128xf32, #tpu.memory_space<vmem>> -> memref<128xf32, #tpu.memory_space<vmem>>
        %dma_start3A_214 = arith.constant 0 : i32
        %dma_start3A_215 = tpu.memref_slice %arg6[%add3A_206, %dma_start3A_214] : memref<64x128xi32, #tpu.memory_space<vmem>> -> memref<1x128xi32, #tpu.memory_space<vmem>>
        %dma_start3A_216 = tpu.memref_squeeze %dma_start3A_215 : memref<1x128xi32, #tpu.memory_space<vmem>> -> memref<128xi32, #tpu.memory_space<vmem>>
        %dma_start3A_217 = arith.constant 0 : i32
        %dma_start3A_218 = tpu.memref_slice %arg3[%dma_start3A_217] : memref<25600000xf32, #tpu.memory_space<hbm>> -> memref<25600000xf32, #tpu.memory_space<hbm>>
        tpu.enqueue_indirect_dma source(%dma_start3A_218 : memref<25600000xf32, #tpu.memory_space<hbm>>) target(%dma_start3A_213 : memref<128xf32, #tpu.memory_space<vmem>>) offsets(%dma_start3A_216 : memref<128xi32, #tpu.memory_space<vmem>>) semaphore(%arg9 : memref<!tpu.dma_semaphore, #tpu.memory_space<semaphore_mem>>)
        %mul3A_219 = arith.constant 16 : i32
        %mul3A_220 = arith.muli %scan3A_74, %mul3A_219 : i32
        %add3A_221 = arith.constant 9 : i32
        %add3A_222 = arith.addi %mul3A_220, %add3A_221 : i32
        %mul3A_223 = arith.constant 4 : i32
        %mul3A_224 = arith.muli %scan3A_74, %mul3A_223 : i32
        %add3A_225 = arith.constant 2 : i32
        %add3A_226 = arith.addi %mul3A_224, %add3A_225 : i32
        %dma_start3A_227 = arith.constant 128 : i32
        %dma_start3A_228 = tpu.memref_slice %arg7[%add3A_226, %dma_start3A_227] : memref<16x512xf32, #tpu.memory_space<vmem>> -> memref<1x128xf32, #tpu.memory_space<vmem>>
        %dma_start3A_229 = tpu.memref_squeeze %dma_start3A_228 : memref<1x128xf32, #tpu.memory_space<vmem>> -> memref<128xf32, #tpu.memory_space<vmem>>
        %dma_start3A_230 = arith.constant 0 : i32
        %dma_start3A_231 = tpu.memref_slice %arg6[%add3A_222, %dma_start3A_230] : memref<64x128xi32, #tpu.memory_space<vmem>> -> memref<1x128xi32, #tpu.memory_space<vmem>>
        %dma_start3A_232 = tpu.memref_squeeze %dma_start3A_231 : memref<1x128xi32, #tpu.memory_space<vmem>> -> memref<128xi32, #tpu.memory_space<vmem>>
        %dma_start3A_233 = arith.constant 0 : i32
        %dma_start3A_234 = tpu.memref_slice %arg3[%dma_start3A_233] : memref<25600000xf32, #tpu.memory_space<hbm>> -> memref<25600000xf32, #tpu.memory_space<hbm>>
        tpu.enqueue_indirect_dma source(%dma_start3A_234 : memref<25600000xf32, #tpu.memory_space<hbm>>) target(%dma_start3A_229 : memref<128xf32, #tpu.memory_space<vmem>>) offsets(%dma_start3A_232 : memref<128xi32, #tpu.memory_space<vmem>>) semaphore(%arg9 : memref<!tpu.dma_semaphore, #tpu.memory_space<semaphore_mem>>)
        %mul3A_235 = arith.constant 16 : i32
        %mul3A_236 = arith.muli %scan3A_74, %mul3A_235 : i32
        %add3A_237 = arith.constant 10 : i32
        %add3A_238 = arith.addi %mul3A_236, %add3A_237 : i32
        %mul3A_239 = arith.constant 4 : i32
        %mul3A_240 = arith.muli %scan3A_74, %mul3A_239 : i32
        %add3A_241 = arith.constant 2 : i32
        %add3A_242 = arith.addi %mul3A_240, %add3A_241 : i32
        %dma_start3A_243 = arith.constant 256 : i32
        %dma_start3A_244 = tpu.memref_slice %arg7[%add3A_242, %dma_start3A_243] : memref<16x512xf32, #tpu.memory_space<vmem>> -> memref<1x128xf32, #tpu.memory_space<vmem>>
        %dma_start3A_245 = tpu.memref_squeeze %dma_start3A_244 : memref<1x128xf32, #tpu.memory_space<vmem>> -> memref<128xf32, #tpu.memory_space<vmem>>
        %dma_start3A_246 = arith.constant 0 : i32
        %dma_start3A_247 = tpu.memref_slice %arg6[%add3A_238, %dma_start3A_246] : memref<64x128xi32, #tpu.memory_space<vmem>> -> memref<1x128xi32, #tpu.memory_space<vmem>>
        %dma_start3A_248 = tpu.memref_squeeze %dma_start3A_247 : memref<1x128xi32, #tpu.memory_space<vmem>> -> memref<128xi32, #tpu.memory_space<vmem>>
        %dma_start3A_249 = arith.constant 0 : i32
        %dma_start3A_250 = tpu.memref_slice %arg3[%dma_start3A_249] : memref<25600000xf32, #tpu.memory_space<hbm>> -> memref<25600000xf32, #tpu.memory_space<hbm>>
        tpu.enqueue_indirect_dma source(%dma_start3A_250 : memref<25600000xf32, #tpu.memory_space<hbm>>) target(%dma_start3A_245 : memref<128xf32, #tpu.memory_space<vmem>>) offsets(%dma_start3A_248 : memref<128xi32, #tpu.memory_space<vmem>>) semaphore(%arg9 : memref<!tpu.dma_semaphore, #tpu.memory_space<semaphore_mem>>)
        %mul3A_251 = arith.constant 16 : i32
        %mul3A_252 = arith.muli %scan3A_74, %mul3A_251 : i32
        %add3A_253 = arith.constant 11 : i32
        %add3A_254 = arith.addi %mul3A_252, %add3A_253 : i32
        %mul3A_255 = arith.constant 4 : i32
        %mul3A_256 = arith.muli %scan3A_74, %mul3A_255 : i32
        %add3A_257 = arith.constant 2 : i32
        %add3A_258 = arith.addi %mul3A_256, %add3A_257 : i32
        %dma_start3A_259 = arith.constant 384 : i32
        %dma_start3A_260 = tpu.memref_slice %arg7[%add3A_258, %dma_start3A_259] : memref<16x512xf32, #tpu.memory_space<vmem>> -> memref<1x128xf32, #tpu.memory_space<vmem>>
        %dma_start3A_261 = tpu.memref_squeeze %dma_start3A_260 : memref<1x128xf32, #tpu.memory_space<vmem>> -> memref<128xf32, #tpu.memory_space<vmem>>
        %dma_start3A_262 = arith.constant 0 : i32
        %dma_start3A_263 = tpu.memref_slice %arg6[%add3A_254, %dma_start3A_262] : memref<64x128xi32, #tpu.memory_space<vmem>> -> memref<1x128xi32, #tpu.memory_space<vmem>>
        %dma_start3A_264 = tpu.memref_squeeze %dma_start3A_263 : memref<1x128xi32, #tpu.memory_space<vmem>> -> memref<128xi32, #tpu.memory_space<vmem>>
        %dma_start3A_265 = arith.constant 0 : i32
        %dma_start3A_266 = tpu.memref_slice %arg3[%dma_start3A_265] : memref<25600000xf32, #tpu.memory_space<hbm>> -> memref<25600000xf32, #tpu.memory_space<hbm>>
        tpu.enqueue_indirect_dma source(%dma_start3A_266 : memref<25600000xf32, #tpu.memory_space<hbm>>) target(%dma_start3A_261 : memref<128xf32, #tpu.memory_space<vmem>>) offsets(%dma_start3A_264 : memref<128xi32, #tpu.memory_space<vmem>>) semaphore(%arg9 : memref<!tpu.dma_semaphore, #tpu.memory_space<semaphore_mem>>)
        %mul3A_267 = arith.constant 16 : i32
        %mul3A_268 = arith.muli %scan3A_74, %mul3A_267 : i32
        %add3A_269 = arith.constant 12 : i32
        %add3A_270 = arith.addi %mul3A_268, %add3A_269 : i32
        %mul3A_271 = arith.constant 4 : i32
        %mul3A_272 = arith.muli %scan3A_74, %mul3A_271 : i32
        %add3A_273 = arith.constant 3 : i32
        %add3A_274 = arith.addi %mul3A_272, %add3A_273 : i32
        %dma_start3A_275 = arith.constant 0 : i32
        %dma_start3A_276 = tpu.memref_slice %arg7[%add3A_274, %dma_start3A_275] : memref<16x512xf32, #tpu.memory_space<vmem>> -> memref<1x128xf32, #tpu.memory_space<vmem>>
        %dma_start3A_277 = tpu.memref_squeeze %dma_start3A_276 : memref<1x128xf32, #tpu.memory_space<vmem>> -> memref<128xf32, #tpu.memory_space<vmem>>
        %dma_start3A_278 = arith.constant 0 : i32
        %dma_start3A_279 = tpu.memref_slice %arg6[%add3A_270, %dma_start3A_278] : memref<64x128xi32, #tpu.memory_space<vmem>> -> memref<1x128xi32, #tpu.memory_space<vmem>>
        %dma_start3A_280 = tpu.memref_squeeze %dma_start3A_279 : memref<1x128xi32, #tpu.memory_space<vmem>> -> memref<128xi32, #tpu.memory_space<vmem>>
        %dma_start3A_281 = arith.constant 0 : i32
        %dma_start3A_282 = tpu.memref_slice %arg3[%dma_start3A_281] : memref<25600000xf32, #tpu.memory_space<hbm>> -> memref<25600000xf32, #tpu.memory_space<hbm>>
        tpu.enqueue_indirect_dma source(%dma_start3A_282 : memref<25600000xf32, #tpu.memory_space<hbm>>) target(%dma_start3A_277 : memref<128xf32, #tpu.memory_space<vmem>>) offsets(%dma_start3A_280 : memref<128xi32, #tpu.memory_space<vmem>>) semaphore(%arg9 : memref<!tpu.dma_semaphore, #tpu.memory_space<semaphore_mem>>)
        %mul3A_283 = arith.constant 16 : i32
        %mul3A_284 = arith.muli %scan3A_74, %mul3A_283 : i32
        %add3A_285 = arith.constant 13 : i32
        %add3A_286 = arith.addi %mul3A_284, %add3A_285 : i32
        %mul3A_287 = arith.constant 4 : i32
        %mul3A_288 = arith.muli %scan3A_74, %mul3A_287 : i32
        %add3A_289 = arith.constant 3 : i32
        %add3A_290 = arith.addi %mul3A_288, %add3A_289 : i32
        %dma_start3A_291 = arith.constant 128 : i32
        %dma_start3A_292 = tpu.memref_slice %arg7[%add3A_290, %dma_start3A_291] : memref<16x512xf32, #tpu.memory_space<vmem>> -> memref<1x128xf32, #tpu.memory_space<vmem>>
        %dma_start3A_293 = tpu.memref_squeeze %dma_start3A_292 : memref<1x128xf32, #tpu.memory_space<vmem>> -> memref<128xf32, #tpu.memory_space<vmem>>
        %dma_start3A_294 = arith.constant 0 : i32
        %dma_start3A_295 = tpu.memref_slice %arg6[%add3A_286, %dma_start3A_294] : memref<64x128xi32, #tpu.memory_space<vmem>> -> memref<1x128xi32, #tpu.memory_space<vmem>>
        %dma_start3A_296 = tpu.memref_squeeze %dma_start3A_295 : memref<1x128xi32, #tpu.memory_space<vmem>> -> memref<128xi32, #tpu.memory_space<vmem>>
        %dma_start3A_297 = arith.constant 0 : i32
        %dma_start3A_298 = tpu.memref_slice %arg3[%dma_start3A_297] : memref<25600000xf32, #tpu.memory_space<hbm>> -> memref<25600000xf32, #tpu.memory_space<hbm>>
        tpu.enqueue_indirect_dma source(%dma_start3A_298 : memref<25600000xf32, #tpu.memory_space<hbm>>) target(%dma_start3A_293 : memref<128xf32, #tpu.memory_space<vmem>>) offsets(%dma_start3A_296 : memref<128xi32, #tpu.memory_space<vmem>>) semaphore(%arg9 : memref<!tpu.dma_semaphore, #tpu.memory_space<semaphore_mem>>)
        %mul3A_299 = arith.constant 16 : i32
        %mul3A_300 = arith.muli %scan3A_74, %mul3A_299 : i32
        %add3A_301 = arith.constant 14 : i32
        %add3A_302 = arith.addi %mul3A_300, %add3A_301 : i32
        %mul3A_303 = arith.constant 4 : i32
        %mul3A_304 = arith.muli %scan3A_74, %mul3A_303 : i32
        %add3A_305 = arith.constant 3 : i32
        %add3A_306 = arith.addi %mul3A_304, %add3A_305 : i32
        %dma_start3A_307 = arith.constant 256 : i32
        %dma_start3A_308 = tpu.memref_slice %arg7[%add3A_306, %dma_start3A_307] : memref<16x512xf32, #tpu.memory_space<vmem>> -> memref<1x128xf32, #tpu.memory_space<vmem>>
        %dma_start3A_309 = tpu.memref_squeeze %dma_start3A_308 : memref<1x128xf32, #tpu.memory_space<vmem>> -> memref<128xf32, #tpu.memory_space<vmem>>
        %dma_start3A_310 = arith.constant 0 : i32
        %dma_start3A_311 = tpu.memref_slice %arg6[%add3A_302, %dma_start3A_310] : memref<64x128xi32, #tpu.memory_space<vmem>> -> memref<1x128xi32, #tpu.memory_space<vmem>>
        %dma_start3A_312 = tpu.memref_squeeze %dma_start3A_311 : memref<1x128xi32, #tpu.memory_space<vmem>> -> memref<128xi32, #tpu.memory_space<vmem>>
        %dma_start3A_313 = arith.constant 0 : i32
        %dma_start3A_314 = tpu.memref_slice %arg3[%dma_start3A_313] : memref<25600000xf32, #tpu.memory_space<hbm>> -> memref<25600000xf32, #tpu.memory_space<hbm>>
        tpu.enqueue_indirect_dma source(%dma_start3A_314 : memref<25600000xf32, #tpu.memory_space<hbm>>) target(%dma_start3A_309 : memref<128xf32, #tpu.memory_space<vmem>>) offsets(%dma_start3A_312 : memref<128xi32, #tpu.memory_space<vmem>>) semaphore(%arg9 : memref<!tpu.dma_semaphore, #tpu.memory_space<semaphore_mem>>)
        %mul3A_315 = arith.constant 16 : i32
        %mul3A_316 = arith.muli %scan3A_74, %mul3A_315 : i32
        %add3A_317 = arith.constant 15 : i32
        %add3A_318 = arith.addi %mul3A_316, %add3A_317 : i32
        %mul3A_319 = arith.constant 4 : i32
        %mul3A_320 = arith.muli %scan3A_74, %mul3A_319 : i32
        %add3A_321 = arith.constant 3 : i32
        %add3A_322 = arith.addi %mul3A_320, %add3A_321 : i32
        %dma_start3A_323 = arith.constant 384 : i32
        %dma_start3A_324 = tpu.memref_slice %arg7[%add3A_322, %dma_start3A_323] : memref<16x512xf32, #tpu.memory_space<vmem>> -> memref<1x128xf32, #tpu.memory_space<vmem>>
        %dma_start3A_325 = tpu.memref_squeeze %dma_start3A_324 : memref<1x128xf32, #tpu.memory_space<vmem>> -> memref<128xf32, #tpu.memory_space<vmem>>
        %dma_start3A_326 = arith.constant 0 : i32
        %dma_start3A_327 = tpu.memref_slice %arg6[%add3A_318, %dma_start3A_326] : memref<64x128xi32, #tpu.memory_space<vmem>> -> memref<1x128xi32, #tpu.memory_space<vmem>>
        %dma_start3A_328 = tpu.memref_squeeze %dma_start3A_327 : memref<1x128xi32, #tpu.memory_space<vmem>> -> memref<128xi32, #tpu.memory_space<vmem>>
        %dma_start3A_329 = arith.constant 0 : i32
        %dma_start3A_330 = tpu.memref_slice %arg3[%dma_start3A_329] : memref<25600000xf32, #tpu.memory_space<hbm>> -> memref<25600000xf32, #tpu.memory_space<hbm>>
        tpu.enqueue_indirect_dma source(%dma_start3A_330 : memref<25600000xf32, #tpu.memory_space<hbm>>) target(%dma_start3A_325 : memref<128xf32, #tpu.memory_space<vmem>>) offsets(%dma_start3A_328 : memref<128xi32, #tpu.memory_space<vmem>>) semaphore(%arg9 : memref<!tpu.dma_semaphore, #tpu.memory_space<semaphore_mem>>)
        %ge3A = arith.constant 1 : i32
        %ge3A_331 = arith.cmpi sge, %scan3A_74, %ge3A : i32
        %convert_element_type3A = arith.extui %ge3A_331 : i1 to i32
        %cond3A = arith.constant 0 : i32
        %cond3A_332 = arith.cmpi ne, %convert_element_type3A, %cond3A : i32
        scf.if %cond3A_332 {
          %dma_wait3A_334 = arith.constant 0 : i32
          %dma_wait3A_335 = arith.constant 0 : i32
          %dma_wait3A_336 = arith.constant 0 : i32
          %dma_wait3A_337 = tpu.memref_slice %arg7[%dma_wait3A_335, %dma_wait3A_336] : memref<16x512xf32, #tpu.memory_space<vmem>> -> memref<16x128xf32, #tpu.memory_space<vmem>>
          %dma_wait3A_338 = arith.constant 0 : i32
          %dma_wait3A_339 = arith.constant 0 : i32
          %dma_wait3A_340 = tpu.memref_slice %arg4[%dma_wait3A_334, %dma_wait3A_338, %dma_wait3A_339] : memref<2x128x16384xf32, #tpu.memory_space<hbm>> -> memref<1x16x128xf32, #tpu.memory_space<hbm>>
          %dma_wait3A_341 = tpu.memref_squeeze %dma_wait3A_340 : memref<1x16x128xf32, #tpu.memory_space<hbm>> -> memref<16x128xf32, #tpu.memory_space<hbm>>
          %dma_wait3A_342 = arith.constant 0 : i32
          %dma_wait3A_343 = arith.constant 0 : i32
          %dma_wait3A_344 = tpu.memref_slice %arg7[%dma_wait3A_342, %dma_wait3A_343] : memref<16x512xf32, #tpu.memory_space<vmem>> -> memref<16x128xf32, #tpu.memory_space<vmem>>
          %dma_wait3A_345 = arith.constant 0 : i32
          %dma_wait3A_346 = arith.constant 0 : i32
          %dma_wait3A_347 = tpu.memref_slice %arg4[%dma_wait3A_334, %dma_wait3A_345, %dma_wait3A_346] : memref<2x128x16384xf32, #tpu.memory_space<hbm>> -> memref<1x16x128xf32, #tpu.memory_space<hbm>>
          %dma_wait3A_348 = tpu.memref_squeeze %dma_wait3A_347 : memref<1x16x128xf32, #tpu.memory_space<hbm>> -> memref<16x128xf32, #tpu.memory_space<hbm>>
          tpu.wait_dma2 semaphore(%arg9 : memref<!tpu.dma_semaphore, #tpu.memory_space<semaphore_mem>>) src(%dma_wait3A_348 : memref<16x128xf32, #tpu.memory_space<hbm>>) dst(%dma_wait3A_344 : memref<16x128xf32, #tpu.memory_space<vmem>>)
        } else {
        }
        %scan3A_333 = arith.constant 0 : i32
        scf.yield %scan3A_333 : i32
      }
      %scan3A_24 = arith.constant 4 : i32
      %dma_wait3A = arith.constant 0 : i32
      %dma_wait3A_25 = arith.constant 0 : i32
      %dma_wait3A_26 = arith.constant 0 : i32
      %dma_wait3A_27 = tpu.memref_slice %arg7[%dma_wait3A_25, %dma_wait3A_26] : memref<16x512xf32, #tpu.memory_space<vmem>> -> memref<16x128xf32, #tpu.memory_space<vmem>>
      %dma_wait3A_28 = arith.constant 0 : i32
      %dma_wait3A_29 = arith.constant 0 : i32
      %dma_wait3A_30 = tpu.memref_slice %arg4[%dma_wait3A, %dma_wait3A_28, %dma_wait3A_29] : memref<2x128x16384xf32, #tpu.memory_space<hbm>> -> memref<1x16x128xf32, #tpu.memory_space<hbm>>
      %dma_wait3A_31 = tpu.memref_squeeze %dma_wait3A_30 : memref<1x16x128xf32, #tpu.memory_space<hbm>> -> memref<16x128xf32, #tpu.memory_space<hbm>>
      %dma_wait3A_32 = arith.constant 0 : i32
      %dma_wait3A_33 = arith.constant 0 : i32
      %dma_wait3A_34 = tpu.memref_slice %arg7[%dma_wait3A_32, %dma_wait3A_33] : memref<16x512xf32, #tpu.memory_space<vmem>> -> memref<16x128xf32, #tpu.memory_space<vmem>>
      %dma_wait3A_35 = arith.constant 0 : i32
      %dma_wait3A_36 = arith.constant 0 : i32
      %dma_wait3A_37 = tpu.memref_slice %arg4[%dma_wait3A, %dma_wait3A_35, %dma_wait3A_36] : memref<2x128x16384xf32, #tpu.memory_space<hbm>> -> memref<1x16x128xf32, #tpu.memory_space<hbm>>
      %dma_wait3A_38 = tpu.memref_squeeze %dma_wait3A_37 : memref<1x16x128xf32, #tpu.memory_space<hbm>> -> memref<16x128xf32, #tpu.memory_space<hbm>>
      tpu.wait_dma2 semaphore(%arg9 : memref<!tpu.dma_semaphore, #tpu.memory_space<semaphore_mem>>) src(%dma_wait3A_38 : memref<16x128xf32, #tpu.memory_space<hbm>>) dst(%dma_wait3A_34 : memref<16x128xf32, #tpu.memory_space<vmem>>)
      %jit3A = arith.constant 8 : i32
      %div3A = arith.divsi %scan3A_9, %jit3A : i32
      %sign3A = arith.constant 0 : i32
      %sign3A_39 = arith.cmpi sgt, %scan3A_9, %sign3A : i32
      %sign3A_40 = arith.extui %sign3A_39 : i1 to i32
      %sign3A_41 = arith.constant 0 : i32
      %sign3A_42 = arith.cmpi slt, %scan3A_9, %sign3A_41 : i32
      %sign3A_43 = arith.extui %sign3A_42 : i1 to i32
      %sign3A_44 = arith.subi %sign3A_40, %sign3A_43 : i32
      %sign3A_45 = arith.constant 0 : i32
      %sign3A_46 = arith.cmpi sgt, %jit3A, %sign3A_45 : i32
      %sign3A_47 = arith.extui %sign3A_46 : i1 to i32
      %sign3A_48 = arith.constant 0 : i32
      %sign3A_49 = arith.cmpi slt, %jit3A, %sign3A_48 : i32
      %sign3A_50 = arith.extui %sign3A_49 : i1 to i32
      %sign3A_51 = arith.subi %sign3A_47, %sign3A_50 : i32
      %ne3A = arith.cmpi ne, %sign3A_44, %sign3A_51 : i32
      %rem3A = arith.remsi %scan3A_9, %jit3A : i32
      %ne3A_52 = arith.constant 0 : i32
      %ne3A_53 = arith.cmpi ne, %rem3A, %ne3A_52 : i32
      %and3A = arith.andi %ne3A, %ne3A_53 : i1
      %sub3A = arith.constant 1 : i32
      %sub3A_54 = arith.subi %div3A, %sub3A : i32
      %select_n3A = arith.select %and3A, %sub3A_54, %div3A : i32
      %jit3A_55 = arith.constant 8 : i32
      %eq3A = arith.constant 0 : i32
      %eq3A_56 = arith.cmpi eq, %jit3A_55, %eq3A : i32
      %jit3A_57 = arith.constant 1 : i32
      %select_n3A_58 = arith.select %eq3A_56, %jit3A_57, %jit3A_55 : i32
      %rem3A_59 = arith.remsi %scan3A_9, %select_n3A_58 : i32
      %ne3A_60 = arith.constant 0 : i32
      %ne3A_61 = arith.cmpi ne, %rem3A_59, %ne3A_60 : i32
      %lt3A = arith.constant 0 : i32
      %lt3A_62 = arith.cmpi slt, %rem3A_59, %lt3A : i32
      %lt3A_63 = arith.constant 0 : i32
      %lt3A_64 = arith.cmpi slt, %select_n3A_58, %lt3A_63 : i32
      %ne3A_65 = arith.xori %lt3A_62, %lt3A_64 : i1
      %and3A_66 = arith.andi %ne3A_65, %ne3A_61 : i1
      %add3A_67 = arith.addi %rem3A_59, %select_n3A_58 : i32
      %select_n3A_68 = arith.select %and3A_66, %add3A_67, %rem3A_59 : i32
      %mul3A_69 = arith.constant 16 : i32
      %mul3A_70 = arith.muli %select_n3A_68, %mul3A_69 : i32
      %mul3A_71 = arith.constant 512 : i32
      %mul3A_72 = arith.muli %add3A, %mul3A_71 : i32
      "tpu.region"() ({
        %run_scoped3A = tpu.sem_alloc : memref<!tpu.dma_semaphore, #tpu.memory_space<semaphore_mem>>
        %dma_start3A = tpu.memref_slice %arg4[%select_n3A, %mul3A_70, %mul3A_72] : memref<2x128x16384xf32, #tpu.memory_space<hbm>> -> memref<1x16x512xf32, #tpu.memory_space<hbm>>
        %dma_start3A_74 = tpu.memref_squeeze %dma_start3A : memref<1x16x512xf32, #tpu.memory_space<hbm>> -> memref<16x512xf32, #tpu.memory_space<hbm>>
        %dma_start3A_75 = tpu.memref_slice %arg4[%select_n3A, %mul3A_70, %mul3A_72] : memref<2x128x16384xf32, #tpu.memory_space<hbm>> -> memref<1x16x512xf32, #tpu.memory_space<hbm>>
        %dma_start3A_76 = tpu.memref_squeeze %dma_start3A_75 : memref<1x16x512xf32, #tpu.memory_space<hbm>> -> memref<16x512xf32, #tpu.memory_space<hbm>>
        tpu.enqueue_dma source(%arg7 : memref<16x512xf32, #tpu.memory_space<vmem>>) target(%dma_start3A_76 : memref<16x512xf32, #tpu.memory_space<hbm>>) target_semaphore(%run_scoped3A : memref<!tpu.dma_semaphore, #tpu.memory_space<semaphore_mem>>)
        %dma_wait3A_77 = tpu.memref_slice %arg4[%select_n3A, %mul3A_70, %mul3A_72] : memref<2x128x16384xf32, #tpu.memory_space<hbm>> -> memref<1x16x512xf32, #tpu.memory_space<hbm>>
        %dma_wait3A_78 = tpu.memref_squeeze %dma_wait3A_77 : memref<1x16x512xf32, #tpu.memory_space<hbm>> -> memref<16x512xf32, #tpu.memory_space<hbm>>
        %dma_wait3A_79 = tpu.memref_slice %arg4[%select_n3A, %mul3A_70, %mul3A_72] : memref<2x128x16384xf32, #tpu.memory_space<hbm>> -> memref<1x16x512xf32, #tpu.memory_space<hbm>>
        %dma_wait3A_80 = tpu.memref_squeeze %dma_wait3A_79 : memref<1x16x512xf32, #tpu.memory_space<hbm>> -> memref<16x512xf32, #tpu.memory_space<hbm>>
        tpu.wait_dma2 semaphore(%run_scoped3A : memref<!tpu.dma_semaphore, #tpu.memory_space<semaphore_mem>>) src(%arg7 : memref<16x512xf32, #tpu.memory_space<vmem>>) dst(%dma_wait3A_80 : memref<16x512xf32, #tpu.memory_space<hbm>>)
        tpu.yield
      }) : () -> ()
      %scan3A_73 = arith.constant 0 : i32
      scf.yield %scan3A_73 : i32
    }
    %scan3A_8 = arith.constant 16 : i32
    return
  }
}

module attributes {stable_mosaic.version = 14 : i64} {
  func.func @_mlp_body(%arg0: i32, %arg1: memref<2x128x1024xf32, #tpu.memory_space<vmem>>, %arg2: memref<2x128x1024xf32, #tpu.memory_space<vmem>>, %arg3: memref<512x512xf32, #tpu.memory_space<vmem>>, %arg4: memref<512x1xf32, #tpu.memory_space<vmem>>, %arg5: memref<256x512xf32, #tpu.memory_space<vmem>>, %arg6: memref<256x1xf32, #tpu.memory_space<vmem>>, %arg7: memref<128x256xf32, #tpu.memory_space<vmem>>, %arg8: memref<128x1xf32, #tpu.memory_space<vmem>>, %arg9: memref<128x128xf32, #tpu.memory_space<vmem>>, %arg10: memref<128x16xf32, #tpu.memory_space<vmem>>, %arg11: memref<128x1xf32, #tpu.memory_space<vmem>>, %arg12: memref<16x512xf32, #tpu.memory_space<vmem>>, %arg13: memref<1024x128xf32, #tpu.memory_space<vmem>>) attributes {dimension_semantics = [#tpu.dimension_semantics<arbitrary>], iteration_bounds = array<i64: 16>, scalar_prefetch = 0 : i64, scratch_operands = 0 : i64, tpu.core_type = #tpu.core_type<tc>, window_params = [{transform_indices = @transform_0, window_bounds = array<i64: 2, 128, 1024>}, {transform_indices = @transform_1, window_bounds = array<i64: 2, 128, 1024>}, {pipeline_mode = #tpu.pipeline_mode<synchronous>, transform_indices = @transform_2, window_bounds = array<i64: 512, 512>}, {pipeline_mode = #tpu.pipeline_mode<synchronous>, transform_indices = @transform_3, window_bounds = array<i64: 512, 1>}, {pipeline_mode = #tpu.pipeline_mode<synchronous>, transform_indices = @transform_4, window_bounds = array<i64: 256, 512>}, {pipeline_mode = #tpu.pipeline_mode<synchronous>, transform_indices = @transform_5, window_bounds = array<i64: 256, 1>}, {pipeline_mode = #tpu.pipeline_mode<synchronous>, transform_indices = @transform_6, window_bounds = array<i64: 128, 256>}, {pipeline_mode = #tpu.pipeline_mode<synchronous>, transform_indices = @transform_7, window_bounds = array<i64: 128, 1>}, {pipeline_mode = #tpu.pipeline_mode<synchronous>, transform_indices = @transform_8, window_bounds = array<i64: 128, 128>}, {pipeline_mode = #tpu.pipeline_mode<synchronous>, transform_indices = @transform_9, window_bounds = array<i64: 128, 16>}, {pipeline_mode = #tpu.pipeline_mode<synchronous>, transform_indices = @transform_10, window_bounds = array<i64: 128, 1>}, {pipeline_mode = #tpu.pipeline_mode<synchronous>, transform_indices = @transform_11, window_bounds = array<i64: 16, 512>}, {transform_indices = @transform_12, window_bounds = array<i64: 1024, 128>}]} {
    %get3A = arith.constant 0 : index
    %get3A_0 = arith.constant 0 : index
    %get3A_1 = arith.constant 0 : index
    %get3A_2 = vector.load %arg1[%get3A, %get3A_0, %get3A_1] : memref<2x128x1024xf32, #tpu.memory_space<vmem>>, vector<1x128x1024xf32>
    %get3A_3 = vector.shape_cast %get3A_2 : vector<1x128x1024xf32> to vector<128x1024xf32>
    %get3A_4 = arith.constant 1 : index
    %get3A_5 = arith.constant 0 : index
    %get3A_6 = arith.constant 0 : index
    %get3A_7 = vector.load %arg1[%get3A_4, %get3A_5, %get3A_6] : memref<2x128x1024xf32, #tpu.memory_space<vmem>>, vector<1x128x1024xf32>
    %get3A_8 = vector.shape_cast %get3A_7 : vector<1x128x1024xf32> to vector<128x1024xf32>
    %get3A_9 = arith.constant 0 : index
    %get3A_10 = arith.constant 0 : index
    %get3A_11 = arith.constant 0 : index
    %get3A_12 = vector.load %arg2[%get3A_9, %get3A_10, %get3A_11] : memref<2x128x1024xf32, #tpu.memory_space<vmem>>, vector<1x128x1024xf32>
    %get3A_13 = vector.shape_cast %get3A_12 : vector<1x128x1024xf32> to vector<128x1024xf32>
    %get3A_14 = arith.constant 1 : index
    %get3A_15 = arith.constant 0 : index
    %get3A_16 = arith.constant 0 : index
    %get3A_17 = vector.load %arg2[%get3A_14, %get3A_15, %get3A_16] : memref<2x128x1024xf32, #tpu.memory_space<vmem>>, vector<1x128x1024xf32>
    %get3A_18 = vector.shape_cast %get3A_17 : vector<1x128x1024xf32> to vector<128x1024xf32>
    %concatenate3A = tpu.concatenate %get3A_3, %get3A_8, %get3A_13, %get3A_18 in 0 : vector<128x1024xf32>, vector<128x1024xf32>, vector<128x1024xf32>, vector<128x1024xf32> -> vector<512x1024xf32>
    %get3A_19 = arith.constant 0 : index
    %get3A_20 = arith.constant 0 : index
    %get3A_21 = vector.load %arg3[%get3A_19, %get3A_20] : memref<512x512xf32, #tpu.memory_space<vmem>>, vector<512x512xf32>
    %dot_general3A = arith.constant dense<0.000000e+00> : vector<512x1024xf32>
    %dot_general3A_22 = tpu.matmul %get3A_21, %concatenate3A, %dot_general3A {dimension_numbers = #tpu.dot_dimension_numbers<[1], [0], [0], [1], [0, 0, 1, 1], [], []>, transpose_lhs_hint = false} : vector<512x512xf32>, vector<512x1024xf32>, vector<512x1024xf32> -> vector<512x1024xf32>
    %get3A_23 = arith.constant 0 : index
    %get3A_24 = arith.constant 0 : index
    %get3A_25 = vector.load %arg4[%get3A_23, %get3A_24] : memref<512x1xf32, #tpu.memory_space<vmem>>, vector<512x1xf32>
    %add3A = vector.broadcast %get3A_25 : vector<512x1xf32> to vector<512x1024xf32>
    %add3A_26 = arith.addf %dot_general3A_22, %add3A : vector<512x1024xf32>
    %max3A = arith.constant 0.000000e+00 : f32
    %max3A_27 = vector.broadcast %max3A : f32 to vector<512x1024xf32>
    %max3A_28 = arith.maximumf %add3A_26, %max3A_27 : vector<512x1024xf32>
    %get3A_29 = arith.constant 0 : index
    %get3A_30 = arith.constant 0 : index
    %get3A_31 = vector.load %arg5[%get3A_29, %get3A_30] : memref<256x512xf32, #tpu.memory_space<vmem>>, vector<256x512xf32>
    %dot_general3A_32 = arith.constant dense<0.000000e+00> : vector<256x1024xf32>
    %dot_general3A_33 = tpu.matmul %get3A_31, %max3A_28, %dot_general3A_32 {dimension_numbers = #tpu.dot_dimension_numbers<[1], [0], [0], [1], [0, 0, 1, 1], [], []>, transpose_lhs_hint = false} : vector<256x512xf32>, vector<512x1024xf32>, vector<256x1024xf32> -> vector<256x1024xf32>
    %get3A_34 = arith.constant 0 : index
    %get3A_35 = arith.constant 0 : index
    %get3A_36 = vector.load %arg6[%get3A_34, %get3A_35] : memref<256x1xf32, #tpu.memory_space<vmem>>, vector<256x1xf32>
    %add3A_37 = vector.broadcast %get3A_36 : vector<256x1xf32> to vector<256x1024xf32>
    %add3A_38 = arith.addf %dot_general3A_33, %add3A_37 : vector<256x1024xf32>
    %max3A_39 = arith.constant 0.000000e+00 : f32
    %max3A_40 = vector.broadcast %max3A_39 : f32 to vector<256x1024xf32>
    %max3A_41 = arith.maximumf %add3A_38, %max3A_40 : vector<256x1024xf32>
    %get3A_42 = arith.constant 0 : index
    %get3A_43 = arith.constant 0 : index
    %get3A_44 = vector.load %arg7[%get3A_42, %get3A_43] : memref<128x256xf32, #tpu.memory_space<vmem>>, vector<128x256xf32>
    %dot_general3A_45 = arith.constant dense<0.000000e+00> : vector<128x1024xf32>
    %dot_general3A_46 = tpu.matmul %get3A_44, %max3A_41, %dot_general3A_45 {dimension_numbers = #tpu.dot_dimension_numbers<[1], [0], [0], [1], [0, 0, 1, 1], [], []>, transpose_lhs_hint = false} : vector<128x256xf32>, vector<256x1024xf32>, vector<128x1024xf32> -> vector<128x1024xf32>
    %get3A_47 = arith.constant 0 : index
    %get3A_48 = arith.constant 0 : index
    %get3A_49 = vector.load %arg8[%get3A_47, %get3A_48] : memref<128x1xf32, #tpu.memory_space<vmem>>, vector<128x1xf32>
    %add3A_50 = vector.broadcast %get3A_49 : vector<128x1xf32> to vector<128x1024xf32>
    %add3A_51 = arith.addf %dot_general3A_46, %add3A_50 : vector<128x1024xf32>
    %max3A_52 = arith.constant 0.000000e+00 : f32
    %max3A_53 = vector.broadcast %max3A_52 : f32 to vector<128x1024xf32>
    %max3A_54 = arith.maximumf %add3A_51, %max3A_53 : vector<128x1024xf32>
    %get3A_55 = arith.constant 0 : index
    %get3A_56 = arith.constant 0 : index
    %get3A_57 = vector.load %arg12[%get3A_55, %get3A_56] : memref<16x512xf32, #tpu.memory_space<vmem>>, vector<16x512xf32>
    %dot_general3A_58 = arith.constant dense<0.000000e+00> : vector<16x1024xf32>
    %dot_general3A_59 = tpu.matmul %get3A_57, %concatenate3A, %dot_general3A_58 {dimension_numbers = #tpu.dot_dimension_numbers<[1], [0], [0], [1], [0, 0, 1, 1], [], []>, transpose_lhs_hint = false} : vector<16x512xf32>, vector<512x1024xf32>, vector<16x1024xf32> -> vector<16x1024xf32>
    %get3A_60 = arith.constant 0 : index
    %get3A_61 = arith.constant 0 : index
    %get3A_62 = vector.load %arg12[%get3A_60, %get3A_61] : memref<16x512xf32, #tpu.memory_space<vmem>>, vector<16x512xf32>
    %mul3A = arith.mulf %concatenate3A, %concatenate3A : vector<512x1024xf32>
    %dot_general3A_63 = arith.constant dense<0.000000e+00> : vector<16x1024xf32>
    %dot_general3A_64 = tpu.matmul %get3A_62, %mul3A, %dot_general3A_63 {dimension_numbers = #tpu.dot_dimension_numbers<[1], [0], [0], [1], [0, 0, 1, 1], [], []>, transpose_lhs_hint = false} : vector<16x512xf32>, vector<512x1024xf32>, vector<16x1024xf32> -> vector<16x1024xf32>
    %mul3A_65 = arith.mulf %dot_general3A_59, %dot_general3A_59 : vector<16x1024xf32>
    %sub3A = arith.subf %mul3A_65, %dot_general3A_64 : vector<16x1024xf32>
    %mul3A_66 = arith.constant 0.0192307699 : f32
    %mul3A_67 = vector.broadcast %mul3A_66 : f32 to vector<16x1024xf32>
    %mul3A_68 = arith.mulf %sub3A, %mul3A_67 : vector<16x1024xf32>
    %get3A_69 = arith.constant 0 : index
    %get3A_70 = arith.constant 0 : index
    %get3A_71 = vector.load %arg9[%get3A_69, %get3A_70] : memref<128x128xf32, #tpu.memory_space<vmem>>, vector<128x128xf32>
    %dot_general3A_72 = arith.constant dense<0.000000e+00> : vector<128x1024xf32>
    %dot_general3A_73 = tpu.matmul %get3A_71, %max3A_54, %dot_general3A_72 {dimension_numbers = #tpu.dot_dimension_numbers<[1], [0], [0], [1], [0, 0, 1, 1], [], []>, transpose_lhs_hint = false} : vector<128x128xf32>, vector<128x1024xf32>, vector<128x1024xf32> -> vector<128x1024xf32>
    %get3A_74 = arith.constant 0 : index
    %get3A_75 = arith.constant 0 : index
    %get3A_76 = vector.load %arg10[%get3A_74, %get3A_75] : memref<128x16xf32, #tpu.memory_space<vmem>>, vector<128x16xf32>
    %dot_general3A_77 = arith.constant dense<0.000000e+00> : vector<128x1024xf32>
    %dot_general3A_78 = tpu.matmul %get3A_76, %mul3A_68, %dot_general3A_77 {dimension_numbers = #tpu.dot_dimension_numbers<[1], [0], [0], [1], [0, 0, 1, 1], [], []>, transpose_lhs_hint = false} : vector<128x16xf32>, vector<16x1024xf32>, vector<128x1024xf32> -> vector<128x1024xf32>
    %add3A_79 = arith.addf %dot_general3A_73, %dot_general3A_78 : vector<128x1024xf32>
    %get3A_80 = arith.constant 0 : index
    %get3A_81 = arith.constant 0 : index
    %get3A_82 = vector.load %arg11[%get3A_80, %get3A_81] : memref<128x1xf32, #tpu.memory_space<vmem>>, vector<128x1xf32>
    %add3A_83 = vector.broadcast %get3A_82 : vector<128x1xf32> to vector<128x1024xf32>
    %add3A_84 = arith.addf %add3A_79, %add3A_83 : vector<128x1024xf32>
    %transpose3A = tpu.transpose %add3A_84, [1, 0] : vector<128x1024xf32> -> vector<1024x128xf32>
    %swap3A = arith.constant 0 : index
    %swap3A_85 = arith.constant 0 : index
    %swap3A_86 = vector.load %arg13[%swap3A, %swap3A_85] : memref<1024x128xf32, #tpu.memory_space<vmem>>, vector<1024x128xf32>
    tpu.vector_store %arg13[%swap3A, %swap3A_85], %transpose3A {strides = array<i32>} : memref<1024x128xf32, #tpu.memory_space<vmem>>, vector<1024x128xf32>,
    return
  }
  func.func @transform_0(%arg0: i32) -> (i32, i32, i32) {
    %c0_i32 = arith.constant 0 : i32
    %c0_i32_0 = arith.constant 0 : i32
    %c0_i32_1 = arith.constant 0 : i32
    return %c0_i32, %c0_i32_0, %arg0 : i32, i32, i32
  }
  func.func @transform_1(%arg0: i32) -> (i32, i32, i32) {
    %c0_i32 = arith.constant 0 : i32
    %c0_i32_0 = arith.constant 0 : i32
    %c0_i32_1 = arith.constant 0 : i32
    return %c0_i32, %c0_i32_0, %arg0 : i32, i32, i32
  }
  func.func @transform_2(%arg0: i32) -> (i32, i32) {
    %c0_i32 = arith.constant 0 : i32
    %c0_i32_0 = arith.constant 0 : i32
    %c0_i32_1 = arith.constant 0 : i32
    return %c0_i32, %c0_i32_0 : i32, i32
  }
  func.func @transform_3(%arg0: i32) -> (i32, i32) {
    %c0_i32 = arith.constant 0 : i32
    %c0_i32_0 = arith.constant 0 : i32
    %c0_i32_1 = arith.constant 0 : i32
    return %c0_i32, %c0_i32_0 : i32, i32
  }
  func.func @transform_4(%arg0: i32) -> (i32, i32) {
    %c0_i32 = arith.constant 0 : i32
    %c0_i32_0 = arith.constant 0 : i32
    %c0_i32_1 = arith.constant 0 : i32
    return %c0_i32, %c0_i32_0 : i32, i32
  }
  func.func @transform_5(%arg0: i32) -> (i32, i32) {
    %c0_i32 = arith.constant 0 : i32
    %c0_i32_0 = arith.constant 0 : i32
    %c0_i32_1 = arith.constant 0 : i32
    return %c0_i32, %c0_i32_0 : i32, i32
  }
  func.func @transform_6(%arg0: i32) -> (i32, i32) {
    %c0_i32 = arith.constant 0 : i32
    %c0_i32_0 = arith.constant 0 : i32
    %c0_i32_1 = arith.constant 0 : i32
    return %c0_i32, %c0_i32_0 : i32, i32
  }
  func.func @transform_7(%arg0: i32) -> (i32, i32) {
    %c0_i32 = arith.constant 0 : i32
    %c0_i32_0 = arith.constant 0 : i32
    %c0_i32_1 = arith.constant 0 : i32
    return %c0_i32, %c0_i32_0 : i32, i32
  }
  func.func @transform_8(%arg0: i32) -> (i32, i32) {
    %c0_i32 = arith.constant 0 : i32
    %c0_i32_0 = arith.constant 0 : i32
    %c0_i32_1 = arith.constant 0 : i32
    return %c0_i32, %c0_i32_0 : i32, i32
  }
  func.func @transform_9(%arg0: i32) -> (i32, i32) {
    %c0_i32 = arith.constant 0 : i32
    %c0_i32_0 = arith.constant 0 : i32
    %c0_i32_1 = arith.constant 0 : i32
    return %c0_i32, %c0_i32_0 : i32, i32
  }
  func.func @transform_10(%arg0: i32) -> (i32, i32) {
    %c0_i32 = arith.constant 0 : i32
    %c0_i32_0 = arith.constant 0 : i32
    %c0_i32_1 = arith.constant 0 : i32
    return %c0_i32, %c0_i32_0 : i32, i32
  }
  func.func @transform_11(%arg0: i32) -> (i32, i32) {
    %c0_i32 = arith.constant 0 : i32
    %c0_i32_0 = arith.constant 0 : i32
    %c0_i32_1 = arith.constant 0 : i32
    return %c0_i32, %c0_i32_0 : i32, i32
  }
  func.func @transform_12(%arg0: i32) -> (i32, i32) {
    %c0_i32 = arith.constant 0 : i32
    %c0_i32_0 = arith.constant 0 : i32
    return %arg0, %c0_i32 : i32, i32
  }
}

</mosaic_0001>

<sc_bundles>
// kernel: kernel.5.cloned.1.call-start
scs
__scs_entry_jumppad:
0x0: {  	(pc) =	sbr.rel $0x88, $3  }
0x1: {  	(tag) =	ssettag $0x0;
	lr =	simm.s32 $0x1  }
0x2: {  	[smem:$0x3F97] =	sst lr;
	_ =	strace $0xD0000000  }
0x3: {  	_ = 	snop  }
0x4: {  	_ = 	snop  }
0x5: {  	_ = 	snop  }
0x6: {  	_ = 	snop  }
0x7: {  	_ = 	snop  }
__scs_overlays_trampoline_lowered:
0x8: {  	[smem:$0x3FA6] =	sst s0  }
0x9: {  	[smem:$0x3FA7] =	sst s1  }
0xa: {  	[smem:$0x3FA8] =	sst s2  }
0xb: {  	[smem:$0x3FA9] =	sst s3  }
0xc: {  	[smem:$0x3FAA] =	sst s4  }
0xd: {  	[smem:$0x3FAB] =	sst s5  }
0xe: {  	[smem:$0x3FAC] =	sst s6  }
0xf: {  	[smem:$0x3FAD] =	sst s7  }
0x10: {  	[smem:$0x3FAE] =	sst s8  }
0x11: {  	[smem:$0x3FAF] =	sst s9;
	s0 =	simm.s32 @!p0 $0x0  }
0x12: {  	s1 =	sld [smem:$0x3F95];
	s0 =	simm.s32 @p0 $0x1  }
0x13: {  	[smem:$0x3FB0] =	sst s0;
	s0 =	simm.s32 @!p1 $0x0  }
0x14: {  	s2 =	sld [smem:$0x3F94];
	s0 =	simm.s32 @p1 $0x1  }
0x15: {  	[smem:$0x3FB1] =	sst s0;
	s0 =	simm.s32 @!p2 $0x0  }
0x16: {  	s3 =	sld [smem:$0x3FDB];
	s0 =	simm.s32 @p2 $0x1  }
0x17: {  	s4 =	simm.s32 $0x1BF5;
	[smem:$0x3FB3] =	sst s0  }
0x18: {  	s0 =	sld [smem:$0x3F96];
	_ =	swait.ge [sflag:s4], $0x0  }
0x19: {  	s7 =	sld [smem:$0x3F97]  }
0x1a: {  	s8 =	sadd.s32 $0xFFFFE003, lr  }
0x1b: {  	s9 =	sadd.s32 $0xFFFFFEF7, lr;
	s5 =	simm.s32 $0xFFFFFFFF;
	p2 =	slt.u32 s8, $0xFFFFF086  }
0x1c: {  	p1 =	slt.u32 s9, $0xF7A;
	s5 =	simm.s32 @!p2 $0x0  }
0x1d: {  	s5 =	simm.s32 @p1 $0x1;
	p0 =	seq.s32 s7, s2  }
0x1e: {  	s7 =	smul.u32 @!p0 $0xF7A, s2;
	p2 =	seq.s32 @!p0 s5, $0x0  }
0x1f: {  	s9 =	smul.u32 $0xF7A, s1;
	s8 =	simm.s32 @!p0 $0x1BF5;
	p2 =	por !p2, p0  }
0x20: {  	[sflag:s8] =	ssyncset.s32 @!p0 $0xFFFFF086;
	s6 =	sadd.s32 @!p0 s3, s7;
	s7 =	simm.s32 @!p0 $0x108  }
0x21: {  	s3 =	sadd.s32 s3, s9;
	s6 =	sadd.s32 @!p0 $0x88, s6;
	s7 =	simm.s32 @p2 $0x1082  }
0x22: {  	[simem:s7], [sflag:s8] =	dma.local @!p0 [hbm:s6], $0xF7A  }
0x23: {  	s9 =	sor.u32 $0xD0000000, s2;
	s6 =	simm.s32 $0x108;
	_ =	swait.ge @!p0 [sflag:s8], $0x0  }
0x24: {  	s3 =	sadd.s32 $0x88, s3;
	s6 =	simm.s32 @!p1 $0x1082;
	[sflag:s4] =	ssyncset.s32 $0xFFFFF086  }
0x25: {  	[simem:s6], [sflag:s4] =	dma.local [hbm:s3], $0xF7A  }
0x26: {  	[smem:$0x3F97] =	sst s1;
	(tag) =	ssettag s2;
	_ =	strace s9  }
0x27: {  	s1 =	sld [smem:$0x3FA7]  }
0x28: {  	s2 =	sld [smem:$0x3FA8]  }
0x29: {  	s4 =	sld [smem:$0x3FAA]  }
0x2a: {  	p0 =	seq.s32 s5, $0x0;
	s5 =	sld [smem:$0x3FAB]  }
0x2b: {  	s6 =	sld [smem:$0x3FAC]  }
0x2c: {  	s7 =	sld [smem:$0x3FAD]  }
0x2d: {  	s3 =	simm.s32 $0x108;
	s8 =	sld [smem:$0x3FAE]  }
0x2e: {  	s3 =	simm.s32 @!p0 $0x1082;
	s9 =	sld [smem:$0x3FAF]  }
0x2f: {  	lr =	sadd.s32 s0, s3;
	s0 =	sld [smem:$0x3FA6]  }
0x30: {  	s3 =	sld [smem:$0x3FA9]  }
0x31: {  	[smem:$0x3FB2] =	sst s10  }
0x32: {  	s10 =	sld [smem:$0x3FB0];
	_ =	sdelay $0x3  }
0x33: {  	p0 =	seq.s32 s10, $0x1;
	s10 =	sld [smem:$0x3FB2];
	_ =	sdelay $0x3  }
0x34: {  	[smem:$0x3FB2] =	sst s10  }
0x35: {  	s10 =	sld [smem:$0x3FB1];
	_ =	sdelay $0x3  }
0x36: {  	p1 =	seq.s32 s10, $0x1;
	s10 =	sld [smem:$0x3FB2];
	_ =	sdelay $0x3  }
0x37: {  	[smem:$0x3FB2] =	sst s10  }
0x38: {  	s10 =	sld [smem:$0x3FB3]  }
0x39: {  	_ = 	snop;
	(pc) =	sbr.ind lr, $3  }
0x3a: {  	_ = 	snop  }
0x3b: {  	_ = 	snop  }
0x3c: {  	p2 =	seq.s32 s10, $0x1;
	s10 =	sld [smem:$0x3FB2]  }
0x3d: {  	_ =	shalt  }
0x3e: {  	_ =	shalt  }
0x3f: {  	_ =	shalt  }
0x40: {  	_ =	shalt  }
0x41: {  	_ =	shalt  }
0x42: {  	_ =	shalt  }
0x43: {  	_ =	shalt  }
0x44: {  	_ =	shalt  }
0x45: {  	_ =	shalt  }
0x46: {  	_ =	shalt  }
0x47: {  	_ =	shalt  }
0x48: {  	_ =	shalt  }
0x49: {  	_ =	shalt  }
0x4a: {  	_ =	shalt  }
0x4b: {  	_ =	shalt  }
0x4c: {  	_ =	shalt  }
0x4d: {  	_ =	shalt  }
0x4e: {  	_ =	shalt  }
0x4f: {  	_ =	shalt  }
0x50: {  	_ =	shalt  }
0x51: {  	_ =	shalt  }
0x52: {  	_ =	shalt  }
0x53: {  	_ =	shalt  }
0x54: {  	_ =	shalt  }
0x55: {  	_ =	shalt  }
0x56: {  	_ =	shalt  }
0x57: {  	_ =	shalt  }
0x58: {  	_ =	shalt  }
0x59: {  	_ =	shalt  }
0x5a: {  	_ =	shalt  }
0x5b: {  	_ =	shalt  }
0x5c: {  	_ =	shalt  }
0x5d: {  	_ =	shalt  }
0x5e: {  	_ =	shalt  }
0x5f: {  	_ =	shalt  }
0x60: {  	_ =	shalt  }
0x61: {  	_ =	shalt  }
0x62: {  	_ =	shalt  }
0x63: {  	_ =	shalt  }
0x64: {  	_ =	shalt  }
0x65: {  	_ =	shalt  }
0x66: {  	_ =	shalt  }
0x67: {  	_ =	shalt  }
0x68: {  	_ =	shalt  }
0x69: {  	_ =	shalt  }
0x6a: {  	_ =	shalt  }
0x6b: {  	_ =	shalt  }
0x6c: {  	_ =	shalt  }
0x6d: {  	_ =	shalt  }
0x6e: {  	_ =	shalt  }
0x6f: {  	_ =	shalt  }
0x70: {  	_ =	shalt  }
0x71: {  	_ =	shalt  }
0x72: {  	_ =	shalt  }
0x73: {  	_ =	shalt  }
0x74: {  	_ =	shalt  }
0x75: {  	_ =	shalt  }
0x76: {  	_ =	shalt  }
0x77: {  	_ =	shalt  }
0x78: {  	_ =	shalt  }
0x79: {  	_ =	shalt  }
0x7a: {  	_ =	shalt  }
0x7b: {  	_ =	shalt  }
0x7c: {  	_ =	shalt  }
0x7d: {  	_ =	shalt  }
0x7e: {  	_ =	shalt  }
0x7f: {  	_ =	shalt  }
0x80: {  	_ =	shalt  }
0x81: {  	_ =	shalt  }
0x82: {  	_ =	shalt  }
0x83: {  	_ =	shalt  }
0x84: {  	_ =	shalt  }
0x85: {  	_ =	shalt  }
0x86: {  	_ =	shalt  }
0x87: {  	_ =	shalt  }
.Lfunc_end0:
.L_simem_size_0:
called_computation_lowered:
.L_overlay_start_0:
0x88: {  	s2 =	sld [smem:$0x3FD9]  }
0x89: {  	s3 =	sld [smem:$0x3FFE];
	_ =	sdelay $0x1  }
0x8a: {  	s1 =	srdreg.scid  }
0x8b: {  	s0 =	sand.u32 $0x1, s1  }
0x8c: {  	s17 =	sshll.u32 s0, $0xA;
	s2 =	sadd.s32 s3, s2  }
0x8d: {  	s2 =	sadd.s32 s2, s17  }
0x8e: {  	[smem:$0x3FBE] =	sst s2  }
0x8f: {  	_ = 	snop  }
0x90: {  	s2 =	sld [smem:$0x3FD0];
	(tm) =	ssettm $0x1  }
0x91: {  	s18 =	sld [smem:$0x3FFB];
	_ =	sdelay $0x3  }
0x92: {  	_ =	strace s18  }
0x93: {  	s3 =	sld [smem:$0x3FFC];
	_ =	sdelay $0x3  }
0x94: {  	_ =	strace s3  }
0x95: {  	s3 =	sld [smem:$0x3FFD];
	_ =	sdelay $0x3  }
0x96: {  	_ =	strace s3  }
0x97: {  	_ =	strace $0x8FFFFFFF  }
0x98: {  	s19 =	sld [smem:$0x3FDB];
	_ =	sdelay $0x1  }
0x99: {  	s4 =	simm.s32 $_scs_section_size  }
0x9a: {  	s5 =	simm.s32 $_size__tile_overlayer_lowered;
	s6 =	simm.s32 $_tile_overlayer_lowered  }
0x9b: {  	s22 =	simm.s32 $0x1BFF;
	s21 =	sshll.u32 s6, $0x1;
	s3 =	sadd.s32 s4, s19  }
0x9c: {  	s7 =	simm.s32 $0x0;
	s20 =	sshll.u32 s5, $0x1;
	s5 =	sadd.s32 s21, s3  }
0x9d: {  	[timem:s7], [sflag:s22] =	dma.local [hbm:s5], s20  }
0x9e: {  	_ =	swait.ge [sflag:s22], s20  }
0x9f: {  	s4 =	ssub.s32 $0x0, s20;
	[sflag:s22] =	ssyncset.done $0x0  }
0xa0: {  	[sflag:s22] =	ssyncadd.s32 s4;
	_ =	sdelay $0x1  }
0xa1: {  	s23 =	simm.s32 $0x1B8B  }
0xa2: {  	_ =	swait.ge [sflag:s23], $0x1  }
0xa3: {  	[sflag:s23] =	ssyncset.done $0x0  }
0xa4: {  	s25 =	simm.s32 $0x1B8E;
	s24 =	sld [smem:$0x3FFE];
	[sflag:s23] =	ssyncadd.s32 $0xFFFFFFFF  }
0xa5: {  	s26 =	simm.s32 $execute0_lowered;
	[smem:$0x3FD2] =	sst s25  }
0xa6: {  	s5 =	sshll.u32 s26, $0x1;
	_ =	strace $0x80000046;
	[dreg:$0x1] =	wrdreg $0xFFFFFFFF  }
0xa7: {  	s28 =	simm.s32 $_size_execute0_lowered;
	s3 =	sadd.s32 s3, s5;
	[dreg:$0x0] =	wrdreg $0x0  }
0xa8: {  	s5 =	sshll.u32 s28, $0x1;
	[dreg:$0x2] =	wrdreg s3  }
0xa9: {  	[dreg:$0x3] =	wrdreg s5  }
0xaa: {  	[dreg:$0x4] =	wrdreg $0xC0  }
0xab: {  	_ =	task [dreg:s7], $0x5FFFF  }
0xac: {  	[dreg:$0x1] =	wrdreg $0xFFFFFFFF  }
0xad: {  	[dreg:$0x0] =	wrdreg $0x60  }
0xae: {  	[dreg:$0x2] =	wrdreg s2  }
0xaf: {  	[dreg:$0x3] =	wrdreg s24  }
0xb0: {  	[dreg:$0x4] =	wrdreg $0x9  }
0xb1: {  	_ =	task.clear_ibuf [dreg:s7], $0x5FFFF;
	_ =	strace $0x90000046  }
0xb2: {  	s29 =	simm.s32 $0x9;
	_ =	strace $0x80000048  }
0xb3: {  	_ =	swait.ge [sflag:s29], $0x1  }
0xb4: {  	[sflag:s29] =	ssyncadd.s32 $0xFFFFFFFF  }
0xb5: {  	_ =	strace $0x90000048  }
0xb6: {  	_ =	sfence  }
0xb7: {  	s30 =	sld [smem:$0x0];
	_ =	sdelay $0x2  }
0xb8: {  	s31 =	sshll.u32 s1, $0xD;
	s1 =	sshrl.u32 s1, $0x2  }
0xb9: {  	s3 =	sand.u32 $0x4000, s31;
	s1 =	sadd.s32 s1, s30  }
0xba: {  	s0 =	sor.u32 s3, s0;
	s1 =	sshll.u32 s1, $0x11  }
0xbb: {  	s0 =	sor.u32 s1, s0  }
0xbc: {  	s0 =	sadd.s32 $0x8F2B, s0  }
0xbd: {  	[sflag:s0] =	ssyncadd.remote.s32 $0x1  }
0xbe: {  	_ =	sfence.sel $0xFFFF  }
0xbf: {  	[dreg:$0x0] =	wrdreg $0xFFFFFFFF;
	(pc) =	sbr.abs _section_cstart, $3  }
0xc0: {  	[dreg:$0x1] =	wrdreg $0xFFFFFFFF  }
0xc1: {  	_ =	task.clear_ibuf [dreg:s7], $0x2FFFF;
	_ =	strace $0x9FFFFFFF  }
0xc2: {  	(tm) =	ssettm $0x7FFFFFFF  }
0xc3: {  	_ =	shalt  }
tec
execute0_lowered:
.L_overlay_start_1:
0x0: {  	(tag) =	ssettag $0x1  }
0x1: {  	s0 =	rddreg [dreg:$0x0]  }
0x2: {  	s1 =	rddreg [dreg:$0x1]  }
0x3: {  	s2 =	simm.s32 $0x0;
	s24 =	srdreg.scid;
	s3 =	stileid.u32  }
0x4: {  	s8 =	simm.s32 $0x4000;
	s9 =	simm.s32 $0x2;
	s10 =	simm.s32 $0x80  }
0x5: {  	s23 =	simm.s32 $0x1;
	s19 =	simm.s32 $0x3B80;
	s20 =	simm.s32 $0x5B80  }
0x6: {  	s21 =	simm.s32 $0x3C00;
	s22 =	simm.s32 $0x5C00;
	s28 =	simm.s32 $0x5D00  }
0x7: {  	s29 =	simm.s32 $0x3D80;
	s30 =	simm.s32 $0x5D80;
	s31 =	simm.s32 $0x3E00  }
0x8: {  	s7 =	simm.s32 $0x5E00;
	s6 =	simm.s32 $0x3F80;
	s11 =	simm.s32 $0x5F80  }
0x9: {  	s13 =	simm.s32 $0x0;
	[smem:$0x7FF] =	sst s2;
	s2 =	sand.u32 $0x1, s24  }
0xa: {  	s4 =	sshll.u32 s3, $0x7;
	s3 =	sadd.s32 $0x310200, s1;
	s5 =	sshll.u32 s2, $0x6  }
0xb: {  	s24 =	simm.s32 $0x3C80;
	s2 =	ssub.s32 $0x2, s2;
	s4 =	sor.u32 s5, s4  }
0xc: {  	_ =	strace $0x80000047;
	s25 =	sshrl.u32 s2, $0x1;
	s1 =	sadd.s32 s4, s1  }
0xd: {  	s2 =	ssub.s32 s2, s25;
	s0 =	sadd.s32 s0, s4;
	s25 =	simm.s32 $0x5C80  }
0xe: {  	s4 =	simm.s32 $0x5F00;
	[dreg:$0x3] =	wrdreg s0;
	s5 =	sadd.s32 $0x2200, s1  }
0xf: {  	s26 =	smax.u32 s2, $0x1;
	s0 =	simm.s32 $0x3E80;
	s1 =	simm.s32 $0x5E80  }
0x10: {  	s2 =	simm.s32 $0x3F00;
	[dreg:$0x4] =	wrdreg s26;
	s26 =	simm.s32 $0x3D00  }
.LBB2_1:
0x11: {  	[dreg:$0x5] =	wrdreg s13  }
0x12: {  	s12 =	simm.s32 $0x0;
	s18 =	rddreg [dreg:$0x3];
	s14 =	simm.s32 $0x200  }
0x13: {  	[tilespmem:s12], [sflag:$0x2] =	stream.strided.gather [hbm4b:s18+s14], $0x2000, s8, s14, $0x38;
	[tilespmem:$0x6000] =	vst v63  }
0x14: {  	_ =	swait.ge [sflag:s9], $0x2000  }
0x15: {  	[sflag:s9] =	ssyncset.done $0x0  }
0x16: {  	s13 =	simm.s32 $0x0;
	s12 =	simm.s32 $0x0;
	[sflag:s9] =	ssyncadd.s32 $0xFFFFE000  }
.LBB2_2:
0x17: {  	s14 =	sshll.u32 s13, $0x9  }
0x18: {  	s14 =	sand.u32 $0x3FFFFE00, s14  }
0x19: {  	v0 =	vld [tilespmem:s14+$0x0];
	_ =	sdelay $0x3  }
0x1a: {  	s16 =	sadd.s32 $0x0, s12  }
0x1b: {  	s15 =	simm.s32 $0x2100;
	v0 =	vadd.s32 s16, v0  }
0x1c: {  	[tilespmem:s15+$0xFFFFFF00] =	vst v0  }
0x1d: {  	v0 =	vld [tilespmem:s14+$0x10];
	_ =	sdelay $0x4  }
0x1e: {  	v0 =	vadd.s32 s16, v0  }
0x1f: {  	[tilespmem:s15+$0xFFFFFF10] =	vst v0  }
0x20: {  	v0 =	vld [tilespmem:s14+$0x20];
	_ =	sdelay $0x4  }
0x21: {  	v0 =	vadd.s32 s16, v0  }
0x22: {  	[tilespmem:s15+$0xFFFFFF20] =	vst v0  }
0x23: {  	v0 =	vld [tilespmem:s14+$0x30];
	_ =	sdelay $0x4  }
0x24: {  	v0 =	vadd.s32 s16, v0  }
0x25: {  	[tilespmem:s15+$0xFFFFFF30] =	vst v0  }
0x26: {  	v0 =	vld [tilespmem:s14+$0x40];
	_ =	sdelay $0x4  }
0x27: {  	v0 =	vadd.s32 s16, v0  }
0x28: {  	[tilespmem:s15+$0xFFFFFF40] =	vst v0  }
0x29: {  	v0 =	vld [tilespmem:s14+$0x50];
	_ =	sdelay $0x4  }
0x2a: {  	v0 =	vadd.s32 s16, v0  }
0x2b: {  	[tilespmem:s15+$0xFFFFFF50] =	vst v0  }
0x2c: {  	v0 =	vld [tilespmem:s14+$0x60];
	_ =	sdelay $0x4  }
0x2d: {  	v0 =	vadd.s32 s16, v0  }
0x2e: {  	[tilespmem:s15+$0xFFFFFF60] =	vst v0  }
0x2f: {  	v0 =	vld [tilespmem:s14+$0x70];
	_ =	sdelay $0x4  }
0x30: {  	v0 =	vadd.s32 s16, v0  }
0x31: {  	[tilespmem:s15+$0xFFFFFF70] =	vst v0  }
0x32: {  	v0 =	vld [tilespmem:s14+$0x80];
	_ =	sdelay $0x4  }
0x33: {  	v0 =	vadd.s32 s16, v0  }
0x34: {  	[tilespmem:s15+$0xFFFFFF80] =	vst v0  }
0x35: {  	v0 =	vld [tilespmem:s14+$0x90];
	_ =	sdelay $0x4  }
0x36: {  	v0 =	vadd.s32 s16, v0  }
0x37: {  	[tilespmem:s15+$0xFFFFFF90] =	vst v0  }
0x38: {  	v0 =	vld [tilespmem:s14+$0xA0];
	_ =	sdelay $0x4  }
0x39: {  	v0 =	vadd.s32 s16, v0  }
0x3a: {  	[tilespmem:s15+$0xFFFFFFA0] =	vst v0  }
0x3b: {  	v0 =	vld [tilespmem:s14+$0xB0];
	_ =	sdelay $0x4  }
0x3c: {  	v0 =	vadd.s32 s16, v0  }
0x3d: {  	[tilespmem:s15+$0xFFFFFFB0] =	vst v0  }
0x3e: {  	v0 =	vld [tilespmem:s14+$0xC0];
	_ =	sdelay $0x4  }
0x3f: {  	v0 =	vadd.s32 s16, v0  }
0x40: {  	[tilespmem:s15+$0xFFFFFFC0] =	vst v0  }
0x41: {  	v0 =	vld [tilespmem:s14+$0xD0];
	_ =	sdelay $0x4  }
0x42: {  	v0 =	vadd.s32 s16, v0  }
0x43: {  	[tilespmem:s15+$0xFFFFFFD0] =	vst v0  }
0x44: {  	v0 =	vld [tilespmem:s14+$0xE0];
	_ =	sdelay $0x4  }
0x45: {  	v0 =	vadd.s32 s16, v0  }
0x46: {  	[tilespmem:s15+$0xFFFFFFE0] =	vst v0  }
0x47: {  	v0 =	vld [tilespmem:s14+$0xF0];
	_ =	sdelay $0x4  }
0x48: {  	v0 =	vadd.s32 s16, v0  }
0x49: {  	[tilespmem:s15+$0xFFFFFFF0] =	vst v0  }
0x4a: {  	v0 =	vld [tilespmem:s14+$0x100];
	_ =	sdelay $0x4  }
0x4b: {  	v0 =	vadd.s32 s16, v0  }
0x4c: {  	[tilespmem:s15+$0x0] =	vst v0  }
0x4d: {  	v0 =	vld [tilespmem:s14+$0x110];
	_ =	sdelay $0x4  }
0x4e: {  	v0 =	vadd.s32 s16, v0  }
0x4f: {  	[tilespmem:s15+$0x10] =	vst v0  }
0x50: {  	v0 =	vld [tilespmem:s14+$0x120];
	_ =	sdelay $0x4  }
0x51: {  	v0 =	vadd.s32 s16, v0  }
0x52: {  	[tilespmem:s15+$0x20] =	vst v0  }
0x53: {  	v0 =	vld [tilespmem:s14+$0x130];
	_ =	sdelay $0x4  }
0x54: {  	v0 =	vadd.s32 s16, v0  }
0x55: {  	[tilespmem:s15+$0x30] =	vst v0  }
0x56: {  	v0 =	vld [tilespmem:s14+$0x140];
	_ =	sdelay $0x4  }
0x57: {  	v0 =	vadd.s32 s16, v0  }
0x58: {  	[tilespmem:s15+$0x40] =	vst v0  }
0x59: {  	v0 =	vld [tilespmem:s14+$0x150];
	_ =	sdelay $0x4  }
0x5a: {  	v0 =	vadd.s32 s16, v0  }
0x5b: {  	[tilespmem:s15+$0x50] =	vst v0  }
0x5c: {  	v0 =	vld [tilespmem:s14+$0x160];
	_ =	sdelay $0x4  }
0x5d: {  	v0 =	vadd.s32 s16, v0  }
0x5e: {  	[tilespmem:s15+$0x60] =	vst v0  }
0x5f: {  	v0 =	vld [tilespmem:s14+$0x170];
	_ =	sdelay $0x4  }
0x60: {  	v0 =	vadd.s32 s16, v0  }
0x61: {  	[tilespmem:s15+$0x70] =	vst v0  }
0x62: {  	v0 =	vld [tilespmem:s14+$0x180];
	_ =	sdelay $0x4  }
0x63: {  	v0 =	vadd.s32 s16, v0  }
0x64: {  	[tilespmem:s15+$0x80] =	vst v0  }
0x65: {  	v0 =	vld [tilespmem:s14+$0x190];
	_ =	sdelay $0x4  }
0x66: {  	v0 =	vadd.s32 s16, v0  }
0x67: {  	[tilespmem:s15+$0x90] =	vst v0  }
0x68: {  	v0 =	vld [tilespmem:s14+$0x1A0];
	_ =	sdelay $0x4  }
0x69: {  	v0 =	vadd.s32 s16, v0  }
0x6a: {  	[tilespmem:s15+$0xA0] =	vst v0  }
0x6b: {  	v0 =	vld [tilespmem:s14+$0x1B0];
	_ =	sdelay $0x4  }
0x6c: {  	v0 =	vadd.s32 s16, v0  }
0x6d: {  	[tilespmem:s15+$0xB0] =	vst v0  }
0x6e: {  	v0 =	vld [tilespmem:s14+$0x1C0];
	_ =	sdelay $0x4  }
0x6f: {  	v0 =	vadd.s32 s16, v0  }
0x70: {  	[tilespmem:s15+$0xC0] =	vst v0  }
0x71: {  	v0 =	vld [tilespmem:s14+$0x1D0];
	_ =	sdelay $0x4  }
0x72: {  	v0 =	vadd.s32 s16, v0  }
0x73: {  	[tilespmem:s15+$0xD0] =	vst v0  }
0x74: {  	v0 =	vld [tilespmem:s14+$0x1E0];
	_ =	sdelay $0x4  }
0x75: {  	v0 =	vadd.s32 s16, v0  }
0x76: {  	[tilespmem:s15+$0xE0] =	vst v0  }
0x77: {  	v0 =	vld [tilespmem:s14+$0x1F0];
	_ =	sdelay $0x4  }
0x78: {  	v0 =	vadd.s32 s16, v0  }
0x79: {  	[tilespmem:s15+$0xF0] =	vst v0  }
0x7a: {  	s17 =	simm.s32 $0x30D40;
	s16 =	simm.s32 $0x186A0;
	v0 =	vld [tilespmem:s14+$0x0]  }
.LBB2_3:
0x7b: {  	p0 =	sne.s32 s17, $0x16E360;
	_ =	sdelay $0x2  }
0x7c: {  	s18 =	sadd.s32 s16, s12;
	s16 =	smov.u32 s17  }
0x7d: {  	s15 =	sadd.s32 $0x200, s15;
	v0 =	vadd.s32 s18, v0  }
0x7e: {  	[tilespmem:s15+$0xFFFFFF00] =	vst v0  }
0x7f: {  	v0 =	vld [tilespmem:s14+$0x10];
	_ =	sdelay $0x4  }
0x80: {  	v0 =	vadd.s32 s18, v0  }
0x81: {  	[tilespmem:s15+$0xFFFFFF10] =	vst v0  }
0x82: {  	v0 =	vld [tilespmem:s14+$0x20];
	_ =	sdelay $0x4  }
0x83: {  	v0 =	vadd.s32 s18, v0  }
0x84: {  	[tilespmem:s15+$0xFFFFFF20] =	vst v0  }
0x85: {  	v0 =	vld [tilespmem:s14+$0x30];
	_ =	sdelay $0x4  }
0x86: {  	v0 =	vadd.s32 s18, v0  }
0x87: {  	[tilespmem:s15+$0xFFFFFF30] =	vst v0  }
0x88: {  	v0 =	vld [tilespmem:s14+$0x40];
	_ =	sdelay $0x4  }
0x89: {  	v0 =	vadd.s32 s18, v0  }
0x8a: {  	[tilespmem:s15+$0xFFFFFF40] =	vst v0  }
0x8b: {  	v0 =	vld [tilespmem:s14+$0x50];
	_ =	sdelay $0x4  }
0x8c: {  	v0 =	vadd.s32 s18, v0  }
0x8d: {  	[tilespmem:s15+$0xFFFFFF50] =	vst v0  }
0x8e: {  	v0 =	vld [tilespmem:s14+$0x60];
	_ =	sdelay $0x4  }
0x8f: {  	v0 =	vadd.s32 s18, v0  }
0x90: {  	[tilespmem:s15+$0xFFFFFF60] =	vst v0  }
0x91: {  	v0 =	vld [tilespmem:s14+$0x70];
	_ =	sdelay $0x4  }
0x92: {  	v0 =	vadd.s32 s18, v0  }
0x93: {  	[tilespmem:s15+$0xFFFFFF70] =	vst v0  }
0x94: {  	v0 =	vld [tilespmem:s14+$0x80];
	_ =	sdelay $0x4  }
0x95: {  	v0 =	vadd.s32 s18, v0  }
0x96: {  	[tilespmem:s15+$0xFFFFFF80] =	vst v0  }
0x97: {  	v0 =	vld [tilespmem:s14+$0x90];
	_ =	sdelay $0x4  }
0x98: {  	v0 =	vadd.s32 s18, v0  }
0x99: {  	[tilespmem:s15+$0xFFFFFF90] =	vst v0  }
0x9a: {  	v0 =	vld [tilespmem:s14+$0xA0];
	_ =	sdelay $0x4  }
0x9b: {  	v0 =	vadd.s32 s18, v0  }
0x9c: {  	[tilespmem:s15+$0xFFFFFFA0] =	vst v0  }
0x9d: {  	v0 =	vld [tilespmem:s14+$0xB0];
	_ =	sdelay $0x4  }
0x9e: {  	v0 =	vadd.s32 s18, v0  }
0x9f: {  	[tilespmem:s15+$0xFFFFFFB0] =	vst v0  }
0xa0: {  	v0 =	vld [tilespmem:s14+$0xC0];
	_ =	sdelay $0x4  }
0xa1: {  	v0 =	vadd.s32 s18, v0  }
0xa2: {  	[tilespmem:s15+$0xFFFFFFC0] =	vst v0  }
0xa3: {  	v0 =	vld [tilespmem:s14+$0xD0];
	_ =	sdelay $0x4  }
0xa4: {  	v0 =	vadd.s32 s18, v0  }
0xa5: {  	[tilespmem:s15+$0xFFFFFFD0] =	vst v0  }
0xa6: {  	v0 =	vld [tilespmem:s14+$0xE0];
	_ =	sdelay $0x4  }
0xa7: {  	v0 =	vadd.s32 s18, v0  }
0xa8: {  	[tilespmem:s15+$0xFFFFFFE0] =	vst v0  }
0xa9: {  	v0 =	vld [tilespmem:s14+$0xF0];
	_ =	sdelay $0x4  }
0xaa: {  	v0 =	vadd.s32 s18, v0  }
0xab: {  	[tilespmem:s15+$0xFFFFFFF0] =	vst v0  }
0xac: {  	v0 =	vld [tilespmem:s14+$0x100];
	_ =	sdelay $0x4  }
0xad: {  	v0 =	vadd.s32 s18, v0  }
0xae: {  	[tilespmem:s15+$0x0] =	vst v0  }
0xaf: {  	v0 =	vld [tilespmem:s14+$0x110];
	_ =	sdelay $0x4  }
0xb0: {  	v0 =	vadd.s32 s18, v0  }
0xb1: {  	[tilespmem:s15+$0x10] =	vst v0  }
0xb2: {  	v0 =	vld [tilespmem:s14+$0x120];
	_ =	sdelay $0x4  }
0xb3: {  	v0 =	vadd.s32 s18, v0  }
0xb4: {  	[tilespmem:s15+$0x20] =	vst v0  }
0xb5: {  	v0 =	vld [tilespmem:s14+$0x130];
	_ =	sdelay $0x4  }
0xb6: {  	v0 =	vadd.s32 s18, v0  }
0xb7: {  	[tilespmem:s15+$0x30] =	vst v0  }
0xb8: {  	v0 =	vld [tilespmem:s14+$0x140];
	_ =	sdelay $0x4  }
0xb9: {  	v0 =	vadd.s32 s18, v0  }
0xba: {  	[tilespmem:s15+$0x40] =	vst v0  }
0xbb: {  	v0 =	vld [tilespmem:s14+$0x150];
	_ =	sdelay $0x4  }
0xbc: {  	v0 =	vadd.s32 s18, v0  }
0xbd: {  	[tilespmem:s15+$0x50] =	vst v0  }
0xbe: {  	v0 =	vld [tilespmem:s14+$0x160];
	_ =	sdelay $0x4  }
0xbf: {  	v0 =	vadd.s32 s18, v0  }
0xc0: {  	[tilespmem:s15+$0x60] =	vst v0  }
0xc1: {  	v0 =	vld [tilespmem:s14+$0x170];
	_ =	sdelay $0x4  }
0xc2: {  	v0 =	vadd.s32 s18, v0  }
0xc3: {  	[tilespmem:s15+$0x70] =	vst v0  }
0xc4: {  	v0 =	vld [tilespmem:s14+$0x180];
	_ =	sdelay $0x4  }
0xc5: {  	v0 =	vadd.s32 s18, v0  }
0xc6: {  	[tilespmem:s15+$0x80] =	vst v0  }
0xc7: {  	v0 =	vld [tilespmem:s14+$0x190];
	_ =	sdelay $0x4  }
0xc8: {  	v0 =	vadd.s32 s18, v0  }
0xc9: {  	[tilespmem:s15+$0x90] =	vst v0  }
0xca: {  	v0 =	vld [tilespmem:s14+$0x1A0];
	_ =	sdelay $0x4  }
0xcb: {  	v0 =	vadd.s32 s18, v0  }
0xcc: {  	[tilespmem:s15+$0xA0] =	vst v0  }
0xcd: {  	v0 =	vld [tilespmem:s14+$0x1B0];
	_ =	sdelay $0x4  }
0xce: {  	v0 =	vadd.s32 s18, v0  }
0xcf: {  	[tilespmem:s15+$0xB0] =	vst v0  }
0xd0: {  	v0 =	vld [tilespmem:s14+$0x1C0];
	_ =	sdelay $0x4  }
0xd1: {  	v0 =	vadd.s32 s18, v0  }
0xd2: {  	[tilespmem:s15+$0xC0] =	vst v0  }
0xd3: {  	v0 =	vld [tilespmem:s14+$0x1D0];
	_ =	sdelay $0x4  }
0xd4: {  	v0 =	vadd.s32 s18, v0  }
0xd5: {  	[tilespmem:s15+$0xD0] =	vst v0  }
0xd6: {  	v0 =	vld [tilespmem:s14+$0x1E0];
	_ =	sdelay $0x4  }
0xd7: {  	v0 =	vadd.s32 s18, v0  }
0xd8: {  	[tilespmem:s15+$0xE0] =	vst v0  }
0xd9: {  	v0 =	vld [tilespmem:s14+$0x1F0];
	_ =	sdelay $0x2  }
.Ltmp0:
0xda: {  	(pc) =	sbr.rel @p0 .LBB2_3-.Ltmp0, $4  }
0xdb: {  	_ = 	snop  }
0xdc: {  	v0 =	vadd.s32 s18, v0  }
0xdd: {  	[tilespmem:s15+$0xF0] =	vst v0  }
0xde: {  	s17 =	sadd.s32 $0x186A0, s17;
	v0 =	vld [tilespmem:s14+$0x0]  }
0xdf: {  	_ =	sdelay $0x2  }
0xe0: {  	s16 =	sadd.s32 s16, s12  }
0xe1: {  	s15 =	sadd.s32 $0x200, s15;
	v0 =	vadd.s32 s16, v0  }
0xe2: {  	[tilespmem:s15+$0xFFFFFF00] =	vst v0  }
0xe3: {  	v0 =	vld [tilespmem:s14+$0x10];
	_ =	sdelay $0x4  }
0xe4: {  	v0 =	vadd.s32 s16, v0  }
0xe5: {  	[tilespmem:s15+$0xFFFFFF10] =	vst v0  }
0xe6: {  	v0 =	vld [tilespmem:s14+$0x20];
	_ =	sdelay $0x4  }
0xe7: {  	v0 =	vadd.s32 s16, v0  }
0xe8: {  	[tilespmem:s15+$0xFFFFFF20] =	vst v0  }
0xe9: {  	v0 =	vld [tilespmem:s14+$0x30];
	_ =	sdelay $0x4  }
0xea: {  	v0 =	vadd.s32 s16, v0  }
0xeb: {  	[tilespmem:s15+$0xFFFFFF30] =	vst v0  }
0xec: {  	v0 =	vld [tilespmem:s14+$0x40];
	_ =	sdelay $0x4  }
0xed: {  	v0 =	vadd.s32 s16, v0  }
0xee: {  	[tilespmem:s15+$0xFFFFFF40] =	vst v0  }
0xef: {  	v0 =	vld [tilespmem:s14+$0x50];
	_ =	sdelay $0x4  }
0xf0: {  	v0 =	vadd.s32 s16, v0  }
0xf1: {  	[tilespmem:s15+$0xFFFFFF50] =	vst v0  }
0xf2: {  	v0 =	vld [tilespmem:s14+$0x60];
	_ =	sdelay $0x4  }
0xf3: {  	v0 =	vadd.s32 s16, v0  }
0xf4: {  	[tilespmem:s15+$0xFFFFFF60] =	vst v0  }
0xf5: {  	v0 =	vld [tilespmem:s14+$0x70];
	_ =	sdelay $0x4  }
0xf6: {  	v0 =	vadd.s32 s16, v0  }
0xf7: {  	[tilespmem:s15+$0xFFFFFF70] =	vst v0  }
0xf8: {  	v0 =	vld [tilespmem:s14+$0x80];
	_ =	sdelay $0x4  }
0xf9: {  	v0 =	vadd.s32 s16, v0  }
0xfa: {  	[tilespmem:s15+$0xFFFFFF80] =	vst v0  }
0xfb: {  	v0 =	vld [tilespmem:s14+$0x90];
	_ =	sdelay $0x4  }
0xfc: {  	v0 =	vadd.s32 s16, v0  }
0xfd: {  	[tilespmem:s15+$0xFFFFFF90] =	vst v0  }
0xfe: {  	v0 =	vld [tilespmem:s14+$0xA0];
	_ =	sdelay $0x4  }
0xff: {  	v0 =	vadd.s32 s16, v0  }
0x100: {  	[tilespmem:s15+$0xFFFFFFA0] =	vst v0  }
0x101: {  	v0 =	vld [tilespmem:s14+$0xB0];
	_ =	sdelay $0x4  }
0x102: {  	v0 =	vadd.s32 s16, v0  }
0x103: {  	[tilespmem:s15+$0xFFFFFFB0] =	vst v0  }
0x104: {  	v0 =	vld [tilespmem:s14+$0xC0];
	_ =	sdelay $0x4  }
0x105: {  	v0 =	vadd.s32 s16, v0  }
0x106: {  	[tilespmem:s15+$0xFFFFFFC0] =	vst v0  }
0x107: {  	v0 =	vld [tilespmem:s14+$0xD0];
	_ =	sdelay $0x4  }
0x108: {  	v0 =	vadd.s32 s16, v0  }
0x109: {  	[tilespmem:s15+$0xFFFFFFD0] =	vst v0  }
0x10a: {  	v0 =	vld [tilespmem:s14+$0xE0];
	_ =	sdelay $0x4  }
0x10b: {  	v0 =	vadd.s32 s16, v0  }
0x10c: {  	[tilespmem:s15+$0xFFFFFFE0] =	vst v0  }
0x10d: {  	v0 =	vld [tilespmem:s14+$0xF0];
	_ =	sdelay $0x4  }
0x10e: {  	v0 =	vadd.s32 s16, v0  }
0x10f: {  	[tilespmem:s15+$0xFFFFFFF0] =	vst v0  }
0x110: {  	v0 =	vld [tilespmem:s14+$0x100];
	_ =	sdelay $0x4  }
0x111: {  	v0 =	vadd.s32 s16, v0  }
0x112: {  	[tilespmem:s15+$0x0] =	vst v0  }
0x113: {  	v0 =	vld [tilespmem:s14+$0x110];
	_ =	sdelay $0x4  }
0x114: {  	v0 =	vadd.s32 s16, v0  }
0x115: {  	[tilespmem:s15+$0x10] =	vst v0  }
0x116: {  	v0 =	vld [tilespmem:s14+$0x120];
	_ =	sdelay $0x4  }
0x117: {  	v0 =	vadd.s32 s16, v0  }
0x118: {  	[tilespmem:s15+$0x20] =	vst v0  }
0x119: {  	v0 =	vld [tilespmem:s14+$0x130];
	_ =	sdelay $0x4  }
0x11a: {  	v0 =	vadd.s32 s16, v0  }
0x11b: {  	[tilespmem:s15+$0x30] =	vst v0  }
0x11c: {  	v0 =	vld [tilespmem:s14+$0x140];
	_ =	sdelay $0x4  }
0x11d: {  	v0 =	vadd.s32 s16, v0  }
0x11e: {  	[tilespmem:s15+$0x40] =	vst v0  }
0x11f: {  	v0 =	vld [tilespmem:s14+$0x150];
	_ =	sdelay $0x4  }
0x120: {  	v0 =	vadd.s32 s16, v0  }
0x121: {  	[tilespmem:s15+$0x50] =	vst v0  }
0x122: {  	v0 =	vld [tilespmem:s14+$0x160];
	_ =	sdelay $0x4  }
0x123: {  	v0 =	vadd.s32 s16, v0  }
0x124: {  	[tilespmem:s15+$0x60] =	vst v0  }
0x125: {  	v0 =	vld [tilespmem:s14+$0x170];
	_ =	sdelay $0x4  }
0x126: {  	v0 =	vadd.s32 s16, v0  }
0x127: {  	[tilespmem:s15+$0x70] =	vst v0  }
0x128: {  	v0 =	vld [tilespmem:s14+$0x180];
	_ =	sdelay $0x4  }
0x129: {  	v0 =	vadd.s32 s16, v0  }
0x12a: {  	[tilespmem:s15+$0x80] =	vst v0  }
0x12b: {  	v0 =	vld [tilespmem:s14+$0x190];
	_ =	sdelay $0x4  }
0x12c: {  	v0 =	vadd.s32 s16, v0  }
0x12d: {  	[tilespmem:s15+$0x90] =	vst v0  }
0x12e: {  	v0 =	vld [tilespmem:s14+$0x1A0];
	_ =	sdelay $0x4  }
0x12f: {  	v0 =	vadd.s32 s16, v0  }
0x130: {  	[tilespmem:s15+$0xA0] =	vst v0  }
0x131: {  	v0 =	vld [tilespmem:s14+$0x1B0];
	_ =	sdelay $0x4  }
0x132: {  	v0 =	vadd.s32 s16, v0  }
0x133: {  	[tilespmem:s15+$0xB0] =	vst v0  }
0x134: {  	v0 =	vld [tilespmem:s14+$0x1C0];
	_ =	sdelay $0x4  }
0x135: {  	v0 =	vadd.s32 s16, v0  }
0x136: {  	[tilespmem:s15+$0xC0] =	vst v0  }
0x137: {  	v0 =	vld [tilespmem:s14+$0x1D0];
	_ =	sdelay $0x4  }
0x138: {  	v0 =	vadd.s32 s16, v0  }
0x139: {  	[tilespmem:s15+$0xD0] =	vst v0  }
0x13a: {  	v0 =	vld [tilespmem:s14+$0x1E0];
	_ =	sdelay $0x4  }
0x13b: {  	v0 =	vadd.s32 s16, v0  }
0x13c: {  	[tilespmem:s15+$0xE0] =	vst v0  }
0x13d: {  	v0 =	vld [tilespmem:s14+$0x1F0];
	_ =	sdelay $0x4  }
0x13e: {  	v0 =	vadd.s32 s16, v0  }
0x13f: {  	s16 =	simm.s32 $0x2000;
	[tilespmem:s15+$0xF0] =	vst v0  }
0x140: {  	[tilespmem:s8], [sflag:$0x1] =	stream.indirect.gather [hbm4b:s3+s10], $0x1, s16, s10, $0xb8;
	[tilespmem:$0x6000] =	vst v63  }
0x141: {  	s17 =	simm.s32 $0x2080;
	s18 =	simm.s32 $0x4080  }
0x142: {  	[tilespmem:s18], [sflag:$0x1] =	stream.indirect.gather [hbm4b:s3+s10], $0x1, s17, s10, $0xb8;
	[tilespmem:$0x6000] =	vst v63  }
0x143: {  	s15 =	simm.s32 $0x2100;
	s16 =	simm.s32 $0x4100  }
0x144: {  	[tilespmem:s16], [sflag:$0x1] =	stream.indirect.gather [hbm4b:s3+s10], $0x1, s15, s10, $0xb8;
	[tilespmem:$0x6000] =	vst v63  }
0x145: {  	s17 =	simm.s32 $0x2180;
	s18 =	simm.s32 $0x4180  }
0x146: {  	[tilespmem:s18], [sflag:$0x1] =	stream.indirect.gather [hbm4b:s3+s10], $0x1, s17, s10, $0xb8;
	[tilespmem:$0x6000] =	vst v63  }
0x147: {  	s15 =	simm.s32 $0x2200;
	s16 =	simm.s32 $0x4200  }
0x148: {  	[tilespmem:s16], [sflag:$0x1] =	stream.indirect.gather [hbm4b:s3+s10], $0x1, s15, s10, $0xb8;
	[tilespmem:$0x6000] =	vst v63  }
0x149: {  	s17 =	simm.s32 $0x2280;
	s18 =	simm.s32 $0x4280  }
0x14a: {  	[tilespmem:s18], [sflag:$0x1] =	stream.indirect.gather [hbm4b:s3+s10], $0x1, s17, s10, $0xb8;
	[tilespmem:$0x6000] =	vst v63  }
0x14b: {  	s15 =	simm.s32 $0x2300;
	s16 =	simm.s32 $0x4300  }
0x14c: {  	[tilespmem:s16], [sflag:$0x1] =	stream.indirect.gather [hbm4b:s3+s10], $0x1, s15, s10, $0xb8;
	[tilespmem:$0x6000] =	vst v63  }
0x14d: {  	s17 =	simm.s32 $0x2380;
	s18 =	simm.s32 $0x4380  }
0x14e: {  	[tilespmem:s18], [sflag:$0x1] =	stream.indirect.gather [hbm4b:s3+s10], $0x1, s17, s10, $0xb8;
	[tilespmem:$0x6000] =	vst v63  }
0x14f: {  	s15 =	simm.s32 $0x2400;
	s16 =	simm.s32 $0x4400  }
0x150: {  	[tilespmem:s16], [sflag:$0x1] =	stream.indirect.gather [hbm4b:s3+s10], $0x1, s15, s10, $0xb8;
	[tilespmem:$0x6000] =	vst v63  }
0x151: {  	s17 =	simm.s32 $0x2480;
	s18 =	simm.s32 $0x4480  }
0x152: {  	[tilespmem:s18], [sflag:$0x1] =	stream.indirect.gather [hbm4b:s3+s10], $0x1, s17, s10, $0xb8;
	[tilespmem:$0x6000] =	vst v63  }
0x153: {  	s15 =	simm.s32 $0x2500;
	s16 =	simm.s32 $0x4500  }
0x154: {  	[tilespmem:s16], [sflag:$0x1] =	stream.indirect.gather [hbm4b:s3+s10], $0x1, s15, s10, $0xb8;
	[tilespmem:$0x6000] =	vst v63  }
0x155: {  	s17 =	simm.s32 $0x2580;
	s18 =	simm.s32 $0x4580  }
0x156: {  	[tilespmem:s18], [sflag:$0x1] =	stream.indirect.gather [hbm4b:s3+s10], $0x1, s17, s10, $0xb8;
	[tilespmem:$0x6000] =	vst v63  }
0x157: {  	s15 =	simm.s32 $0x2600;
	s16 =	simm.s32 $0x4600  }
0x158: {  	[tilespmem:s16], [sflag:$0x1] =	stream.indirect.gather [hbm4b:s3+s10], $0x1, s15, s10, $0xb8;
	[tilespmem:$0x6000] =	vst v63  }
0x159: {  	s17 =	simm.s32 $0x2680;
	s18 =	simm.s32 $0x4680  }
0x15a: {  	[tilespmem:s18], [sflag:$0x1] =	stream.indirect.gather [hbm4b:s3+s10], $0x1, s17, s10, $0xb8;
	[tilespmem:$0x6000] =	vst v63  }
0x15b: {  	s15 =	simm.s32 $0x2700;
	s16 =	simm.s32 $0x4700  }
0x15c: {  	[tilespmem:s16], [sflag:$0x1] =	stream.indirect.gather [hbm4b:s3+s10], $0x1, s15, s10, $0xb8;
	[tilespmem:$0x6000] =	vst v63  }
0x15d: {  	s17 =	simm.s32 $0x2780;
	s18 =	simm.s32 $0x4780  }
0x15e: {  	[tilespmem:s18], [sflag:$0x1] =	stream.indirect.gather [hbm4b:s3+s10], $0x1, s17, s10, $0xb8;
	[tilespmem:$0x6000] =	vst v63  }
0x15f: {  	s15 =	simm.s32 $0x2800;
	s16 =	simm.s32 $0x4800  }
0x160: {  	[tilespmem:s16], [sflag:$0x1] =	stream.indirect.gather [hbm4b:s3+s10], $0x1, s15, s10, $0xb8;
	[tilespmem:$0x6000] =	vst v63  }
0x161: {  	s17 =	simm.s32 $0x2880;
	s18 =	simm.s32 $0x4880  }
0x162: {  	[tilespmem:s18], [sflag:$0x1] =	stream.indirect.gather [hbm4b:s3+s10], $0x1, s17, s10, $0xb8;
	[tilespmem:$0x6000] =	vst v63  }
0x163: {  	s15 =	simm.s32 $0x2900;
	s16 =	simm.s32 $0x4900  }
0x164: {  	[tilespmem:s16], [sflag:$0x1] =	stream.indirect.gather [hbm4b:s3+s10], $0x1, s15, s10, $0xb8;
	[tilespmem:$0x6000] =	vst v63  }
0x165: {  	s17 =	simm.s32 $0x2980;
	s18 =	simm.s32 $0x4980  }
0x166: {  	[tilespmem:s18], [sflag:$0x1] =	stream.indirect.gather [hbm4b:s3+s10], $0x1, s17, s10, $0xb8;
	[tilespmem:$0x6000] =	vst v63  }
0x167: {  	s15 =	simm.s32 $0x2A00;
	s16 =	simm.s32 $0x4A00  }
0x168: {  	[tilespmem:s16], [sflag:$0x1] =	stream.indirect.gather [hbm4b:s3+s10], $0x1, s15, s10, $0xb8;
	[tilespmem:$0x6000] =	vst v63  }
0x169: {  	s17 =	simm.s32 $0x2A80;
	s18 =	simm.s32 $0x4A80  }
0x16a: {  	[tilespmem:s18], [sflag:$0x1] =	stream.indirect.gather [hbm4b:s3+s10], $0x1, s17, s10, $0xb8;
	[tilespmem:$0x6000] =	vst v63  }
0x16b: {  	s15 =	simm.s32 $0x2B00;
	s16 =	simm.s32 $0x4B00  }
0x16c: {  	[tilespmem:s16], [sflag:$0x1] =	stream.indirect.gather [hbm4b:s3+s10], $0x1, s15, s10, $0xb8;
	[tilespmem:$0x6000] =	vst v63  }
0x16d: {  	s17 =	simm.s32 $0x2B80;
	s18 =	simm.s32 $0x4B80  }
0x16e: {  	[tilespmem:s18], [sflag:$0x1] =	stream.indirect.gather [hbm4b:s3+s10], $0x1, s17, s10, $0xb8;
	[tilespmem:$0x6000] =	vst v63  }
0x16f: {  	s15 =	simm.s32 $0x2C00;
	s16 =	simm.s32 $0x4C00  }
0x170: {  	[tilespmem:s16], [sflag:$0x1] =	stream.indirect.gather [hbm4b:s3+s10], $0x1, s15, s10, $0xb8;
	[tilespmem:$0x6000] =	vst v63  }
0x171: {  	s17 =	simm.s32 $0x2C80;
	s18 =	simm.s32 $0x4C80  }
0x172: {  	[tilespmem:s18], [sflag:$0x1] =	stream.indirect.gather [hbm4b:s3+s10], $0x1, s17, s10, $0xb8;
	[tilespmem:$0x6000] =	vst v63  }
0x173: {  	s15 =	simm.s32 $0x2D00;
	s16 =	simm.s32 $0x4D00  }
0x174: {  	[tilespmem:s16], [sflag:$0x1] =	stream.indirect.gather [hbm4b:s3+s10], $0x1, s15, s10, $0xb8;
	[tilespmem:$0x6000] =	vst v63  }
0x175: {  	s17 =	simm.s32 $0x2D80;
	s18 =	simm.s32 $0x4D80  }
0x176: {  	[tilespmem:s18], [sflag:$0x1] =	stream.indirect.gather [hbm4b:s3+s10], $0x1, s17, s10, $0xb8;
	[tilespmem:$0x6000] =	vst v63  }
0x177: {  	s15 =	simm.s32 $0x2E00;
	s16 =	simm.s32 $0x4E00  }
0x178: {  	[tilespmem:s16], [sflag:$0x1] =	stream.indirect.gather [hbm4b:s3+s10], $0x1, s15, s10, $0xb8;
	[tilespmem:$0x6000] =	vst v63  }
0x179: {  	s17 =	simm.s32 $0x2E80;
	s18 =	simm.s32 $0x4E80  }
0x17a: {  	[tilespmem:s18], [sflag:$0x1] =	stream.indirect.gather [hbm4b:s3+s10], $0x1, s17, s10, $0xb8;
	[tilespmem:$0x6000] =	vst v63  }
0x17b: {  	s15 =	simm.s32 $0x2F00;
	s16 =	simm.s32 $0x4F00  }
0x17c: {  	[tilespmem:s16], [sflag:$0x1] =	stream.indirect.gather [hbm4b:s3+s10], $0x1, s15, s10, $0xb8;
	[tilespmem:$0x6000] =	vst v63  }
0x17d: {  	s17 =	simm.s32 $0x2F80;
	s18 =	simm.s32 $0x4F80  }
0x17e: {  	[tilespmem:s18], [sflag:$0x1] =	stream.indirect.gather [hbm4b:s3+s10], $0x1, s17, s10, $0xb8;
	[tilespmem:$0x6000] =	vst v63  }
0x17f: {  	_ =	swait.ge [sflag:s23], $0x800  }
0x180: {  	[sflag:s23] =	ssyncset.done $0x0  }
0x181: {  	s15 =	simm.s32 $0x3000;
	s16 =	simm.s32 $0x5000;
	[sflag:s23] =	ssyncadd.s32 $0xFFFFF800  }
0x182: {  	[tilespmem:s16], [sflag:$0x1] =	stream.indirect.gather [hbm4b:s3+s10], $0x1, s15, s10, $0xb8;
	[tilespmem:$0x6000] =	vst v63  }
0x183: {  	s17 =	simm.s32 $0x3080;
	s18 =	simm.s32 $0x5080  }
0x184: {  	[tilespmem:s18], [sflag:$0x1] =	stream.indirect.gather [hbm4b:s3+s10], $0x1, s17, s10, $0xb8;
	[tilespmem:$0x6000] =	vst v63  }
0x185: {  	s15 =	simm.s32 $0x3100;
	s16 =	simm.s32 $0x5100  }
0x186: {  	[tilespmem:s16], [sflag:$0x1] =	stream.indirect.gather [hbm4b:s3+s10], $0x1, s15, s10, $0xb8;
	[tilespmem:$0x6000] =	vst v63  }
0x187: {  	s17 =	simm.s32 $0x3180;
	s18 =	simm.s32 $0x5180  }
0x188: {  	[tilespmem:s18], [sflag:$0x1] =	stream.indirect.gather [hbm4b:s3+s10], $0x1, s17, s10, $0xb8;
	[tilespmem:$0x6000] =	vst v63  }
0x189: {  	s15 =	simm.s32 $0x3200;
	s16 =	simm.s32 $0x5200  }
0x18a: {  	[tilespmem:s16], [sflag:$0x1] =	stream.indirect.gather [hbm4b:s3+s10], $0x1, s15, s10, $0xb8;
	[tilespmem:$0x6000] =	vst v63  }
0x18b: {  	s17 =	simm.s32 $0x3280;
	s18 =	simm.s32 $0x5280  }
0x18c: {  	[tilespmem:s18], [sflag:$0x1] =	stream.indirect.gather [hbm4b:s3+s10], $0x1, s17, s10, $0xb8;
	[tilespmem:$0x6000] =	vst v63  }
0x18d: {  	s15 =	simm.s32 $0x3300;
	s16 =	simm.s32 $0x5300  }
0x18e: {  	[tilespmem:s16], [sflag:$0x1] =	stream.indirect.gather [hbm4b:s3+s10], $0x1, s15, s10, $0xb8;
	[tilespmem:$0x6000] =	vst v63  }
0x18f: {  	s17 =	simm.s32 $0x3380;
	s18 =	simm.s32 $0x5380  }
0x190: {  	[tilespmem:s18], [sflag:$0x1] =	stream.indirect.gather [hbm4b:s3+s10], $0x1, s17, s10, $0xb8;
	[tilespmem:$0x6000] =	vst v63  }
0x191: {  	s15 =	simm.s32 $0x3400;
	s16 =	simm.s32 $0x5400  }
0x192: {  	[tilespmem:s16], [sflag:$0x1] =	stream.indirect.gather [hbm4b:s3+s10], $0x1, s15, s10, $0xb8;
	[tilespmem:$0x6000] =	vst v63  }
0x193: {  	s17 =	simm.s32 $0x3480;
	s18 =	simm.s32 $0x5480  }
0x194: {  	[tilespmem:s18], [sflag:$0x1] =	stream.indirect.gather [hbm4b:s3+s10], $0x1, s17, s10, $0xb8;
	[tilespmem:$0x6000] =	vst v63  }
0x195: {  	s15 =	simm.s32 $0x3500;
	s16 =	simm.s32 $0x5500  }
0x196: {  	[tilespmem:s16], [sflag:$0x1] =	stream.indirect.gather [hbm4b:s3+s10], $0x1, s15, s10, $0xb8;
	[tilespmem:$0x6000] =	vst v63  }
0x197: {  	s17 =	simm.s32 $0x3580;
	s18 =	simm.s32 $0x5580  }
0x198: {  	[tilespmem:s18], [sflag:$0x1] =	stream.indirect.gather [hbm4b:s3+s10], $0x1, s17, s10, $0xb8;
	[tilespmem:$0x6000] =	vst v63  }
0x199: {  	s15 =	simm.s32 $0x3600;
	s16 =	simm.s32 $0x5600  }
0x19a: {  	[tilespmem:s16], [sflag:$0x1] =	stream.indirect.gather [hbm4b:s3+s10], $0x1, s15, s10, $0xb8;
	[tilespmem:$0x6000] =	vst v63  }
0x19b: {  	s17 =	simm.s32 $0x3680;
	s18 =	simm.s32 $0x5680  }
0x19c: {  	[tilespmem:s18], [sflag:$0x1] =	stream.indirect.gather [hbm4b:s3+s10], $0x1, s17, s10, $0xb8;
	[tilespmem:$0x6000] =	vst v63  }
0x19d: {  	s15 =	simm.s32 $0x3700;
	s16 =	simm.s32 $0x5700  }
0x19e: {  	[tilespmem:s16], [sflag:$0x1] =	stream.indirect.gather [hbm4b:s3+s10], $0x1, s15, s10, $0xb8;
	[tilespmem:$0x6000] =	vst v63  }
0x19f: {  	s17 =	simm.s32 $0x3780;
	s18 =	simm.s32 $0x5780  }
0x1a0: {  	[tilespmem:s18], [sflag:$0x1] =	stream.indirect.gather [hbm4b:s3+s10], $0x1, s17, s10, $0xb8;
	[tilespmem:$0x6000] =	vst v63  }
0x1a1: {  	_ =	swait.ge [sflag:s23], $0x800  }
0x1a2: {  	[sflag:s23] =	ssyncset.done $0x0  }
0x1a3: {  	s15 =	simm.s32 $0x3800;
	s16 =	simm.s32 $0x5800;
	[sflag:s23] =	ssyncadd.s32 $0xFFFFF800  }
0x1a4: {  	[tilespmem:s16], [sflag:$0x1] =	stream.indirect.gather [hbm4b:s3+s10], $0x1, s15, s10, $0xb8;
	[tilespmem:$0x6000] =	vst v63  }
0x1a5: {  	s17 =	simm.s32 $0x3880;
	s18 =	simm.s32 $0x5880  }
0x1a6: {  	[tilespmem:s18], [sflag:$0x1] =	stream.indirect.gather [hbm4b:s3+s10], $0x1, s17, s10, $0xb8;
	[tilespmem:$0x6000] =	vst v63  }
0x1a7: {  	s15 =	simm.s32 $0x3900;
	s16 =	simm.s32 $0x5900  }
0x1a8: {  	[tilespmem:s16], [sflag:$0x1] =	stream.indirect.gather [hbm4b:s3+s10], $0x1, s15, s10, $0xb8;
	[tilespmem:$0x6000] =	vst v63  }
0x1a9: {  	s17 =	simm.s32 $0x3980;
	s18 =	simm.s32 $0x5980  }
0x1aa: {  	[tilespmem:s18], [sflag:$0x1] =	stream.indirect.gather [hbm4b:s3+s10], $0x1, s17, s10, $0xb8;
	[tilespmem:$0x6000] =	vst v63  }
0x1ab: {  	s15 =	simm.s32 $0x3A00;
	s16 =	simm.s32 $0x5A00  }
0x1ac: {  	[tilespmem:s16], [sflag:$0x1] =	stream.indirect.gather [hbm4b:s3+s10], $0x1, s15, s10, $0xb8;
	[tilespmem:$0x6000] =	vst v63  }
0x1ad: {  	s17 =	simm.s32 $0x3A80;
	s18 =	simm.s32 $0x5A80  }
0x1ae: {  	[tilespmem:s18], [sflag:$0x1] =	stream.indirect.gather [hbm4b:s3+s10], $0x1, s17, s10, $0xb8;
	[tilespmem:$0x6000] =	vst v63  }
0x1af: {  	s15 =	simm.s32 $0x3B00;
	s16 =	simm.s32 $0x5B00  }
0x1b0: {  	[tilespmem:s16], [sflag:$0x1] =	stream.indirect.gather [hbm4b:s3+s10], $0x1, s15, s10, $0xb8;
	[tilespmem:$0x6000] =	vst v63  }
0x1b1: {  	_ = 	snop  }
0x1b2: {  	[tilespmem:s20], [sflag:$0x1] =	stream.indirect.gather [hbm4b:s3+s10], $0x1, s19, s10, $0xb8;
	[tilespmem:$0x6000] =	vst v63  }
0x1b3: {  	_ = 	snop  }
0x1b4: {  	[tilespmem:s22], [sflag:$0x1] =	stream.indirect.gather [hbm4b:s3+s10], $0x1, s21, s10, $0xb8;
	[tilespmem:$0x6000] =	vst v63  }
0x1b5: {  	_ = 	snop  }
0x1b6: {  	[tilespmem:s25], [sflag:$0x1] =	stream.indirect.gather [hbm4b:s3+s10], $0x1, s24, s10, $0xb8;
	[tilespmem:$0x6000] =	vst v63  }
0x1b7: {  	_ = 	snop  }
0x1b8: {  	[tilespmem:s28], [sflag:$0x1] =	stream.indirect.gather [hbm4b:s3+s10], $0x1, s26, s10, $0xb8;
	[tilespmem:$0x6000] =	vst v63  }
0x1b9: {  	_ = 	snop  }
0x1ba: {  	[tilespmem:s30], [sflag:$0x1] =	stream.indirect.gather [hbm4b:s3+s10], $0x1, s29, s10, $0xb8;
	[tilespmem:$0x6000] =	vst v63  }
0x1bb: {  	_ = 	snop  }
0x1bc: {  	[tilespmem:s7], [sflag:$0x1] =	stream.indirect.gather [hbm4b:s3+s10], $0x1, s31, s10, $0xb8;
	[tilespmem:$0x6000] =	vst v63  }
0x1bd: {  	_ = 	snop  }
0x1be: {  	[tilespmem:s1], [sflag:$0x1] =	stream.indirect.gather [hbm4b:s3+s10], $0x1, s0, s10, $0xb8;
	[tilespmem:$0x6000] =	vst v63  }
0x1bf: {  	_ = 	snop  }
0x1c0: {  	[tilespmem:s4], [sflag:$0x1] =	stream.indirect.gather [hbm4b:s3+s10], $0x1, s2, s10, $0xb8;
	[tilespmem:$0x6000] =	vst v63  }
0x1c1: {  	_ = 	snop  }
0x1c2: {  	[tilespmem:s11], [sflag:$0x1] =	stream.indirect.gather [hbm4b:s3+s10], $0x1, s6, s10, $0xb8;
	[tilespmem:$0x6000] =	vst v63  }
0x1c3: {  	_ =	swait.ge [sflag:s23], $0x800  }
0x1c4: {  	[sflag:s23] =	ssyncset.done $0x0  }
0x1c5: {  	[sflag:s23] =	ssyncadd.s32 $0xFFFFF800  }
0x1c6: {  	s17 =	sshll.u32 s13, $0xF;
	s13 =	sadd.s32 $0x1, s13;
	_ =	swait.ge [sflag:s23], $0x800  }
0x1c7: {  	s18 =	simm.s32 $0x200;
	p0 =	sne.s32 s13, $0x10;
	[sflag:s23] =	ssyncset.done $0x0  }
.Ltmp1:
0x1c8: {  	s14 =	sadd.s32 s17, s5;
	[sflag:s23] =	ssyncadd.s32 $0xFFFFF800;
	(pc) =	sbr.rel @p0 .LBB2_2-.Ltmp1, $4  }
0x1c9: {  	[hbm4b:s14+s18] =	stream.strided.scatter [tilespmem:s8], [sflag:$0x2], $0x2000, s8, s18, $0x38;
	[tilespmem:$0x6000] =	vst v63  }
0x1ca: {  	_ =	swait.ge [sflag:s9], $0x2000  }
0x1cb: {  	[sflag:s9] =	ssyncset.done $0x0  }
0x1cc: {  	s12 =	sadd.s32 $0x186A00, s12;
	[sflag:s9] =	ssyncadd.s32 $0xFFFFE000  }
0x1cd: {  	s13 =	rddreg [dreg:$0x5]  }
0x1ce: {  	s12 =	rddreg [dreg:$0x4];
	s13 =	sadd.s32 $0x1, s13  }
0x1cf: {  	p0 =	sne.s32 s13, s12  }
.Ltmp2:
0x1d0: {  	_ = 	snop;
	(pc) =	sbr.rel @p0 .LBB2_1-.Ltmp2, $1  }
0x1d1: {  	_ =	sdelay $0x3  }
0x1d2: {  	_ =	sfence.sel $0x180000  }
0x1d3: {  	[bflag:$0x0] =	sbarrier.arrive $0xFFFF  }
0x1d4: {  	_ =	strace $0x90000047  }
0x1d5: {  	s0 =	stileid.u32;
	[bflag:$0x2] =	sbarrier.arrive $0xFFFF  }
0x1d6: {  	p0 =	sne.s32 s0, $0x0;
	s0 =	rddreg [dreg:$0x2]  }
0x1d7: {  	s0 =	sadd.s32 @!p0 $0x100000, s0  }
0x1d8: {  	[sflag:s0] =	ssyncadd.tile.s32 @!p0 $0x1;
	_ =	shalt  }
.Lfunc_end2:
_tile_overlayer_lowered:
.L_overlay_start_2:
0x1d9: {  	(tag) =	ssettag $0x2  }
0x1da: {  	s0 =	rddreg [dreg:$0x0];
	s2 =	stileid.u32  }
0x1db: {  	s1 =	rddreg [dreg:$0x1];
	p0 =	sne.s32 s2, $0x0  }
0x1dc: {  	s3 =	rddreg [dreg:$0x2];
	[bflag:$0x3] =	sbarrier.arrive $0xFFFF;
	s2 =	simm.s32 @!p0 $0x1C02  }
0x1dd: {  	[timem:s3], [sflag:s2] =	dma.local @!p0 [hbm:s0], s1  }
0x1de: {  	s0 =	simm.s32 @!p0 $0x2  }
0x1df: {  	_ =	swait.ge @!p0 [sflag:s0], s1  }
0x1e0: {  	s1 =	ssub.s32 @!p0 $0x0, s1;
	[sflag:s0] =	ssyncset.done @!p0 $0x0  }
0x1e1: {  	[sflag:s0] =	ssyncadd.s32 @!p0 s1  }
0x1e2: {  	[bflag:$0x3] =	sbarrier.arrive $0xFFFF  }
0x1e3: {  	_ =	shalt  }

// kernel: kernel.8.cloned.1.call-start
scs
__scs_entry_jumppad:
0x0: {  	(pc) =	sbr.rel $0x88, $3  }
0x1: {  	(tag) =	ssettag $0x0;
	lr =	simm.s32 $0x1  }
0x2: {  	[smem:$0x3F97] =	sst lr;
	_ =	strace $0xD0000000  }
0x3: {  	_ = 	snop  }
0x4: {  	_ = 	snop  }
0x5: {  	_ = 	snop  }
0x6: {  	_ = 	snop  }
0x7: {  	_ = 	snop  }
__scs_overlays_trampoline_lowered:
0x8: {  	[smem:$0x3FA6] =	sst s0  }
0x9: {  	[smem:$0x3FA7] =	sst s1  }
0xa: {  	[smem:$0x3FA8] =	sst s2  }
0xb: {  	[smem:$0x3FA9] =	sst s3  }
0xc: {  	[smem:$0x3FAA] =	sst s4  }
0xd: {  	[smem:$0x3FAB] =	sst s5  }
0xe: {  	[smem:$0x3FAC] =	sst s6  }
0xf: {  	[smem:$0x3FAD] =	sst s7  }
0x10: {  	[smem:$0x3FAE] =	sst s8  }
0x11: {  	[smem:$0x3FAF] =	sst s9;
	s0 =	simm.s32 @!p0 $0x0  }
0x12: {  	s1 =	sld [smem:$0x3F95];
	s0 =	simm.s32 @p0 $0x1  }
0x13: {  	[smem:$0x3FB0] =	sst s0;
	s0 =	simm.s32 @!p1 $0x0  }
0x14: {  	s2 =	sld [smem:$0x3F94];
	s0 =	simm.s32 @p1 $0x1  }
0x15: {  	[smem:$0x3FB1] =	sst s0;
	s0 =	simm.s32 @!p2 $0x0  }
0x16: {  	s3 =	sld [smem:$0x3FDB];
	s0 =	simm.s32 @p2 $0x1  }
0x17: {  	s4 =	simm.s32 $0x1BF5;
	[smem:$0x3FB3] =	sst s0  }
0x18: {  	s0 =	sld [smem:$0x3F96];
	_ =	swait.ge [sflag:s4], $0x0  }
0x19: {  	s7 =	sld [smem:$0x3F97]  }
0x1a: {  	s8 =	sadd.s32 $0xFFFFE003, lr  }
0x1b: {  	s9 =	sadd.s32 $0xFFFFFEF7, lr;
	s5 =	simm.s32 $0xFFFFFFFF;
	p2 =	slt.u32 s8, $0xFFFFF086  }
0x1c: {  	p1 =	slt.u32 s9, $0xF7A;
	s5 =	simm.s32 @!p2 $0x0  }
0x1d: {  	s5 =	simm.s32 @p1 $0x1;
	p0 =	seq.s32 s7, s2  }
0x1e: {  	s7 =	smul.u32 @!p0 $0xF7A, s2;
	p2 =	seq.s32 @!p0 s5, $0x0  }
0x1f: {  	s9 =	smul.u32 $0xF7A, s1;
	s8 =	simm.s32 @!p0 $0x1BF5;
	p2 =	por !p2, p0  }
0x20: {  	[sflag:s8] =	ssyncset.s32 @!p0 $0xFFFFF086;
	s6 =	sadd.s32 @!p0 s3, s7;
	s7 =	simm.s32 @!p0 $0x108  }
0x21: {  	s3 =	sadd.s32 s3, s9;
	s6 =	sadd.s32 @!p0 $0x88, s6;
	s7 =	simm.s32 @p2 $0x1082  }
0x22: {  	[simem:s7], [sflag:s8] =	dma.local @!p0 [hbm:s6], $0xF7A  }
0x23: {  	s9 =	sor.u32 $0xD0000000, s2;
	s6 =	simm.s32 $0x108;
	_ =	swait.ge @!p0 [sflag:s8], $0x0  }
0x24: {  	s3 =	sadd.s32 $0x88, s3;
	s6 =	simm.s32 @!p1 $0x1082;
	[sflag:s4] =	ssyncset.s32 $0xFFFFF086  }
0x25: {  	[simem:s6], [sflag:s4] =	dma.local [hbm:s3], $0xF7A  }
0x26: {  	[smem:$0x3F97] =	sst s1;
	(tag) =	ssettag s2;
	_ =	strace s9  }
0x27: {  	s1 =	sld [smem:$0x3FA7]  }
0x28: {  	s2 =	sld [smem:$0x3FA8]  }
0x29: {  	s4 =	sld [smem:$0x3FAA]  }
0x2a: {  	p0 =	seq.s32 s5, $0x0;
	s5 =	sld [smem:$0x3FAB]  }
0x2b: {  	s6 =	sld [smem:$0x3FAC]  }
0x2c: {  	s7 =	sld [smem:$0x3FAD]  }
0x2d: {  	s3 =	simm.s32 $0x108;
	s8 =	sld [smem:$0x3FAE]  }
0x2e: {  	s3 =	simm.s32 @!p0 $0x1082;
	s9 =	sld [smem:$0x3FAF]  }
0x2f: {  	lr =	sadd.s32 s0, s3;
	s0 =	sld [smem:$0x3FA6]  }
0x30: {  	s3 =	sld [smem:$0x3FA9]  }
0x31: {  	[smem:$0x3FB2] =	sst s10  }
0x32: {  	s10 =	sld [smem:$0x3FB0];
	_ =	sdelay $0x3  }
0x33: {  	p0 =	seq.s32 s10, $0x1;
	s10 =	sld [smem:$0x3FB2];
	_ =	sdelay $0x3  }
0x34: {  	[smem:$0x3FB2] =	sst s10  }
0x35: {  	s10 =	sld [smem:$0x3FB1];
	_ =	sdelay $0x3  }
0x36: {  	p1 =	seq.s32 s10, $0x1;
	s10 =	sld [smem:$0x3FB2];
	_ =	sdelay $0x3  }
0x37: {  	[smem:$0x3FB2] =	sst s10  }
0x38: {  	s10 =	sld [smem:$0x3FB3]  }
0x39: {  	_ = 	snop;
	(pc) =	sbr.ind lr, $3  }
0x3a: {  	_ = 	snop  }
0x3b: {  	_ = 	snop  }
0x3c: {  	p2 =	seq.s32 s10, $0x1;
	s10 =	sld [smem:$0x3FB2]  }
0x3d: {  	_ =	shalt  }
0x3e: {  	_ =	shalt  }
0x3f: {  	_ =	shalt  }
0x40: {  	_ =	shalt  }
0x41: {  	_ =	shalt  }
0x42: {  	_ =	shalt  }
0x43: {  	_ =	shalt  }
0x44: {  	_ =	shalt  }
0x45: {  	_ =	shalt  }
0x46: {  	_ =	shalt  }
0x47: {  	_ =	shalt  }
0x48: {  	_ =	shalt  }
0x49: {  	_ =	shalt  }
0x4a: {  	_ =	shalt  }
0x4b: {  	_ =	shalt  }
0x4c: {  	_ =	shalt  }
0x4d: {  	_ =	shalt  }
0x4e: {  	_ =	shalt  }
0x4f: {  	_ =	shalt  }
0x50: {  	_ =	shalt  }
0x51: {  	_ =	shalt  }
0x52: {  	_ =	shalt  }
0x53: {  	_ =	shalt  }
0x54: {  	_ =	shalt  }
0x55: {  	_ =	shalt  }
0x56: {  	_ =	shalt  }
0x57: {  	_ =	shalt  }
0x58: {  	_ =	shalt  }
0x59: {  	_ =	shalt  }
0x5a: {  	_ =	shalt  }
0x5b: {  	_ =	shalt  }
0x5c: {  	_ =	shalt  }
0x5d: {  	_ =	shalt  }
0x5e: {  	_ =	shalt  }
0x5f: {  	_ =	shalt  }
0x60: {  	_ =	shalt  }
0x61: {  	_ =	shalt  }
0x62: {  	_ =	shalt  }
0x63: {  	_ =	shalt  }
0x64: {  	_ =	shalt  }
0x65: {  	_ =	shalt  }
0x66: {  	_ =	shalt  }
0x67: {  	_ =	shalt  }
0x68: {  	_ =	shalt  }
0x69: {  	_ =	shalt  }
0x6a: {  	_ =	shalt  }
0x6b: {  	_ =	shalt  }
0x6c: {  	_ =	shalt  }
0x6d: {  	_ =	shalt  }
0x6e: {  	_ =	shalt  }
0x6f: {  	_ =	shalt  }
0x70: {  	_ =	shalt  }
0x71: {  	_ =	shalt  }
0x72: {  	_ =	shalt  }
0x73: {  	_ =	shalt  }
0x74: {  	_ =	shalt  }
0x75: {  	_ =	shalt  }
0x76: {  	_ =	shalt  }
0x77: {  	_ =	shalt  }
0x78: {  	_ =	shalt  }
0x79: {  	_ =	shalt  }
0x7a: {  	_ =	shalt  }
0x7b: {  	_ =	shalt  }
0x7c: {  	_ =	shalt  }
0x7d: {  	_ =	shalt  }
0x7e: {  	_ =	shalt  }
0x7f: {  	_ =	shalt  }
0x80: {  	_ =	shalt  }
0x81: {  	_ =	shalt  }
0x82: {  	_ =	shalt  }
0x83: {  	_ =	shalt  }
0x84: {  	_ =	shalt  }
0x85: {  	_ =	shalt  }
0x86: {  	_ =	shalt  }
0x87: {  	_ =	shalt  }
.Lfunc_end0:
.L_simem_size_0:
called_computation.1_lowered:
.L_overlay_start_0:
0x88: {  	s2 =	sld [smem:$0x3FD9]  }
0x89: {  	s3 =	sld [smem:$0x3FFE];
	_ =	sdelay $0x1  }
0x8a: {  	s1 =	srdreg.scid  }
0x8b: {  	s0 =	sand.u32 $0x1, s1  }
0x8c: {  	s17 =	sshll.u32 s0, $0xA;
	s2 =	sadd.s32 s3, s2  }
0x8d: {  	s2 =	sadd.s32 s2, s17  }
0x8e: {  	[smem:$0x3FBE] =	sst s2  }
0x8f: {  	_ = 	snop  }
0x90: {  	(tm) =	ssettm $0x1  }
0x91: {  	s18 =	sld [smem:$0x3FFB];
	_ =	sdelay $0x3  }
0x92: {  	_ =	strace s18  }
0x93: {  	s2 =	sld [smem:$0x3FFC];
	_ =	sdelay $0x3  }
0x94: {  	_ =	strace s2  }
0x95: {  	s2 =	sld [smem:$0x3FFD];
	_ =	sdelay $0x3  }
0x96: {  	_ =	strace s2  }
0x97: {  	_ =	strace $0x8FFFFFFF  }
0x98: {  	s19 =	sld [smem:$0x3FDB];
	_ =	sdelay $0x1  }
0x99: {  	s20 =	simm.s32 $_scs_section_size  }
0x9a: {  	s4 =	simm.s32 $_size__tile_overlayer_lowered;
	s5 =	simm.s32 $_tile_overlayer_lowered  }
0x9b: {  	s6 =	simm.s32 $0x1BFF;
	s21 =	sshll.u32 s5, $0x1;
	s3 =	sadd.s32 s20, s19  }
0x9c: {  	s22 =	simm.s32 $0x0;
	s4 =	sshll.u32 s4, $0x1;
	s5 =	sadd.s32 s21, s3  }
0x9d: {  	[timem:s22], [sflag:s6] =	dma.local [hbm:s5], s4  }
0x9e: {  	_ =	swait.ge [sflag:s6], s4  }
0x9f: {  	s4 =	ssub.s32 $0x0, s4;
	[sflag:s6] =	ssyncset.done $0x0  }
0xa0: {  	[sflag:s6] =	ssyncadd.s32 s4;
	_ =	sdelay $0x1  }
0xa1: {  	s23 =	simm.s32 $0x1B8B  }
0xa2: {  	_ =	swait.ge [sflag:s23], $0x1  }
0xa3: {  	[sflag:s23] =	ssyncset.done $0x0  }
0xa4: {  	[sflag:s23] =	ssyncadd.s32 $0xFFFFFFFF  }
0xa5: {  	s4 =	sld [smem:$0x0]  }
0xa6: {  	s5 =	sand.u32 $0xFFFFFFFE, s1  }
0xa7: {  	p0 =	sne.s32 s1, s5  }
0xa8: {  	s5 =	sshll.u32 @p0 s5, $0xE  }
0xa9: {  	s5 =	sadd.s32 @p0 $0x11B8D, s5;
	s6 =	sshll.u32 @p0 s4, $0x11  }
0xaa: {  	s5 =	sor.u32 @p0 s6, s5  }
0xab: {  	[sflag:s5] =	ssyncadd.remote.s32 @p0 $0x1;
	_ =	sdelay $0x1  }
0xac: {  	s5 =	simm.s32 @p0 $0x1B8D  }
0xad: {  	_ =	swait.eq @p0 [sflag:s5], $0x1  }
0xae: {  	[sflag:s5] =	ssyncadd.s32 @p0 $0xFFFFFFFF  }
0xaf: {  	s6 =	sshll.u32 @!p0 s1, $0xE  }
0xb0: {  	s6 =	sor.u32 @!p0 $0x4000, s6;
	s5 =	simm.s32 @!p0 $0x1B8D  }
0xb1: {  	s4 =	sshll.u32 @!p0 s4, $0x11;
	s6 =	sadd.s32 @!p0 $0x11B8D, s6;
	_ =	swait.eq @!p0 [sflag:s5], $0x1  }
0xb2: {  	s4 =	sor.u32 @!p0 s4, s6;
	[sflag:s5] =	ssyncadd.s32 @!p0 $0xFFFFFFFF  }
0xb3: {  	s25 =	simm.s32 $0x1B8E;
	s24 =	sld [smem:$0x3FFE];
	[sflag:s4] =	ssyncadd.remote.s32 @!p0 $0x1  }
0xb4: {  	s26 =	simm.s32 $execute0_lowered;
	[smem:$0x3FD2] =	sst s25  }
0xb5: {  	s5 =	sshll.u32 s26, $0x1;
	_ =	strace $0x80000049;
	[dreg:$0x1] =	wrdreg $0xFFFFFFFF  }
0xb6: {  	s28 =	simm.s32 $_size_execute0_lowered;
	s3 =	sadd.s32 s3, s5;
	[dreg:$0x0] =	wrdreg $0x0  }
0xb7: {  	s5 =	sshll.u32 s28, $0x1;
	[dreg:$0x2] =	wrdreg s3  }
0xb8: {  	[dreg:$0x3] =	wrdreg s5  }
0xb9: {  	[dreg:$0x4] =	wrdreg $0xC0  }
0xba: {  	_ =	task [dreg:s22], $0x5FFFF  }
0xbb: {  	[dreg:$0x1] =	wrdreg $0xFFFFFFFF  }
0xbc: {  	[dreg:$0x0] =	wrdreg $0x60  }
0xbd: {  	[dreg:$0x2] =	wrdreg s24  }
0xbe: {  	[dreg:$0x3] =	wrdreg $0xA  }
0xbf: {  	_ =	task.clear_ibuf [dreg:s22], $0x4FFFF;
	_ =	strace $0x90000049  }
0xc0: {  	s29 =	simm.s32 $0xA;
	_ =	strace $0x8000004B  }
0xc1: {  	_ =	swait.ge [sflag:s29], $0x1  }
0xc2: {  	[sflag:s29] =	ssyncadd.s32 $0xFFFFFFFF  }
0xc3: {  	_ =	strace $0x9000004B  }
0xc4: {  	_ =	sfence  }
0xc5: {  	s30 =	sld [smem:$0x0];
	_ =	sdelay $0x2  }
0xc6: {  	s31 =	sshll.u32 s1, $0xD;
	s1 =	sshrl.u32 s1, $0x2  }
0xc7: {  	s4 =	sand.u32 $0x4000, s31;
	s1 =	sadd.s32 s1, s30  }
0xc8: {  	s0 =	sor.u32 s4, s0;
	s1 =	sshll.u32 s1, $0x11  }
0xc9: {  	s0 =	sor.u32 s1, s0  }
0xca: {  	s0 =	sadd.s32 $0x8F2B, s0  }
0xcb: {  	[sflag:s0] =	ssyncadd.remote.s32 $0x1  }
0xcc: {  	_ =	sfence.sel $0xFFFF  }
0xcd: {  	[dreg:$0x0] =	wrdreg $0xFFFFFFFF;
	(pc) =	sbr.abs _section_cstart, $3  }
0xce: {  	[dreg:$0x1] =	wrdreg $0xFFFFFFFF  }
0xcf: {  	_ =	task.clear_ibuf [dreg:s22], $0x2FFFF;
	_ =	strace $0x9FFFFFFF  }
0xd0: {  	(tm) =	ssettm $0x7FFFFFFF  }
0xd1: {  	_ =	shalt  }
tec
execute0_lowered:
.L_overlay_start_1:
0x0: {  	(tag) =	ssettag $0x1  }
0x1: {  	s0 =	rddreg [dreg:$0x0]  }
0x2: {  	s1 =	srdreg.scid;
	s3 =	simm.s32 $0x0;
	s2 =	stileid.u32  }
0x3: {  	s13 =	simm.s32 $0x200;
	s14 =	simm.s32 $0x4000;
	s15 =	simm.s32 $0x2  }
0x4: {  	s17 =	simm.s32 $0x80;
	s19 =	simm.s32 $0x3400;
	s4 =	simm.s32 $0x1  }
0x5: {  	s7 =	simm.s32 $0x3000;
	s8 =	simm.s32 $0x5000;
	s9 =	simm.s32 $0x3080  }
0x6: {  	s10 =	simm.s32 $0x5080;
	s12 =	simm.s32 $0x3100;
	s1 =	sand.u32 $0x1, s1  }
0x7: {  	s16 =	simm.s32 $0x3180;
	s2 =	sshll.u32 s2, $0x7;
	s20 =	sshll.u32 s1, $0x6  }
0x8: {  	s18 =	simm.s32 $0x5180;
	s28 =	simm.s32 $0x5380;
	s2 =	sor.u32 s20, s2  }
0x9: {  	[smem:$0x7FF] =	sst s3;
	s3 =	sadd.s32 $0x61D600, s0;
	s0 =	sadd.s32 s2, s0  }
0xa: {  	_ =	strace $0x8000004A;
	s1 =	ssub.s32 $0x2, s1;
	s22 =	sadd.s32 $0x82200, s0  }
0xb: {  	s21 =	sshrl.u32 s1, $0x1;
	s23 =	sadd.s32 $0xD7200, s0;
	[dreg:$0x2] =	wrdreg s22  }
0xc: {  	s20 =	simm.s32 $0x3200;
	s24 =	sadd.s32 $0xDF200, s0;
	[dreg:$0x3] =	wrdreg s23  }
0xd: {  	s1 =	ssub.s32 s1, s21;
	s25 =	sadd.s32 $0xE7200, s0;
	[dreg:$0x4] =	wrdreg s24  }
0xe: {  	s2 =	simm.s32 $0x5100;
	s26 =	sadd.s32 $0xEF200, s0;
	[dreg:$0x5] =	wrdreg s25  }
0xf: {  	s21 =	simm.s32 $0x5200;
	s29 =	sadd.s32 $0xF7200, s0;
	[dreg:$0x6] =	wrdreg s26  }
0x10: {  	s30 =	sadd.s32 $0xFF200, s0;
	s11 =	sadd.s32 $0x87200, s0;
	[dreg:$0x7] =	wrdreg s29  }
0x11: {  	s31 =	smax.u32 s1, $0x1;
	s1 =	simm.s32 $0x0;
	[dreg:$0x8] =	wrdreg s30  }
0x12: {  	[dreg:$0x9] =	wrdreg s31;
	s22 =	simm.s32 $0x3280;
	s23 =	simm.s32 $0x5280  }
0x13: {  	v0 =	vimm.f32 $0.0e+00;
	s24 =	simm.s32 $0x3300;
	s25 =	simm.s32 $0x5300;
	s26 =	simm.s32 $0x3380  }
.LBB2_1:
0x14: {  	[dreg:$0xa] =	wrdreg s1  }
0x15: {  	s30 =	simm.s32 $0x0;
	s0 =	rddreg [dreg:$0x2]  }
0x16: {  	[tilespmem:s30], [sflag:$0x2] =	stream.strided.gather [hbm4b:s0+s13], $0x1400, s14, s13, $0x38;
	[tilespmem:$0x7400] =	vst v63  }
0x17: {  	s31 =	sand.u32 $0x7800, s30;
	s1 =	sand.u32 $0x1F0, s30;
	_ =	swait.ge [sflag:s15], $0x1400  }
0x18: {  	s0 =	simm.s32 $0x40;
	s5 =	sshrl.u32 s31, $0x2;
	[sflag:s15] =	ssyncset.done $0x0  }
0x19: {  	s5 =	sor.u32 s1, s5;
	s1 =	simm.s32 $0x0;
	[sflag:s15] =	ssyncadd.s32 $0xFFFFEC00  }
.LBB2_2:
0x1a: {  	p0 =	sne.s32 s0, $0x7FC0  }
0x1b: {  	[tilespmem:s5+$0x5400] =	vst v0;
	s1 =	sadd.s32 $0x10, s1;
	s5 =	smov.u32 s0;
	s0 =	sadd.s32 $0x40, s0  }
.Ltmp0:
0x1c: {  	(pc) =	sbr.rel @p0 .LBB2_2-.Ltmp0, $4  }
0x1d: {  	_ = 	snop  }
0x1e: {  	s5 =	sand.u32 $0x7800, s5  }
0x1f: {  	s6 =	sand.u32 $0x1F0, s1;
	s5 =	sshrl.u32 s5, $0x2  }
0x20: {  	s5 =	sor.u32 s6, s5  }
0x21: {  	[tilespmem:s5+$0x5400] =	vst v0;
	s0 =	rddreg [dreg:$0x3];
	s1 =	simm.s32 $0x5400  }
0x22: {  	[hbm4b:s0+s13] =	stream.strided.scatter [tilespmem:s1], [sflag:$0x2], $0x2000, s14, s13, $0x38;
	[tilespmem:$0x7400] =	vst v63  }
0x23: {  	_ =	swait.ge [sflag:s15], $0x2000  }
0x24: {  	[sflag:s15] =	ssyncset.done $0x0  }
0x25: {  	s6 =	rddreg [dreg:$0x4];
	[sflag:s15] =	ssyncadd.s32 $0xFFFFE000  }
0x26: {  	[hbm4b:s6+s13] =	stream.strided.scatter [tilespmem:s1], [sflag:$0x2], $0x2000, s14, s13, $0x38;
	[tilespmem:$0x7400] =	vst v63  }
0x27: {  	_ =	swait.ge [sflag:s15], $0x2000  }
0x28: {  	[sflag:s15] =	ssyncset.done $0x0  }
0x29: {  	s31 =	rddreg [dreg:$0x5];
	[sflag:s15] =	ssyncadd.s32 $0xFFFFE000  }
0x2a: {  	[hbm4b:s31+s13] =	stream.strided.scatter [tilespmem:s1], [sflag:$0x2], $0x2000, s14, s13, $0x38;
	[tilespmem:$0x7400] =	vst v63  }
0x2b: {  	_ =	swait.ge [sflag:s15], $0x2000  }
0x2c: {  	[sflag:s15] =	ssyncset.done $0x0  }
0x2d: {  	s5 =	rddreg [dreg:$0x6];
	[sflag:s15] =	ssyncadd.s32 $0xFFFFE000  }
0x2e: {  	[hbm4b:s5+s13] =	stream.strided.scatter [tilespmem:s1], [sflag:$0x2], $0x2000, s14, s13, $0x38;
	[tilespmem:$0x7400] =	vst v63  }
0x2f: {  	_ =	swait.ge [sflag:s15], $0x2000  }
0x30: {  	[sflag:s15] =	ssyncset.done $0x0  }
0x31: {  	s6 =	rddreg [dreg:$0x7];
	[sflag:s15] =	ssyncadd.s32 $0xFFFFE000  }
0x32: {  	[hbm4b:s6+s13] =	stream.strided.scatter [tilespmem:s1], [sflag:$0x2], $0x2000, s14, s13, $0x38;
	[tilespmem:$0x7400] =	vst v63  }
0x33: {  	_ =	swait.ge [sflag:s15], $0x2000  }
0x34: {  	[sflag:s15] =	ssyncset.done $0x0  }
0x35: {  	s31 =	rddreg [dreg:$0x8];
	[sflag:s15] =	ssyncadd.s32 $0xFFFFE000  }
0x36: {  	[hbm4b:s31+s13] =	stream.strided.scatter [tilespmem:s1], [sflag:$0x2], $0x2000, s14, s13, $0x38;
	[tilespmem:$0x7400] =	vst v63  }
0x37: {  	_ =	swait.ge [sflag:s15], $0x2000  }
0x38: {  	[sflag:s15] =	ssyncset.done $0x0  }
0x39: {  	s29 =	simm.s32 $0x0;
	s30 =	simm.s32 $0x0;
	[sflag:s15] =	ssyncadd.s32 $0xFFFFE000  }
.LBB2_4:
0x3a: {  	s0 =	sshll.u32 s30, $0x9  }
0x3b: {  	s31 =	sand.u32 $0x3FFFFE00, s0  }
0x3c: {  	v1 =	vld [tilespmem:s31+$0x0];
	_ =	sdelay $0x3  }
0x3d: {  	s1 =	sadd.s32 $0x0, s29  }
0x3e: {  	s0 =	simm.s32 $0x1500;
	v1 =	vadd.s32 s1, v1  }
0x3f: {  	[tilespmem:s0+$0xFFFFFF00] =	vst v1  }
0x40: {  	v1 =	vld [tilespmem:s31+$0x10];
	_ =	sdelay $0x4  }
0x41: {  	v1 =	vadd.s32 s1, v1  }
0x42: {  	[tilespmem:s0+$0xFFFFFF10] =	vst v1  }
0x43: {  	v1 =	vld [tilespmem:s31+$0x20];
	_ =	sdelay $0x4  }
0x44: {  	v1 =	vadd.s32 s1, v1  }
0x45: {  	[tilespmem:s0+$0xFFFFFF20] =	vst v1  }
0x46: {  	v1 =	vld [tilespmem:s31+$0x30];
	_ =	sdelay $0x4  }
0x47: {  	v1 =	vadd.s32 s1, v1  }
0x48: {  	[tilespmem:s0+$0xFFFFFF30] =	vst v1  }
0x49: {  	v1 =	vld [tilespmem:s31+$0x40];
	_ =	sdelay $0x4  }
0x4a: {  	v1 =	vadd.s32 s1, v1  }
0x4b: {  	[tilespmem:s0+$0xFFFFFF40] =	vst v1  }
0x4c: {  	v1 =	vld [tilespmem:s31+$0x50];
	_ =	sdelay $0x4  }
0x4d: {  	v1 =	vadd.s32 s1, v1  }
0x4e: {  	[tilespmem:s0+$0xFFFFFF50] =	vst v1  }
0x4f: {  	v1 =	vld [tilespmem:s31+$0x60];
	_ =	sdelay $0x4  }
0x50: {  	v1 =	vadd.s32 s1, v1  }
0x51: {  	[tilespmem:s0+$0xFFFFFF60] =	vst v1  }
0x52: {  	v1 =	vld [tilespmem:s31+$0x70];
	_ =	sdelay $0x4  }
0x53: {  	v1 =	vadd.s32 s1, v1  }
0x54: {  	[tilespmem:s0+$0xFFFFFF70] =	vst v1  }
0x55: {  	v1 =	vld [tilespmem:s31+$0x80];
	_ =	sdelay $0x4  }
0x56: {  	v1 =	vadd.s32 s1, v1  }
0x57: {  	[tilespmem:s0+$0xFFFFFF80] =	vst v1  }
0x58: {  	v1 =	vld [tilespmem:s31+$0x90];
	_ =	sdelay $0x4  }
0x59: {  	v1 =	vadd.s32 s1, v1  }
0x5a: {  	[tilespmem:s0+$0xFFFFFF90] =	vst v1  }
0x5b: {  	v1 =	vld [tilespmem:s31+$0xA0];
	_ =	sdelay $0x4  }
0x5c: {  	v1 =	vadd.s32 s1, v1  }
0x5d: {  	[tilespmem:s0+$0xFFFFFFA0] =	vst v1  }
0x5e: {  	v1 =	vld [tilespmem:s31+$0xB0];
	_ =	sdelay $0x4  }
0x5f: {  	v1 =	vadd.s32 s1, v1  }
0x60: {  	[tilespmem:s0+$0xFFFFFFB0] =	vst v1  }
0x61: {  	v1 =	vld [tilespmem:s31+$0xC0];
	_ =	sdelay $0x4  }
0x62: {  	v1 =	vadd.s32 s1, v1  }
0x63: {  	[tilespmem:s0+$0xFFFFFFC0] =	vst v1  }
0x64: {  	v1 =	vld [tilespmem:s31+$0xD0];
	_ =	sdelay $0x4  }
0x65: {  	v1 =	vadd.s32 s1, v1  }
0x66: {  	[tilespmem:s0+$0xFFFFFFD0] =	vst v1  }
0x67: {  	v1 =	vld [tilespmem:s31+$0xE0];
	_ =	sdelay $0x4  }
0x68: {  	v1 =	vadd.s32 s1, v1  }
0x69: {  	[tilespmem:s0+$0xFFFFFFE0] =	vst v1  }
0x6a: {  	v1 =	vld [tilespmem:s31+$0xF0];
	_ =	sdelay $0x4  }
0x6b: {  	v1 =	vadd.s32 s1, v1  }
0x6c: {  	[tilespmem:s0+$0xFFFFFFF0] =	vst v1  }
0x6d: {  	v1 =	vld [tilespmem:s31+$0x100];
	_ =	sdelay $0x4  }
0x6e: {  	v1 =	vadd.s32 s1, v1  }
0x6f: {  	[tilespmem:s0+$0x0] =	vst v1  }
0x70: {  	v1 =	vld [tilespmem:s31+$0x110];
	_ =	sdelay $0x4  }
0x71: {  	v1 =	vadd.s32 s1, v1  }
0x72: {  	[tilespmem:s0+$0x10] =	vst v1  }
0x73: {  	v1 =	vld [tilespmem:s31+$0x120];
	_ =	sdelay $0x4  }
0x74: {  	v1 =	vadd.s32 s1, v1  }
0x75: {  	[tilespmem:s0+$0x20] =	vst v1  }
0x76: {  	v1 =	vld [tilespmem:s31+$0x130];
	_ =	sdelay $0x4  }
0x77: {  	v1 =	vadd.s32 s1, v1  }
0x78: {  	[tilespmem:s0+$0x30] =	vst v1  }
0x79: {  	v1 =	vld [tilespmem:s31+$0x140];
	_ =	sdelay $0x4  }
0x7a: {  	v1 =	vadd.s32 s1, v1  }
0x7b: {  	[tilespmem:s0+$0x40] =	vst v1  }
0x7c: {  	v1 =	vld [tilespmem:s31+$0x150];
	_ =	sdelay $0x4  }
0x7d: {  	v1 =	vadd.s32 s1, v1  }
0x7e: {  	[tilespmem:s0+$0x50] =	vst v1  }
0x7f: {  	v1 =	vld [tilespmem:s31+$0x160];
	_ =	sdelay $0x4  }
0x80: {  	v1 =	vadd.s32 s1, v1  }
0x81: {  	[tilespmem:s0+$0x60] =	vst v1  }
0x82: {  	v1 =	vld [tilespmem:s31+$0x170];
	_ =	sdelay $0x4  }
0x83: {  	v1 =	vadd.s32 s1, v1  }
0x84: {  	[tilespmem:s0+$0x70] =	vst v1  }
0x85: {  	v1 =	vld [tilespmem:s31+$0x180];
	_ =	sdelay $0x4  }
0x86: {  	v1 =	vadd.s32 s1, v1  }
0x87: {  	[tilespmem:s0+$0x80] =	vst v1  }
0x88: {  	v1 =	vld [tilespmem:s31+$0x190];
	_ =	sdelay $0x4  }
0x89: {  	v1 =	vadd.s32 s1, v1  }
0x8a: {  	[tilespmem:s0+$0x90] =	vst v1  }
0x8b: {  	v1 =	vld [tilespmem:s31+$0x1A0];
	_ =	sdelay $0x4  }
0x8c: {  	v1 =	vadd.s32 s1, v1  }
0x8d: {  	[tilespmem:s0+$0xA0] =	vst v1  }
0x8e: {  	v1 =	vld [tilespmem:s31+$0x1B0];
	_ =	sdelay $0x4  }
0x8f: {  	v1 =	vadd.s32 s1, v1  }
0x90: {  	[tilespmem:s0+$0xB0] =	vst v1  }
0x91: {  	v1 =	vld [tilespmem:s31+$0x1C0];
	_ =	sdelay $0x4  }
0x92: {  	v1 =	vadd.s32 s1, v1  }
0x93: {  	[tilespmem:s0+$0xC0] =	vst v1  }
0x94: {  	v1 =	vld [tilespmem:s31+$0x1D0];
	_ =	sdelay $0x4  }
0x95: {  	v1 =	vadd.s32 s1, v1  }
0x96: {  	[tilespmem:s0+$0xD0] =	vst v1  }
0x97: {  	v1 =	vld [tilespmem:s31+$0x1E0];
	_ =	sdelay $0x4  }
0x98: {  	v1 =	vadd.s32 s1, v1  }
0x99: {  	[tilespmem:s0+$0xE0] =	vst v1  }
0x9a: {  	v1 =	vld [tilespmem:s31+$0x1F0];
	_ =	sdelay $0x4  }
0x9b: {  	v1 =	vadd.s32 s1, v1  }
0x9c: {  	[tilespmem:s0+$0xF0] =	vst v1  }
0x9d: {  	s5 =	simm.s32 $0x30D40;
	s1 =	simm.s32 $0x186A0;
	v1 =	vld [tilespmem:s31+$0x0]  }
.LBB2_5:
0x9e: {  	p0 =	sne.s32 s5, $0x16E360;
	_ =	sdelay $0x2  }
0x9f: {  	s6 =	sadd.s32 s1, s29;
	s1 =	smov.u32 s5  }
0xa0: {  	s0 =	sadd.s32 $0x200, s0;
	v1 =	vadd.s32 s6, v1  }
0xa1: {  	[tilespmem:s0+$0xFFFFFF00] =	vst v1  }
0xa2: {  	v1 =	vld [tilespmem:s31+$0x10];
	_ =	sdelay $0x4  }
0xa3: {  	v1 =	vadd.s32 s6, v1  }
0xa4: {  	[tilespmem:s0+$0xFFFFFF10] =	vst v1  }
0xa5: {  	v1 =	vld [tilespmem:s31+$0x20];
	_ =	sdelay $0x4  }
0xa6: {  	v1 =	vadd.s32 s6, v1  }
0xa7: {  	[tilespmem:s0+$0xFFFFFF20] =	vst v1  }
0xa8: {  	v1 =	vld [tilespmem:s31+$0x30];
	_ =	sdelay $0x4  }
0xa9: {  	v1 =	vadd.s32 s6, v1  }
0xaa: {  	[tilespmem:s0+$0xFFFFFF30] =	vst v1  }
0xab: {  	v1 =	vld [tilespmem:s31+$0x40];
	_ =	sdelay $0x4  }
0xac: {  	v1 =	vadd.s32 s6, v1  }
0xad: {  	[tilespmem:s0+$0xFFFFFF40] =	vst v1  }
0xae: {  	v1 =	vld [tilespmem:s31+$0x50];
	_ =	sdelay $0x4  }
0xaf: {  	v1 =	vadd.s32 s6, v1  }
0xb0: {  	[tilespmem:s0+$0xFFFFFF50] =	vst v1  }
0xb1: {  	v1 =	vld [tilespmem:s31+$0x60];
	_ =	sdelay $0x4  }
0xb2: {  	v1 =	vadd.s32 s6, v1  }
0xb3: {  	[tilespmem:s0+$0xFFFFFF60] =	vst v1  }
0xb4: {  	v1 =	vld [tilespmem:s31+$0x70];
	_ =	sdelay $0x4  }
0xb5: {  	v1 =	vadd.s32 s6, v1  }
0xb6: {  	[tilespmem:s0+$0xFFFFFF70] =	vst v1  }
0xb7: {  	v1 =	vld [tilespmem:s31+$0x80];
	_ =	sdelay $0x4  }
0xb8: {  	v1 =	vadd.s32 s6, v1  }
0xb9: {  	[tilespmem:s0+$0xFFFFFF80] =	vst v1  }
0xba: {  	v1 =	vld [tilespmem:s31+$0x90];
	_ =	sdelay $0x4  }
0xbb: {  	v1 =	vadd.s32 s6, v1  }
0xbc: {  	[tilespmem:s0+$0xFFFFFF90] =	vst v1  }
0xbd: {  	v1 =	vld [tilespmem:s31+$0xA0];
	_ =	sdelay $0x4  }
0xbe: {  	v1 =	vadd.s32 s6, v1  }
0xbf: {  	[tilespmem:s0+$0xFFFFFFA0] =	vst v1  }
0xc0: {  	v1 =	vld [tilespmem:s31+$0xB0];
	_ =	sdelay $0x4  }
0xc1: {  	v1 =	vadd.s32 s6, v1  }
0xc2: {  	[tilespmem:s0+$0xFFFFFFB0] =	vst v1  }
0xc3: {  	v1 =	vld [tilespmem:s31+$0xC0];
	_ =	sdelay $0x4  }
0xc4: {  	v1 =	vadd.s32 s6, v1  }
0xc5: {  	[tilespmem:s0+$0xFFFFFFC0] =	vst v1  }
0xc6: {  	v1 =	vld [tilespmem:s31+$0xD0];
	_ =	sdelay $0x4  }
0xc7: {  	v1 =	vadd.s32 s6, v1  }
0xc8: {  	[tilespmem:s0+$0xFFFFFFD0] =	vst v1  }
0xc9: {  	v1 =	vld [tilespmem:s31+$0xE0];
	_ =	sdelay $0x4  }
0xca: {  	v1 =	vadd.s32 s6, v1  }
0xcb: {  	[tilespmem:s0+$0xFFFFFFE0] =	vst v1  }
0xcc: {  	v1 =	vld [tilespmem:s31+$0xF0];
	_ =	sdelay $0x4  }
0xcd: {  	v1 =	vadd.s32 s6, v1  }
0xce: {  	[tilespmem:s0+$0xFFFFFFF0] =	vst v1  }
0xcf: {  	v1 =	vld [tilespmem:s31+$0x100];
	_ =	sdelay $0x4  }
0xd0: {  	v1 =	vadd.s32 s6, v1  }
0xd1: {  	[tilespmem:s0+$0x0] =	vst v1  }
0xd2: {  	v1 =	vld [tilespmem:s31+$0x110];
	_ =	sdelay $0x4  }
0xd3: {  	v1 =	vadd.s32 s6, v1  }
0xd4: {  	[tilespmem:s0+$0x10] =	vst v1  }
0xd5: {  	v1 =	vld [tilespmem:s31+$0x120];
	_ =	sdelay $0x4  }
0xd6: {  	v1 =	vadd.s32 s6, v1  }
0xd7: {  	[tilespmem:s0+$0x20] =	vst v1  }
0xd8: {  	v1 =	vld [tilespmem:s31+$0x130];
	_ =	sdelay $0x4  }
0xd9: {  	v1 =	vadd.s32 s6, v1  }
0xda: {  	[tilespmem:s0+$0x30] =	vst v1  }
0xdb: {  	v1 =	vld [tilespmem:s31+$0x140];
	_ =	sdelay $0x4  }
0xdc: {  	v1 =	vadd.s32 s6, v1  }
0xdd: {  	[tilespmem:s0+$0x40] =	vst v1  }
0xde: {  	v1 =	vld [tilespmem:s31+$0x150];
	_ =	sdelay $0x4  }
0xdf: {  	v1 =	vadd.s32 s6, v1  }
0xe0: {  	[tilespmem:s0+$0x50] =	vst v1  }
0xe1: {  	v1 =	vld [tilespmem:s31+$0x160];
	_ =	sdelay $0x4  }
0xe2: {  	v1 =	vadd.s32 s6, v1  }
0xe3: {  	[tilespmem:s0+$0x60] =	vst v1  }
0xe4: {  	v1 =	vld [tilespmem:s31+$0x170];
	_ =	sdelay $0x4  }
0xe5: {  	v1 =	vadd.s32 s6, v1  }
0xe6: {  	[tilespmem:s0+$0x70] =	vst v1  }
0xe7: {  	v1 =	vld [tilespmem:s31+$0x180];
	_ =	sdelay $0x4  }
0xe8: {  	v1 =	vadd.s32 s6, v1  }
0xe9: {  	[tilespmem:s0+$0x80] =	vst v1  }
0xea: {  	v1 =	vld [tilespmem:s31+$0x190];
	_ =	sdelay $0x4  }
0xeb: {  	v1 =	vadd.s32 s6, v1  }
0xec: {  	[tilespmem:s0+$0x90] =	vst v1  }
0xed: {  	v1 =	vld [tilespmem:s31+$0x1A0];
	_ =	sdelay $0x4  }
0xee: {  	v1 =	vadd.s32 s6, v1  }
0xef: {  	[tilespmem:s0+$0xA0] =	vst v1  }
0xf0: {  	v1 =	vld [tilespmem:s31+$0x1B0];
	_ =	sdelay $0x4  }
0xf1: {  	v1 =	vadd.s32 s6, v1  }
0xf2: {  	[tilespmem:s0+$0xB0] =	vst v1  }
0xf3: {  	v1 =	vld [tilespmem:s31+$0x1C0];
	_ =	sdelay $0x4  }
0xf4: {  	v1 =	vadd.s32 s6, v1  }
0xf5: {  	[tilespmem:s0+$0xC0] =	vst v1  }
0xf6: {  	v1 =	vld [tilespmem:s31+$0x1D0];
	_ =	sdelay $0x4  }
0xf7: {  	v1 =	vadd.s32 s6, v1  }
0xf8: {  	[tilespmem:s0+$0xD0] =	vst v1  }
0xf9: {  	v1 =	vld [tilespmem:s31+$0x1E0];
	_ =	sdelay $0x4  }
0xfa: {  	v1 =	vadd.s32 s6, v1  }
0xfb: {  	[tilespmem:s0+$0xE0] =	vst v1  }
0xfc: {  	v1 =	vld [tilespmem:s31+$0x1F0];
	_ =	sdelay $0x2  }
.Ltmp1:
0xfd: {  	(pc) =	sbr.rel @p0 .LBB2_5-.Ltmp1, $4  }
0xfe: {  	_ = 	snop  }
0xff: {  	v1 =	vadd.s32 s6, v1  }
0x100: {  	[tilespmem:s0+$0xF0] =	vst v1  }
0x101: {  	s5 =	sadd.s32 $0x186A0, s5;
	v1 =	vld [tilespmem:s31+$0x0]  }
0x102: {  	_ =	sdelay $0x2  }
0x103: {  	s1 =	sadd.s32 s1, s29  }
0x104: {  	s0 =	sadd.s32 $0x200, s0;
	v1 =	vadd.s32 s1, v1  }
0x105: {  	[tilespmem:s0+$0xFFFFFF00] =	vst v1  }
0x106: {  	v1 =	vld [tilespmem:s31+$0x10];
	_ =	sdelay $0x4  }
0x107: {  	v1 =	vadd.s32 s1, v1  }
0x108: {  	[tilespmem:s0+$0xFFFFFF10] =	vst v1  }
0x109: {  	v1 =	vld [tilespmem:s31+$0x20];
	_ =	sdelay $0x4  }
0x10a: {  	v1 =	vadd.s32 s1, v1  }
0x10b: {  	[tilespmem:s0+$0xFFFFFF20] =	vst v1  }
0x10c: {  	v1 =	vld [tilespmem:s31+$0x30];
	_ =	sdelay $0x4  }
0x10d: {  	v1 =	vadd.s32 s1, v1  }
0x10e: {  	[tilespmem:s0+$0xFFFFFF30] =	vst v1  }
0x10f: {  	v1 =	vld [tilespmem:s31+$0x40];
	_ =	sdelay $0x4  }
0x110: {  	v1 =	vadd.s32 s1, v1  }
0x111: {  	[tilespmem:s0+$0xFFFFFF40] =	vst v1  }
0x112: {  	v1 =	vld [tilespmem:s31+$0x50];
	_ =	sdelay $0x4  }
0x113: {  	v1 =	vadd.s32 s1, v1  }
0x114: {  	[tilespmem:s0+$0xFFFFFF50] =	vst v1  }
0x115: {  	v1 =	vld [tilespmem:s31+$0x60];
	_ =	sdelay $0x4  }
0x116: {  	v1 =	vadd.s32 s1, v1  }
0x117: {  	[tilespmem:s0+$0xFFFFFF60] =	vst v1  }
0x118: {  	v1 =	vld [tilespmem:s31+$0x70];
	_ =	sdelay $0x4  }
0x119: {  	v1 =	vadd.s32 s1, v1  }
0x11a: {  	[tilespmem:s0+$0xFFFFFF70] =	vst v1  }
0x11b: {  	v1 =	vld [tilespmem:s31+$0x80];
	_ =	sdelay $0x4  }
0x11c: {  	v1 =	vadd.s32 s1, v1  }
0x11d: {  	[tilespmem:s0+$0xFFFFFF80] =	vst v1  }
0x11e: {  	v1 =	vld [tilespmem:s31+$0x90];
	_ =	sdelay $0x4  }
0x11f: {  	v1 =	vadd.s32 s1, v1  }
0x120: {  	[tilespmem:s0+$0xFFFFFF90] =	vst v1  }
0x121: {  	v1 =	vld [tilespmem:s31+$0xA0];
	_ =	sdelay $0x4  }
0x122: {  	v1 =	vadd.s32 s1, v1  }
0x123: {  	[tilespmem:s0+$0xFFFFFFA0] =	vst v1  }
0x124: {  	v1 =	vld [tilespmem:s31+$0xB0];
	_ =	sdelay $0x4  }
0x125: {  	v1 =	vadd.s32 s1, v1  }
0x126: {  	[tilespmem:s0+$0xFFFFFFB0] =	vst v1  }
0x127: {  	v1 =	vld [tilespmem:s31+$0xC0];
	_ =	sdelay $0x4  }
0x128: {  	v1 =	vadd.s32 s1, v1  }
0x129: {  	[tilespmem:s0+$0xFFFFFFC0] =	vst v1  }
0x12a: {  	v1 =	vld [tilespmem:s31+$0xD0];
	_ =	sdelay $0x4  }
0x12b: {  	v1 =	vadd.s32 s1, v1  }
0x12c: {  	[tilespmem:s0+$0xFFFFFFD0] =	vst v1  }
0x12d: {  	v1 =	vld [tilespmem:s31+$0xE0];
	_ =	sdelay $0x4  }
0x12e: {  	v1 =	vadd.s32 s1, v1  }
0x12f: {  	[tilespmem:s0+$0xFFFFFFE0] =	vst v1  }
0x130: {  	v1 =	vld [tilespmem:s31+$0xF0];
	_ =	sdelay $0x4  }
0x131: {  	v1 =	vadd.s32 s1, v1  }
0x132: {  	[tilespmem:s0+$0xFFFFFFF0] =	vst v1  }
0x133: {  	v1 =	vld [tilespmem:s31+$0x100];
	_ =	sdelay $0x4  }
0x134: {  	v1 =	vadd.s32 s1, v1  }
0x135: {  	[tilespmem:s0+$0x0] =	vst v1  }
0x136: {  	v1 =	vld [tilespmem:s31+$0x110];
	_ =	sdelay $0x4  }
0x137: {  	v1 =	vadd.s32 s1, v1  }
0x138: {  	[tilespmem:s0+$0x10] =	vst v1  }
0x139: {  	v1 =	vld [tilespmem:s31+$0x120];
	_ =	sdelay $0x4  }
0x13a: {  	v1 =	vadd.s32 s1, v1  }
0x13b: {  	[tilespmem:s0+$0x20] =	vst v1  }
0x13c: {  	v1 =	vld [tilespmem:s31+$0x130];
	_ =	sdelay $0x4  }
0x13d: {  	v1 =	vadd.s32 s1, v1  }
0x13e: {  	[tilespmem:s0+$0x30] =	vst v1  }
0x13f: {  	v1 =	vld [tilespmem:s31+$0x140];
	_ =	sdelay $0x4  }
0x140: {  	v1 =	vadd.s32 s1, v1  }
0x141: {  	[tilespmem:s0+$0x40] =	vst v1  }
0x142: {  	v1 =	vld [tilespmem:s31+$0x150];
	_ =	sdelay $0x4  }
0x143: {  	v1 =	vadd.s32 s1, v1  }
0x144: {  	[tilespmem:s0+$0x50] =	vst v1  }
0x145: {  	v1 =	vld [tilespmem:s31+$0x160];
	_ =	sdelay $0x4  }
0x146: {  	v1 =	vadd.s32 s1, v1  }
0x147: {  	[tilespmem:s0+$0x60] =	vst v1  }
0x148: {  	v1 =	vld [tilespmem:s31+$0x170];
	_ =	sdelay $0x4  }
0x149: {  	v1 =	vadd.s32 s1, v1  }
0x14a: {  	[tilespmem:s0+$0x70] =	vst v1  }
0x14b: {  	v1 =	vld [tilespmem:s31+$0x180];
	_ =	sdelay $0x4  }
0x14c: {  	v1 =	vadd.s32 s1, v1  }
0x14d: {  	[tilespmem:s0+$0x80] =	vst v1  }
0x14e: {  	v1 =	vld [tilespmem:s31+$0x190];
	_ =	sdelay $0x4  }
0x14f: {  	v1 =	vadd.s32 s1, v1  }
0x150: {  	[tilespmem:s0+$0x90] =	vst v1  }
0x151: {  	v1 =	vld [tilespmem:s31+$0x1A0];
	_ =	sdelay $0x4  }
0x152: {  	v1 =	vadd.s32 s1, v1  }
0x153: {  	[tilespmem:s0+$0xA0] =	vst v1  }
0x154: {  	v1 =	vld [tilespmem:s31+$0x1B0];
	_ =	sdelay $0x4  }
0x155: {  	v1 =	vadd.s32 s1, v1  }
0x156: {  	[tilespmem:s0+$0xB0] =	vst v1  }
0x157: {  	v1 =	vld [tilespmem:s31+$0x1C0];
	_ =	sdelay $0x4  }
0x158: {  	v1 =	vadd.s32 s1, v1  }
0x159: {  	[tilespmem:s0+$0xC0] =	vst v1  }
0x15a: {  	v1 =	vld [tilespmem:s31+$0x1D0];
	_ =	sdelay $0x4  }
0x15b: {  	v1 =	vadd.s32 s1, v1  }
0x15c: {  	[tilespmem:s0+$0xD0] =	vst v1  }
0x15d: {  	v1 =	vld [tilespmem:s31+$0x1E0];
	_ =	sdelay $0x4  }
0x15e: {  	v1 =	vadd.s32 s1, v1  }
0x15f: {  	[tilespmem:s0+$0xE0] =	vst v1  }
0x160: {  	v1 =	vld [tilespmem:s31+$0x1F0];
	_ =	sdelay $0x4  }
0x161: {  	v1 =	vadd.s32 s1, v1  }
0x162: {  	s31 =	simm.s32 $0x1400;
	[tilespmem:s0+$0xF0] =	vst v1  }
0x163: {  	[tilespmem:s19], [sflag:$0x1] =	stream.indirect.gather [hbm4b:s3+s17], $0x1, s31, s17, $0xb8;
	[tilespmem:$0x7400] =	vst v63  }
0x164: {  	s5 =	simm.s32 $0x3480;
	s1 =	simm.s32 $0x1480  }
0x165: {  	[tilespmem:s5], [sflag:$0x1] =	stream.indirect.gather [hbm4b:s3+s17], $0x1, s1, s17, $0xb8;
	[tilespmem:$0x7400] =	vst v63  }
0x166: {  	s6 =	simm.s32 $0x1500;
	s31 =	simm.s32 $0x3500  }
0x167: {  	[tilespmem:s31], [sflag:$0x1] =	stream.indirect.gather [hbm4b:s3+s17], $0x1, s6, s17, $0xb8;
	[tilespmem:$0x7400] =	vst v63  }
0x168: {  	s1 =	simm.s32 $0x1580;
	s5 =	simm.s32 $0x3580  }
0x169: {  	[tilespmem:s5], [sflag:$0x1] =	stream.indirect.gather [hbm4b:s3+s17], $0x1, s1, s17, $0xb8;
	[tilespmem:$0x7400] =	vst v63  }
0x16a: {  	s6 =	simm.s32 $0x1600;
	s31 =	simm.s32 $0x3600  }
0x16b: {  	[tilespmem:s31], [sflag:$0x1] =	stream.indirect.gather [hbm4b:s3+s17], $0x1, s6, s17, $0xb8;
	[tilespmem:$0x7400] =	vst v63  }
0x16c: {  	s1 =	simm.s32 $0x1680;
	s5 =	simm.s32 $0x3680  }
0x16d: {  	[tilespmem:s5], [sflag:$0x1] =	stream.indirect.gather [hbm4b:s3+s17], $0x1, s1, s17, $0xb8;
	[tilespmem:$0x7400] =	vst v63  }
0x16e: {  	s6 =	simm.s32 $0x1700;
	s31 =	simm.s32 $0x3700  }
0x16f: {  	[tilespmem:s31], [sflag:$0x1] =	stream.indirect.gather [hbm4b:s3+s17], $0x1, s6, s17, $0xb8;
	[tilespmem:$0x7400] =	vst v63  }
0x170: {  	s1 =	simm.s32 $0x1780;
	s5 =	simm.s32 $0x3780  }
0x171: {  	[tilespmem:s5], [sflag:$0x1] =	stream.indirect.gather [hbm4b:s3+s17], $0x1, s1, s17, $0xb8;
	[tilespmem:$0x7400] =	vst v63  }
0x172: {  	s6 =	simm.s32 $0x1800;
	s31 =	simm.s32 $0x3800  }
0x173: {  	[tilespmem:s31], [sflag:$0x1] =	stream.indirect.gather [hbm4b:s3+s17], $0x1, s6, s17, $0xb8;
	[tilespmem:$0x7400] =	vst v63  }
0x174: {  	s1 =	simm.s32 $0x1880;
	s5 =	simm.s32 $0x3880  }
0x175: {  	[tilespmem:s5], [sflag:$0x1] =	stream.indirect.gather [hbm4b:s3+s17], $0x1, s1, s17, $0xb8;
	[tilespmem:$0x7400] =	vst v63  }
0x176: {  	s6 =	simm.s32 $0x1900;
	s31 =	simm.s32 $0x3900  }
0x177: {  	[tilespmem:s31], [sflag:$0x1] =	stream.indirect.gather [hbm4b:s3+s17], $0x1, s6, s17, $0xb8;
	[tilespmem:$0x7400] =	vst v63  }
0x178: {  	s1 =	simm.s32 $0x1980;
	s5 =	simm.s32 $0x3980  }
0x179: {  	[tilespmem:s5], [sflag:$0x1] =	stream.indirect.gather [hbm4b:s3+s17], $0x1, s1, s17, $0xb8;
	[tilespmem:$0x7400] =	vst v63  }
0x17a: {  	s6 =	simm.s32 $0x1A00;
	s31 =	simm.s32 $0x3A00  }
0x17b: {  	[tilespmem:s31], [sflag:$0x1] =	stream.indirect.gather [hbm4b:s3+s17], $0x1, s6, s17, $0xb8;
	[tilespmem:$0x7400] =	vst v63  }
0x17c: {  	s1 =	simm.s32 $0x1A80;
	s5 =	simm.s32 $0x3A80  }
0x17d: {  	[tilespmem:s5], [sflag:$0x1] =	stream.indirect.gather [hbm4b:s3+s17], $0x1, s1, s17, $0xb8;
	[tilespmem:$0x7400] =	vst v63  }
0x17e: {  	s6 =	simm.s32 $0x1B00;
	s31 =	simm.s32 $0x3B00  }
0x17f: {  	[tilespmem:s31], [sflag:$0x1] =	stream.indirect.gather [hbm4b:s3+s17], $0x1, s6, s17, $0xb8;
	[tilespmem:$0x7400] =	vst v63  }
0x180: {  	s1 =	simm.s32 $0x1B80;
	s5 =	simm.s32 $0x3B80  }
0x181: {  	[tilespmem:s5], [sflag:$0x1] =	stream.indirect.gather [hbm4b:s3+s17], $0x1, s1, s17, $0xb8;
	[tilespmem:$0x7400] =	vst v63  }
0x182: {  	s6 =	simm.s32 $0x1C00;
	s31 =	simm.s32 $0x3C00  }
0x183: {  	[tilespmem:s31], [sflag:$0x1] =	stream.indirect.gather [hbm4b:s3+s17], $0x1, s6, s17, $0xb8;
	[tilespmem:$0x7400] =	vst v63  }
0x184: {  	s1 =	simm.s32 $0x1C80;
	s5 =	simm.s32 $0x3C80  }
0x185: {  	[tilespmem:s5], [sflag:$0x1] =	stream.indirect.gather [hbm4b:s3+s17], $0x1, s1, s17, $0xb8;
	[tilespmem:$0x7400] =	vst v63  }
0x186: {  	s6 =	simm.s32 $0x1D00;
	s31 =	simm.s32 $0x3D00  }
0x187: {  	[tilespmem:s31], [sflag:$0x1] =	stream.indirect.gather [hbm4b:s3+s17], $0x1, s6, s17, $0xb8;
	[tilespmem:$0x7400] =	vst v63  }
0x188: {  	s1 =	simm.s32 $0x1D80;
	s5 =	simm.s32 $0x3D80  }
0x189: {  	[tilespmem:s5], [sflag:$0x1] =	stream.indirect.gather [hbm4b:s3+s17], $0x1, s1, s17, $0xb8;
	[tilespmem:$0x7400] =	vst v63  }
0x18a: {  	s6 =	simm.s32 $0x1E00;
	s31 =	simm.s32 $0x3E00  }
0x18b: {  	[tilespmem:s31], [sflag:$0x1] =	stream.indirect.gather [hbm4b:s3+s17], $0x1, s6, s17, $0xb8;
	[tilespmem:$0x7400] =	vst v63  }
0x18c: {  	s1 =	simm.s32 $0x1E80;
	s5 =	simm.s32 $0x3E80  }
0x18d: {  	[tilespmem:s5], [sflag:$0x1] =	stream.indirect.gather [hbm4b:s3+s17], $0x1, s1, s17, $0xb8;
	[tilespmem:$0x7400] =	vst v63  }
0x18e: {  	s6 =	simm.s32 $0x1F00;
	s31 =	simm.s32 $0x3F00  }
0x18f: {  	[tilespmem:s31], [sflag:$0x1] =	stream.indirect.gather [hbm4b:s3+s17], $0x1, s6, s17, $0xb8;
	[tilespmem:$0x7400] =	vst v63  }
0x190: {  	s5 =	simm.s32 $0x1F80;
	s6 =	simm.s32 $0x3F80  }
0x191: {  	[tilespmem:s6], [sflag:$0x1] =	stream.indirect.gather [hbm4b:s3+s17], $0x1, s5, s17, $0xb8;
	[tilespmem:$0x7400] =	vst v63  }
0x192: {  	s31 =	simm.s32 $0x2000  }
0x193: {  	[tilespmem:s14], [sflag:$0x1] =	stream.indirect.gather [hbm4b:s3+s17], $0x1, s31, s17, $0xb8;
	[tilespmem:$0x7400] =	vst v63  }
0x194: {  	s1 =	simm.s32 $0x2080;
	s5 =	simm.s32 $0x4080  }
0x195: {  	[tilespmem:s5], [sflag:$0x1] =	stream.indirect.gather [hbm4b:s3+s17], $0x1, s1, s17, $0xb8;
	[tilespmem:$0x7400] =	vst v63  }
0x196: {  	s6 =	simm.s32 $0x2100;
	s31 =	simm.s32 $0x4100  }
0x197: {  	[tilespmem:s31], [sflag:$0x1] =	stream.indirect.gather [hbm4b:s3+s17], $0x1, s6, s17, $0xb8;
	[tilespmem:$0x7400] =	vst v63  }
0x198: {  	s1 =	simm.s32 $0x2180;
	s5 =	simm.s32 $0x4180  }
0x199: {  	[tilespmem:s5], [sflag:$0x1] =	stream.indirect.gather [hbm4b:s3+s17], $0x1, s1, s17, $0xb8;
	[tilespmem:$0x7400] =	vst v63  }
0x19a: {  	s6 =	simm.s32 $0x2200;
	s31 =	simm.s32 $0x4200  }
0x19b: {  	[tilespmem:s31], [sflag:$0x1] =	stream.indirect.gather [hbm4b:s3+s17], $0x1, s6, s17, $0xb8;
	[tilespmem:$0x7400] =	vst v63  }
0x19c: {  	s1 =	simm.s32 $0x2280;
	s5 =	simm.s32 $0x4280  }
0x19d: {  	[tilespmem:s5], [sflag:$0x1] =	stream.indirect.gather [hbm4b:s3+s17], $0x1, s1, s17, $0xb8;
	[tilespmem:$0x7400] =	vst v63  }
0x19e: {  	s6 =	simm.s32 $0x2300;
	s31 =	simm.s32 $0x4300  }
0x19f: {  	[tilespmem:s31], [sflag:$0x1] =	stream.indirect.gather [hbm4b:s3+s17], $0x1, s6, s17, $0xb8;
	[tilespmem:$0x7400] =	vst v63  }
0x1a0: {  	s1 =	simm.s32 $0x2380;
	s5 =	simm.s32 $0x4380  }
0x1a1: {  	[tilespmem:s5], [sflag:$0x1] =	stream.indirect.gather [hbm4b:s3+s17], $0x1, s1, s17, $0xb8;
	[tilespmem:$0x7400] =	vst v63  }
0x1a2: {  	_ =	swait.ge [sflag:s4], $0x800  }
0x1a3: {  	[sflag:s4] =	ssyncset.done $0x0  }
0x1a4: {  	s6 =	simm.s32 $0x2400;
	s31 =	simm.s32 $0x4400;
	[sflag:s4] =	ssyncadd.s32 $0xFFFFF800  }
0x1a5: {  	[tilespmem:s31], [sflag:$0x1] =	stream.indirect.gather [hbm4b:s3+s17], $0x1, s6, s17, $0xb8;
	[tilespmem:$0x7400] =	vst v63  }
0x1a6: {  	s1 =	simm.s32 $0x2480;
	s5 =	simm.s32 $0x4480  }
0x1a7: {  	[tilespmem:s5], [sflag:$0x1] =	stream.indirect.gather [hbm4b:s3+s17], $0x1, s1, s17, $0xb8;
	[tilespmem:$0x7400] =	vst v63  }
0x1a8: {  	s6 =	simm.s32 $0x2500;
	s31 =	simm.s32 $0x4500  }
0x1a9: {  	[tilespmem:s31], [sflag:$0x1] =	stream.indirect.gather [hbm4b:s3+s17], $0x1, s6, s17, $0xb8;
	[tilespmem:$0x7400] =	vst v63  }
0x1aa: {  	s1 =	simm.s32 $0x2580;
	s5 =	simm.s32 $0x4580  }
0x1ab: {  	[tilespmem:s5], [sflag:$0x1] =	stream.indirect.gather [hbm4b:s3+s17], $0x1, s1, s17, $0xb8;
	[tilespmem:$0x7400] =	vst v63  }
0x1ac: {  	s6 =	simm.s32 $0x2600;
	s31 =	simm.s32 $0x4600  }
0x1ad: {  	[tilespmem:s31], [sflag:$0x1] =	stream.indirect.gather [hbm4b:s3+s17], $0x1, s6, s17, $0xb8;
	[tilespmem:$0x7400] =	vst v63  }
0x1ae: {  	s1 =	simm.s32 $0x2680;
	s5 =	simm.s32 $0x4680  }
0x1af: {  	[tilespmem:s5], [sflag:$0x1] =	stream.indirect.gather [hbm4b:s3+s17], $0x1, s1, s17, $0xb8;
	[tilespmem:$0x7400] =	vst v63  }
0x1b0: {  	s6 =	simm.s32 $0x2700;
	s31 =	simm.s32 $0x4700  }
0x1b1: {  	[tilespmem:s31], [sflag:$0x1] =	stream.indirect.gather [hbm4b:s3+s17], $0x1, s6, s17, $0xb8;
	[tilespmem:$0x7400] =	vst v63  }
0x1b2: {  	s1 =	simm.s32 $0x2780;
	s5 =	simm.s32 $0x4780  }
0x1b3: {  	[tilespmem:s5], [sflag:$0x1] =	stream.indirect.gather [hbm4b:s3+s17], $0x1, s1, s17, $0xb8;
	[tilespmem:$0x7400] =	vst v63  }
0x1b4: {  	s6 =	simm.s32 $0x2800;
	s31 =	simm.s32 $0x4800  }
0x1b5: {  	[tilespmem:s31], [sflag:$0x1] =	stream.indirect.gather [hbm4b:s3+s17], $0x1, s6, s17, $0xb8;
	[tilespmem:$0x7400] =	vst v63  }
0x1b6: {  	s1 =	simm.s32 $0x2880;
	s5 =	simm.s32 $0x4880  }
0x1b7: {  	[tilespmem:s5], [sflag:$0x1] =	stream.indirect.gather [hbm4b:s3+s17], $0x1, s1, s17, $0xb8;
	[tilespmem:$0x7400] =	vst v63  }
0x1b8: {  	s6 =	simm.s32 $0x2900;
	s31 =	simm.s32 $0x4900  }
0x1b9: {  	[tilespmem:s31], [sflag:$0x1] =	stream.indirect.gather [hbm4b:s3+s17], $0x1, s6, s17, $0xb8;
	[tilespmem:$0x7400] =	vst v63  }
0x1ba: {  	s1 =	simm.s32 $0x2980;
	s5 =	simm.s32 $0x4980  }
0x1bb: {  	[tilespmem:s5], [sflag:$0x1] =	stream.indirect.gather [hbm4b:s3+s17], $0x1, s1, s17, $0xb8;
	[tilespmem:$0x7400] =	vst v63  }
0x1bc: {  	s6 =	simm.s32 $0x2A00;
	s31 =	simm.s32 $0x4A00  }
0x1bd: {  	[tilespmem:s31], [sflag:$0x1] =	stream.indirect.gather [hbm4b:s3+s17], $0x1, s6, s17, $0xb8;
	[tilespmem:$0x7400] =	vst v63  }
0x1be: {  	s1 =	simm.s32 $0x2A80;
	s5 =	simm.s32 $0x4A80  }
0x1bf: {  	[tilespmem:s5], [sflag:$0x1] =	stream.indirect.gather [hbm4b:s3+s17], $0x1, s1, s17, $0xb8;
	[tilespmem:$0x7400] =	vst v63  }
0x1c0: {  	s6 =	simm.s32 $0x2B00;
	s31 =	simm.s32 $0x4B00  }
0x1c1: {  	[tilespmem:s31], [sflag:$0x1] =	stream.indirect.gather [hbm4b:s3+s17], $0x1, s6, s17, $0xb8;
	[tilespmem:$0x7400] =	vst v63  }
0x1c2: {  	s1 =	simm.s32 $0x2B80;
	s5 =	simm.s32 $0x4B80  }
0x1c3: {  	[tilespmem:s5], [sflag:$0x1] =	stream.indirect.gather [hbm4b:s3+s17], $0x1, s1, s17, $0xb8;
	[tilespmem:$0x7400] =	vst v63  }
0x1c4: {  	_ =	swait.ge [sflag:s4], $0x800  }
0x1c5: {  	[sflag:s4] =	ssyncset.done $0x0  }
0x1c6: {  	s6 =	simm.s32 $0x2C00;
	s31 =	simm.s32 $0x4C00;
	[sflag:s4] =	ssyncadd.s32 $0xFFFFF800  }
0x1c7: {  	[tilespmem:s31], [sflag:$0x1] =	stream.indirect.gather [hbm4b:s3+s17], $0x1, s6, s17, $0xb8;
	[tilespmem:$0x7400] =	vst v63  }
0x1c8: {  	s1 =	simm.s32 $0x2C80;
	s5 =	simm.s32 $0x4C80  }
0x1c9: {  	[tilespmem:s5], [sflag:$0x1] =	stream.indirect.gather [hbm4b:s3+s17], $0x1, s1, s17, $0xb8;
	[tilespmem:$0x7400] =	vst v63  }
0x1ca: {  	s6 =	simm.s32 $0x2D00;
	s31 =	simm.s32 $0x4D00  }
0x1cb: {  	[tilespmem:s31], [sflag:$0x1] =	stream.indirect.gather [hbm4b:s3+s17], $0x1, s6, s17, $0xb8;
	[tilespmem:$0x7400] =	vst v63  }
0x1cc: {  	s1 =	simm.s32 $0x2D80;
	s5 =	simm.s32 $0x4D80  }
0x1cd: {  	[tilespmem:s5], [sflag:$0x1] =	stream.indirect.gather [hbm4b:s3+s17], $0x1, s1, s17, $0xb8;
	[tilespmem:$0x7400] =	vst v63  }
0x1ce: {  	s6 =	simm.s32 $0x2E00;
	s31 =	simm.s32 $0x4E00  }
0x1cf: {  	[tilespmem:s31], [sflag:$0x1] =	stream.indirect.gather [hbm4b:s3+s17], $0x1, s6, s17, $0xb8;
	[tilespmem:$0x7400] =	vst v63  }
0x1d0: {  	s1 =	simm.s32 $0x2E80;
	s5 =	simm.s32 $0x4E80  }
0x1d1: {  	[tilespmem:s5], [sflag:$0x1] =	stream.indirect.gather [hbm4b:s3+s17], $0x1, s1, s17, $0xb8;
	[tilespmem:$0x7400] =	vst v63  }
0x1d2: {  	s6 =	simm.s32 $0x2F00;
	s31 =	simm.s32 $0x4F00  }
0x1d3: {  	[tilespmem:s31], [sflag:$0x1] =	stream.indirect.gather [hbm4b:s3+s17], $0x1, s6, s17, $0xb8;
	[tilespmem:$0x7400] =	vst v63  }
0x1d4: {  	s5 =	simm.s32 $0x2F80;
	s6 =	simm.s32 $0x4F80  }
0x1d5: {  	[tilespmem:s6], [sflag:$0x1] =	stream.indirect.gather [hbm4b:s3+s17], $0x1, s5, s17, $0xb8;
	[tilespmem:$0x7400] =	vst v63  }
0x1d6: {  	_ = 	snop  }
0x1d7: {  	[tilespmem:s8], [sflag:$0x1] =	stream.indirect.gather [hbm4b:s3+s17], $0x1, s7, s17, $0xb8;
	[tilespmem:$0x7400] =	vst v63  }
0x1d8: {  	_ = 	snop  }
0x1d9: {  	[tilespmem:s10], [sflag:$0x1] =	stream.indirect.gather [hbm4b:s3+s17], $0x1, s9, s17, $0xb8;
	[tilespmem:$0x7400] =	vst v63  }
0x1da: {  	_ = 	snop  }
0x1db: {  	[tilespmem:s2], [sflag:$0x1] =	stream.indirect.gather [hbm4b:s3+s17], $0x1, s12, s17, $0xb8;
	[tilespmem:$0x7400] =	vst v63  }
0x1dc: {  	_ = 	snop  }
0x1dd: {  	[tilespmem:s18], [sflag:$0x1] =	stream.indirect.gather [hbm4b:s3+s17], $0x1, s16, s17, $0xb8;
	[tilespmem:$0x7400] =	vst v63  }
0x1de: {  	_ = 	snop  }
0x1df: {  	[tilespmem:s21], [sflag:$0x1] =	stream.indirect.gather [hbm4b:s3+s17], $0x1, s20, s17, $0xb8;
	[tilespmem:$0x7400] =	vst v63  }
0x1e0: {  	_ = 	snop  }
0x1e1: {  	[tilespmem:s23], [sflag:$0x1] =	stream.indirect.gather [hbm4b:s3+s17], $0x1, s22, s17, $0xb8;
	[tilespmem:$0x7400] =	vst v63  }
0x1e2: {  	_ = 	snop  }
0x1e3: {  	[tilespmem:s25], [sflag:$0x1] =	stream.indirect.gather [hbm4b:s3+s17], $0x1, s24, s17, $0xb8;
	[tilespmem:$0x7400] =	vst v63  }
0x1e4: {  	_ = 	snop  }
0x1e5: {  	[tilespmem:s28], [sflag:$0x1] =	stream.indirect.gather [hbm4b:s3+s17], $0x1, s26, s17, $0xb8;
	[tilespmem:$0x7400] =	vst v63  }
0x1e6: {  	_ =	swait.ge [sflag:s4], $0x800  }
0x1e7: {  	[sflag:s4] =	ssyncset.done $0x0  }
0x1e8: {  	[sflag:s4] =	ssyncadd.s32 $0xFFFFF800  }
0x1e9: {  	s31 =	sshll.u32 s30, $0xF;
	s30 =	sadd.s32 $0x1, s30;
	_ =	swait.ge [sflag:s4], $0x800  }
0x1ea: {  	p0 =	sne.s32 s30, $0xA;
	[sflag:s4] =	ssyncset.done $0x0  }
.Ltmp2:
0x1eb: {  	s0 =	sadd.s32 s31, s11;
	[sflag:s4] =	ssyncadd.s32 $0xFFFFF800;
	(pc) =	sbr.rel @p0 .LBB2_4-.Ltmp2, $4  }
0x1ec: {  	[hbm4b:s0+s13] =	stream.strided.scatter [tilespmem:s19], [sflag:$0x2], $0x2000, s14, s13, $0x38;
	[tilespmem:$0x7400] =	vst v63  }
0x1ed: {  	_ =	swait.ge [sflag:s15], $0x2000  }
0x1ee: {  	[sflag:s15] =	ssyncset.done $0x0  }
0x1ef: {  	s29 =	sadd.s32 $0x186A00, s29;
	[sflag:s15] =	ssyncadd.s32 $0xFFFFE000  }
0x1f0: {  	s1 =	rddreg [dreg:$0xa]  }
0x1f1: {  	s0 =	rddreg [dreg:$0x9];
	s1 =	sadd.s32 $0x1, s1  }
0x1f2: {  	p0 =	sne.s32 s1, s0  }
.Ltmp3:
0x1f3: {  	_ = 	snop;
	(pc) =	sbr.rel @p0 .LBB2_1-.Ltmp3, $1  }
0x1f4: {  	_ =	sdelay $0x3  }
0x1f5: {  	_ =	sfence.sel $0x180000  }
0x1f6: {  	[bflag:$0x0] =	sbarrier.arrive $0xFFFF  }
0x1f7: {  	_ =	strace $0x9000004A  }
0x1f8: {  	s0 =	stileid.u32;
	[bflag:$0x2] =	sbarrier.arrive $0xFFFF  }
0x1f9: {  	p0 =	sne.s32 s0, $0x0;
	s0 =	rddreg [dreg:$0x1]  }
0x1fa: {  	s0 =	sadd.s32 @!p0 $0x100000, s0  }
0x1fb: {  	[sflag:s0] =	ssyncadd.tile.s32 @!p0 $0x1;
	_ =	shalt  }
.Lfunc_end2:
_tile_overlayer_lowered:
.L_overlay_start_2:
0x1fc: {  	(tag) =	ssettag $0x2  }
0x1fd: {  	s0 =	rddreg [dreg:$0x0];
	s2 =	stileid.u32  }
0x1fe: {  	s1 =	rddreg [dreg:$0x1];
	p0 =	sne.s32 s2, $0x0  }
0x1ff: {  	s3 =	rddreg [dreg:$0x2];
	[bflag:$0x3] =	sbarrier.arrive $0xFFFF;
	s2 =	simm.s32 @!p0 $0x1C02  }
0x200: {  	[timem:s3], [sflag:s2] =	dma.local @!p0 [hbm:s0], s1  }
0x201: {  	s0 =	simm.s32 @!p0 $0x2  }
0x202: {  	_ =	swait.ge @!p0 [sflag:s0], s1  }
0x203: {  	s1 =	ssub.s32 @!p0 $0x0, s1;
	[sflag:s0] =	ssyncset.done @!p0 $0x0  }
0x204: {  	[sflag:s0] =	ssyncadd.s32 @!p0 s1  }
0x205: {  	[bflag:$0x3] =	sbarrier.arrive $0xFFFF  }
0x206: {  	_ =	shalt  }

</sc_bundles>
